<compile_context>
chip_gen: v7x
topology: tpu7x:2x2x1
jax: 0.10.2.dev20260603
libtpu: 0.0.44.dev20260713+nightly
codegen_flags: <defaults>
</compile_context>

<pallas_src>
import functools

import jax
import jax.numpy as jnp
from jax import lax
from jax.experimental import pallas as pl
from jax.experimental.pallas import tpu as pltpu
from jax.experimental.pallas import tpu_sc as plsc

N = 10000
E = 320000
EROWS = 2560
EPAD = EROWS * 128
ACC = 10240
DUMMY = N
IN_DIM = 128
HID = 256
OUT_DIM = 128



def _sweep_block(h_ref, src_v, dst_v, rows_a, rows_b, acc, sems, npairs):
    ga, gb, sa, sb = sems
    pltpu.async_copy(h_ref.at[src_v.at[0]], rows_a, ga)

    def pair(k, carry):
        j0 = 2 * k
        pltpu.make_async_copy(h_ref.at[src_v.at[j0]], rows_a, ga).wait()
        pltpu.async_copy(rows_a, acc.at[dst_v.at[j0]], sa, add=True)

        @pl.when(k > 0)
        def _():
            pltpu.make_async_copy(rows_b, acc.at[dst_v.at[j0]], sb).wait()

        pltpu.async_copy(h_ref.at[src_v.at[j0 + 1]], rows_b, gb)
        pltpu.make_async_copy(h_ref.at[src_v.at[j0 + 1]], rows_b, gb).wait()
        pltpu.async_copy(rows_b, acc.at[dst_v.at[j0 + 1]], sb, add=True)
        pltpu.make_async_copy(rows_a, acc.at[dst_v.at[j0]], sa).wait()

        @pl.when(k < npairs - 1)
        def _():
            pltpu.async_copy(h_ref.at[src_v.at[j0 + 2]], rows_a, ga)

        return carry

    lax.fori_loop(0, npairs, pair, 0)
    pltpu.make_async_copy(rows_b, acc.at[dst_v.at[0]], sb).wait()


@functools.cache
def _sc_kernels():
    mesh = plsc.VectorSubcoreMesh(
        core_axis_name="c", subcore_axis_name="s", num_cores=2, num_subcores=16
    )

    @functools.partial(
        pl.kernel,
        out_type=jax.ShapeDtypeStruct((2 * ACC,), jnp.float32),
        mesh=mesh,
        scratch_types=[
            pltpu.VMEM((80, 128), jnp.int32),
            pltpu.VMEM((128,), jnp.float32),
            pltpu.VMEM_SHARED((ACC,), jnp.float32),
        ],
    )
    def sc_degree(dst2d, z1, dp, dst_v, ones_v, acc):
        c = lax.axis_index("c")
        s = lax.axis_index("s")
        for k in range(8):
            ones_v[pl.ds(k * 16, 16)] = jnp.ones((16,), jnp.float32)
        pltpu.sync_copy(z1.at[pl.ds(s * 640, 640)], acc.at[pl.ds(s * 640, 640)])
        pltpu.sync_copy(dst2d.at[pl.ds(c * 1280 + s * 80, 80)], dst_v)
        plsc.subcore_barrier()

        def step(j, carry):
            pltpu.sync_copy(ones_v, acc.at[dst_v.at[j]], add=True)
            return carry

        lax.fori_loop(0, 80, step, 0)
        plsc.subcore_barrier()
        pltpu.sync_copy(
            acc.at[pl.ds(s * 640, 640)], dp.at[pl.ds(c * ACC + s * 640, 640)]
        )

    @functools.partial(
        pl.kernel,
        out_type=[jax.ShapeDtypeStruct((ACC, 128), jnp.float32)] * 2,
        mesh=mesh,
        scratch_types=[
            pltpu.VMEM((40, 128), jnp.int32),
            pltpu.VMEM((40, 128), jnp.int32),
            pltpu.VMEM((128, 128), jnp.float32),
            pltpu.VMEM((128, 128), jnp.float32),
            pltpu.VMEM_SHARED((ACC, 128), jnp.float32),
            pltpu.SemaphoreType.DMA,
            pltpu.SemaphoreType.DMA,
            pltpu.SemaphoreType.DMA,
            pltpu.SemaphoreType.DMA,
        ],
    )
    def sc_agg2(
        hlo, hhi, src2d, dst2d, z2, olo, ohi,
        src_v, dst_v, rows_a, rows_b, acc, ga, gb, sa, sb
    ):
        c = lax.axis_index("c")
        s = lax.axis_index("s")
        pltpu.sync_copy(z2.at[pl.ds(s * 640, 640)], acc.at[pl.ds(s * 640, 640)])
        plsc.subcore_barrier()

        def run(h_ref):
            def outer(b, carry):
                pltpu.sync_copy(src2d.at[pl.ds(s * 160 + b * 40, 40)], src_v)
                pltpu.sync_copy(dst2d.at[pl.ds(s * 160 + b * 40, 40)], dst_v)
                _sweep_block(h_ref, src_v, dst_v, rows_a, rows_b, acc, (ga, gb, sa, sb), 20)
                return carry

            lax.fori_loop(0, 4, outer, 0)

        pl.when(c == 0)(lambda: run(hlo))
        pl.when(c == 1)(lambda: run(hhi))
        plsc.subcore_barrier()

        def wout(o_ref):
            pltpu.sync_copy(
                acc.at[pl.ds(s * 640, 640)], o_ref.at[pl.ds(s * 640, 640)]
            )

        pl.when(c == 0)(lambda: wout(olo))
        pl.when(c == 1)(lambda: wout(ohi))

    @functools.partial(
        pl.kernel,
        out_type=jax.ShapeDtypeStruct((2, ACC, 128), jnp.float32),
        mesh=mesh,
        scratch_types=[
            pltpu.VMEM((40, 128), jnp.int32),
            pltpu.VMEM((40, 128), jnp.int32),
            pltpu.VMEM((128, 128), jnp.float32),
            pltpu.VMEM((128, 128), jnp.float32),
            pltpu.VMEM_SHARED((ACC, 128), jnp.float32),
            pltpu.SemaphoreType.DMA,
            pltpu.SemaphoreType.DMA,
            pltpu.SemaphoreType.DMA,
            pltpu.SemaphoreType.DMA,
        ],
    )
    def sc_aggp(
        h, h2, src2d, dst2d, z2, op, src_v, dst_v, rows_a, rows_b, acc, ga, gb, sa, sb
    ):
        c = lax.axis_index("c")
        s = lax.axis_index("s")
        pltpu.sync_copy(z2.at[pl.ds(s * 640, 640)], acc.at[pl.ds(s * 640, 640)])
        plsc.subcore_barrier()

        def run(h_ref, base0):
            def outer(b, carry):
                base = s * 160 + b * 80 + base0
                pltpu.sync_copy(src2d.at[pl.ds(base, 40)], src_v)
                pltpu.sync_copy(dst2d.at[pl.ds(base, 40)], dst_v)
                _sweep_block(
                    h_ref, src_v, dst_v, rows_a, rows_b, acc, (ga, gb, sa, sb), 20
                )
                return carry

            lax.fori_loop(0, 2, outer, 0)

        pl.when(c == 0)(lambda: run(h, 0))
        pl.when(c == 1)(lambda: run(h2, 40))
        plsc.subcore_barrier()
        pltpu.sync_copy(acc.at[pl.ds(s * 640, 640)], op.at[c, pl.ds(s * 640, 640)])

    return sc_degree, sc_agg2, sc_aggp


BM = 1000
GRID = N // BM


def _k1_body(x_b, w_b, d0_b, d1_b, tlo_b, thi_b, dinv_b):
    dinv = lax.rsqrt(1.0 + d0_b[...] + d1_b[...])
    t = dinv * jnp.dot(x_b[...], w_b[...], preferred_element_type=jnp.float32)
    tlo_b[...] = t[:, :128]
    thi_b[...] = t[:, 128:]
    dinv_b[...] = dinv


_k1 = pl.pallas_call(
    _k1_body,
    grid=(GRID,),
    in_specs=[
        pl.BlockSpec((BM, IN_DIM), lambda i: (i, 0)),
        pl.BlockSpec((IN_DIM, HID), lambda i: (0, 0)),
        pl.BlockSpec((BM, 1), lambda i: (i, 0)),
        pl.BlockSpec((BM, 1), lambda i: (i, 0)),
    ],
    out_specs=[
        pl.BlockSpec((BM, 128), lambda i: (i, 0)),
        pl.BlockSpec((BM, 128), lambda i: (i, 0)),
        pl.BlockSpec((BM, 1), lambda i: (i, 0)),
    ],
    out_shape=[
        jax.ShapeDtypeStruct((N, 128), jnp.float32),
        jax.ShapeDtypeStruct((N, 128), jnp.float32),
        jax.ShapeDtypeStruct((N, 1), jnp.float32),
    ],
)


def _k2_body(slo, shi, tlo, thi, dinv_b, b_b, w_b, olo, ohi):
    dinv = dinv_b[...]
    agg = jnp.concatenate([slo[...] + tlo[...], shi[...] + thi[...]], axis=1)
    u = jnp.maximum(dinv * agg + b_b[...], 0.0)
    o = dinv * jnp.dot(u, w_b[...], preferred_element_type=jnp.float32)
    olo[...] = o[:, :128]
    ohi[...] = o[:, 128:]


_k2 = pl.pallas_call(
    _k2_body,
    grid=(GRID,),
    in_specs=[
        pl.BlockSpec((BM, 128), lambda i: (i, 0)),
        pl.BlockSpec((BM, 128), lambda i: (i, 0)),
        pl.BlockSpec((BM, 128), lambda i: (i, 0)),
        pl.BlockSpec((BM, 128), lambda i: (i, 0)),
        pl.BlockSpec((BM, 1), lambda i: (i, 0)),
        pl.BlockSpec((1, HID), lambda i: (0, 0)),
        pl.BlockSpec((HID, HID), lambda i: (0, 0)),
    ],
    out_specs=[
        pl.BlockSpec((BM, 128), lambda i: (i, 0)),
        pl.BlockSpec((BM, 128), lambda i: (i, 0)),
    ],
    out_shape=[
        jax.ShapeDtypeStruct((N, 128), jnp.float32),
        jax.ShapeDtypeStruct((N, 128), jnp.float32),
    ],
)


def _k3_body(slo, shi, tlo, thi, dinv_b, b_b, w_b, o_b, o2_b):
    dinv = dinv_b[...]
    agg = jnp.concatenate([slo[...] + tlo[...], shi[...] + thi[...]], axis=1)
    u = jnp.maximum(dinv * agg + b_b[...], 0.0)
    o = dinv * jnp.dot(u, w_b[...], preferred_element_type=jnp.float32)
    o_b[...] = o
    o2_b[...] = o


_k3 = pl.pallas_call(
    _k3_body,
    grid=(GRID,),
    in_specs=[
        pl.BlockSpec((BM, 128), lambda i: (i, 0)),
        pl.BlockSpec((BM, 128), lambda i: (i, 0)),
        pl.BlockSpec((BM, 128), lambda i: (i, 0)),
        pl.BlockSpec((BM, 128), lambda i: (i, 0)),
        pl.BlockSpec((BM, 1), lambda i: (i, 0)),
        pl.BlockSpec((1, HID), lambda i: (0, 0)),
        pl.BlockSpec((HID, OUT_DIM), lambda i: (0, 0)),
    ],
    out_specs=[pl.BlockSpec((BM, OUT_DIM), lambda i: (i, 0))] * 2,
    out_shape=[jax.ShapeDtypeStruct((N, OUT_DIM), jnp.float32)] * 2,
)


def _k4_body(p0, p1, t3, dinv_b, b_b, o_b):
    o_b[...] = dinv_b[...] * (p0[...] + p1[...] + t3[...]) + b_b[...]


_k4 = pl.pallas_call(
    _k4_body,
    grid=(GRID,),
    in_specs=[
        pl.BlockSpec((BM, OUT_DIM), lambda i: (i, 0)),
        pl.BlockSpec((BM, OUT_DIM), lambda i: (i, 0)),
        pl.BlockSpec((BM, OUT_DIM), lambda i: (i, 0)),
        pl.BlockSpec((BM, 1), lambda i: (i, 0)),
        pl.BlockSpec((1, OUT_DIM), lambda i: (0, 0)),
    ],
    out_specs=pl.BlockSpec((BM, OUT_DIM), lambda i: (i, 0)),
    out_shape=jax.ShapeDtypeStruct((N, OUT_DIM), jnp.float32),
)


def kernel(x, edge_index, W1, b1, W2, b2, W3, b3):
    sc_degree, sc_agg2, sc_aggp = _sc_kernels()
    ei = edge_index.astype(jnp.int32)
    pad = EPAD - E
    src2d = jnp.concatenate([ei[0], jnp.zeros((pad,), jnp.int32)]).reshape(EROWS, 128)
    pad_dst = DUMMY + jnp.arange(pad, dtype=jnp.int32) % (ACC - N)
    dst2d = jnp.concatenate([ei[1], pad_dst]).reshape(EROWS, 128)
    z1 = jnp.zeros((ACC,), jnp.float32)
    z2 = jnp.zeros((ACC, 128), jnp.float32)

    dp = sc_degree(dst2d, z1)
    d0 = dp[:N].reshape(N, 1)
    d1 = dp[ACC:ACC + N].reshape(N, 1)

    t1lo, t1hi, dinv = _k1(x, W1, d0, d1)
    s1lo, s1hi = sc_agg2(t1lo, t1hi, src2d, dst2d, z2)
    t2lo, t2hi = _k2(s1lo, s1hi, t1lo, t1hi, dinv, b1.reshape(1, HID), W2)
    s2lo, s2hi = sc_agg2(t2lo, t2hi, src2d, dst2d, z2)
    t3, t3b = _k3(s2lo, s2hi, t2lo, t2hi, dinv, b2.reshape(1, HID), W3)
    p = sc_aggp(t3, t3b, src2d, dst2d, z2)
    out = _k4(p[0], p[1], t3, dinv, b3.reshape(1, OUT_DIM))
    return out

# --- scband reference (transcript-rebuilt; emitter-appended) ---
"""Pipeline reference for scband-ia-cgnn-49658411877103 (READ-ONLY COPY).

The authoritative reference and input builder live on the scoring server;
editing this copy changes nothing except your own understanding.
"""

import jax, jax.numpy as jnp
import numpy as np

N_NODES = 10000
N_EDGES = 320000
IN_DIM = 128
HID_DIM = 256
OUT_DIM = 128

def setup_inputs(seed: int = 0) -> dict:
    key = jax.random.key(seed)
    ks = jax.random.split(key, 8)
    x = jax.random.normal(ks[0], (N_NODES, IN_DIM), dtype=jnp.float32)
    edge_index = jax.random.randint(ks[1], (2, N_EDGES), 0, N_NODES, dtype=jnp.int64)
    # GCNConv params (weights stored as (in, out); PyG applies x @ W.T with W (out,in) -- equivalent)
    W1 = jax.random.normal(ks[2], (IN_DIM, HID_DIM), dtype=jnp.float32) / np.sqrt(IN_DIM)
    b1 = jnp.zeros((HID_DIM,), dtype=jnp.float32)
    W2 = jax.random.normal(ks[3], (HID_DIM, HID_DIM), dtype=jnp.float32) / np.sqrt(HID_DIM)
    b2 = jnp.zeros((HID_DIM,), dtype=jnp.float32)
    W3 = jax.random.normal(ks[4], (HID_DIM, OUT_DIM), dtype=jnp.float32) / np.sqrt(HID_DIM)
    b3 = jnp.zeros((OUT_DIM,), dtype=jnp.float32)
    return {"x": x, "edge_index": edge_index, "W1": W1, "b1": b1, "W2": W2, "b2": b2, "W3": W3, "b3": b3}

def _gcn_conv(x, src, dst, norm, W, b, num_nodes):
    # x' = D^{-1/2} (A + I) D^{-1/2} (x W) + b  (self-loops already folded into src/dst/norm)
    h = x @ W
    msg = h[src] * norm[:, None]
    out = jnp.zeros((num_nodes, h.shape[1]), dtype=h.dtype).at[dst].add(msg)
    return out + b

def reference(x, edge_index, W1, b1, W2, b2, W3, b3):
    num_nodes = x.shape[0]
    loop = jnp.arange(num_nodes, dtype=edge_index.dtype)
    src = jnp.concatenate([edge_index[0], loop])
    dst = jnp.concatenate([edge_index[1], loop])
    # symmetric normalization with self-loops (PyG GCNConv default)
    deg = jnp.zeros((num_nodes,), dtype=jnp.float32).at[dst].add(1.0)
    dinv = jnp.where(deg > 0, jax.lax.rsqrt(deg), 0.0)
    norm = dinv[src] * dinv[dst]
    h = jax.nn.relu(_gcn_conv(x, src, dst, norm, W1, b1, num_nodes))
    # dropout(p=0.2) is identity in eval mode
    h = jax.nn.relu(_gcn_conv(h, src, dst, norm, W2, b2, num_nodes))
    out = _gcn_conv(h, src, dst, norm, W3, b3, num_nodes)
    return out

if __name__ == "__main__":
    import jax
    _d = setup_inputs()
    print(jax.jit(kernel)(*tuple(_d.values())))

</pallas_src>

<mosaic_0001>
#map = affine_map<(d0, d1) -> (0, 0)>
#map1 = affine_map<(d0, d1) -> (0)>
module attributes {stable_mosaic.version = 14 : i64} {
  func.func @sc_degree(%arg0: i32, %arg1: i32, %arg2: memref<2560x128xi32, #tpu.memory_space<hbm>>, %arg3: memref<10240xf32, #tpu.memory_space<hbm>>, %arg4: memref<20480xf32, #tpu.memory_space<hbm>>, %arg5: memref<80x128xi32, #tpu.memory_space<vmem>>, %arg6: memref<128xf32, #tpu.memory_space<vmem>>, %arg7: memref<10240xf32, #tpu.memory_space<vmem_shared>>) attributes {dimension_semantics = [#tpu.dimension_semantics<core_parallel>, #tpu.dimension_semantics<subcore_parallel>], iteration_bounds = array<i64: 2, 16>, scalar_prefetch = 0 : i64, scratch_operands = 3 : i64, tpu.core_type = #tpu.core_type<sc_vector_subcore>, window_params = [{transform_indices = #map}, {transform_indices = #map1}, {transform_indices = #map1}]} {
    %broadcast_in_dim3A = arith.constant 1.000000e+00 : f32
    %broadcast_in_dim3A_0 = vector.broadcast %broadcast_in_dim3A : f32 to vector<16xf32>
    %swap3A = arith.constant 0 : index
    %swap3A_1 = tpu.vector_load %arg6[%swap3A] {strides = array<i32>} : memref<128xf32, #tpu.memory_space<vmem>>, vector<16xf32>,
    %swap3A_2 = vector.shape_cast %swap3A_1 : vector<16xf32> to vector<16xf32>
    %swap3A_3 = vector.shape_cast %broadcast_in_dim3A_0 : vector<16xf32> to vector<16xf32>
    tpu.vector_store %arg6[%swap3A], %swap3A_3 {strides = array<i32>} : memref<128xf32, #tpu.memory_space<vmem>>, vector<16xf32>,
    %broadcast_in_dim3A_4 = arith.constant 1.000000e+00 : f32
    %broadcast_in_dim3A_5 = vector.broadcast %broadcast_in_dim3A_4 : f32 to vector<16xf32>
    %swap3A_6 = arith.constant 16 : index
    %swap3A_7 = tpu.vector_load %arg6[%swap3A_6] {strides = array<i32>} : memref<128xf32, #tpu.memory_space<vmem>>, vector<16xf32>,
    %swap3A_8 = vector.shape_cast %swap3A_7 : vector<16xf32> to vector<16xf32>
    %swap3A_9 = vector.shape_cast %broadcast_in_dim3A_5 : vector<16xf32> to vector<16xf32>
    tpu.vector_store %arg6[%swap3A_6], %swap3A_9 {strides = array<i32>} : memref<128xf32, #tpu.memory_space<vmem>>, vector<16xf32>,
    %broadcast_in_dim3A_10 = arith.constant 1.000000e+00 : f32
    %broadcast_in_dim3A_11 = vector.broadcast %broadcast_in_dim3A_10 : f32 to vector<16xf32>
    %swap3A_12 = arith.constant 32 : index
    %swap3A_13 = tpu.vector_load %arg6[%swap3A_12] {strides = array<i32>} : memref<128xf32, #tpu.memory_space<vmem>>, vector<16xf32>,
    %swap3A_14 = vector.shape_cast %swap3A_13 : vector<16xf32> to vector<16xf32>
    %swap3A_15 = vector.shape_cast %broadcast_in_dim3A_11 : vector<16xf32> to vector<16xf32>
    tpu.vector_store %arg6[%swap3A_12], %swap3A_15 {strides = array<i32>} : memref<128xf32, #tpu.memory_space<vmem>>, vector<16xf32>,
    %broadcast_in_dim3A_16 = arith.constant 1.000000e+00 : f32
    %broadcast_in_dim3A_17 = vector.broadcast %broadcast_in_dim3A_16 : f32 to vector<16xf32>
    %swap3A_18 = arith.constant 48 : index
    %swap3A_19 = tpu.vector_load %arg6[%swap3A_18] {strides = array<i32>} : memref<128xf32, #tpu.memory_space<vmem>>, vector<16xf32>,
    %swap3A_20 = vector.shape_cast %swap3A_19 : vector<16xf32> to vector<16xf32>
    %swap3A_21 = vector.shape_cast %broadcast_in_dim3A_17 : vector<16xf32> to vector<16xf32>
    tpu.vector_store %arg6[%swap3A_18], %swap3A_21 {strides = array<i32>} : memref<128xf32, #tpu.memory_space<vmem>>, vector<16xf32>,
    %broadcast_in_dim3A_22 = arith.constant 1.000000e+00 : f32
    %broadcast_in_dim3A_23 = vector.broadcast %broadcast_in_dim3A_22 : f32 to vector<16xf32>
    %swap3A_24 = arith.constant 64 : index
    %swap3A_25 = tpu.vector_load %arg6[%swap3A_24] {strides = array<i32>} : memref<128xf32, #tpu.memory_space<vmem>>, vector<16xf32>,
    %swap3A_26 = vector.shape_cast %swap3A_25 : vector<16xf32> to vector<16xf32>
    %swap3A_27 = vector.shape_cast %broadcast_in_dim3A_23 : vector<16xf32> to vector<16xf32>
    tpu.vector_store %arg6[%swap3A_24], %swap3A_27 {strides = array<i32>} : memref<128xf32, #tpu.memory_space<vmem>>, vector<16xf32>,
    %broadcast_in_dim3A_28 = arith.constant 1.000000e+00 : f32
    %broadcast_in_dim3A_29 = vector.broadcast %broadcast_in_dim3A_28 : f32 to vector<16xf32>
    %swap3A_30 = arith.constant 80 : index
    %swap3A_31 = tpu.vector_load %arg6[%swap3A_30] {strides = array<i32>} : memref<128xf32, #tpu.memory_space<vmem>>, vector<16xf32>,
    %swap3A_32 = vector.shape_cast %swap3A_31 : vector<16xf32> to vector<16xf32>
    %swap3A_33 = vector.shape_cast %broadcast_in_dim3A_29 : vector<16xf32> to vector<16xf32>
    tpu.vector_store %arg6[%swap3A_30], %swap3A_33 {strides = array<i32>} : memref<128xf32, #tpu.memory_space<vmem>>, vector<16xf32>,
    %broadcast_in_dim3A_34 = arith.constant 1.000000e+00 : f32
    %broadcast_in_dim3A_35 = vector.broadcast %broadcast_in_dim3A_34 : f32 to vector<16xf32>
    %swap3A_36 = arith.constant 96 : index
    %swap3A_37 = tpu.vector_load %arg6[%swap3A_36] {strides = array<i32>} : memref<128xf32, #tpu.memory_space<vmem>>, vector<16xf32>,
    %swap3A_38 = vector.shape_cast %swap3A_37 : vector<16xf32> to vector<16xf32>
    %swap3A_39 = vector.shape_cast %broadcast_in_dim3A_35 : vector<16xf32> to vector<16xf32>
    tpu.vector_store %arg6[%swap3A_36], %swap3A_39 {strides = array<i32>} : memref<128xf32, #tpu.memory_space<vmem>>, vector<16xf32>,
    %broadcast_in_dim3A_40 = arith.constant 1.000000e+00 : f32
    %broadcast_in_dim3A_41 = vector.broadcast %broadcast_in_dim3A_40 : f32 to vector<16xf32>
    %swap3A_42 = arith.constant 112 : index
    %swap3A_43 = tpu.vector_load %arg6[%swap3A_42] {strides = array<i32>} : memref<128xf32, #tpu.memory_space<vmem>>, vector<16xf32>,
    %swap3A_44 = vector.shape_cast %swap3A_43 : vector<16xf32> to vector<16xf32>
    %swap3A_45 = vector.shape_cast %broadcast_in_dim3A_41 : vector<16xf32> to vector<16xf32>
    tpu.vector_store %arg6[%swap3A_42], %swap3A_45 {strides = array<i32>} : memref<128xf32, #tpu.memory_space<vmem>>, vector<16xf32>,
    %mul3A = arith.constant 640 : i32
    %mul3A_46 = arith.muli %arg1, %mul3A : i32
    %mul3A_47 = arith.constant 640 : i32
    %mul3A_48 = arith.muli %arg1, %mul3A_47 : i32
    "tpu.region"() ({
      %run_scoped3A = tpu.sem_alloc : memref<!tpu.dma_semaphore, #tpu.memory_space<semaphore_mem>>
      %dma_start3A = tpu.memref_slice %arg7[%mul3A_48] : memref<10240xf32, #tpu.memory_space<vmem_shared>> -> memref<640xf32, #tpu.memory_space<vmem_shared>>
      %dma_start3A_66 = tpu.memref_slice %arg3[%mul3A_46] : memref<10240xf32, #tpu.memory_space<hbm>> -> memref<640xf32, #tpu.memory_space<hbm>>
      tpu.enqueue_dma source(%dma_start3A_66 : memref<640xf32, #tpu.memory_space<hbm>>) target(%dma_start3A : memref<640xf32, #tpu.memory_space<vmem_shared>>) target_semaphore(%run_scoped3A : memref<!tpu.dma_semaphore, #tpu.memory_space<semaphore_mem>>)
      %dma_wait3A = tpu.memref_slice %arg7[%mul3A_48] : memref<10240xf32, #tpu.memory_space<vmem_shared>> -> memref<640xf32, #tpu.memory_space<vmem_shared>>
      %dma_wait3A_67 = tpu.memref_slice %arg3[%mul3A_46] : memref<10240xf32, #tpu.memory_space<hbm>> -> memref<640xf32, #tpu.memory_space<hbm>>
      tpu.wait_dma2 semaphore(%run_scoped3A : memref<!tpu.dma_semaphore, #tpu.memory_space<semaphore_mem>>) src(%dma_wait3A_67 : memref<640xf32, #tpu.memory_space<hbm>>) dst(%dma_wait3A : memref<640xf32, #tpu.memory_space<vmem_shared>>)
      tpu.yield
    }) : () -> ()
    %mul3A_49 = arith.constant 1280 : i32
    %mul3A_50 = arith.muli %arg0, %mul3A_49 : i32
    %mul3A_51 = arith.constant 80 : i32
    %mul3A_52 = arith.muli %arg1, %mul3A_51 : i32
    %add3A = arith.addi %mul3A_50, %mul3A_52 : i32
    "tpu.region"() ({
      %run_scoped3A = tpu.sem_alloc : memref<!tpu.dma_semaphore, #tpu.memory_space<semaphore_mem>>
      %dma_start3A = arith.constant 0 : i32
      %dma_start3A_66 = tpu.memref_slice %arg2[%add3A, %dma_start3A] : memref<2560x128xi32, #tpu.memory_space<hbm>> -> memref<80x128xi32, #tpu.memory_space<hbm>>
      %dma_start3A_67 = arith.constant 0 : i32
      %dma_start3A_68 = tpu.memref_slice %arg2[%add3A, %dma_start3A_67] : memref<2560x128xi32, #tpu.memory_space<hbm>> -> memref<80x128xi32, #tpu.memory_space<hbm>>
      tpu.enqueue_dma source(%dma_start3A_68 : memref<80x128xi32, #tpu.memory_space<hbm>>) target(%arg5 : memref<80x128xi32, #tpu.memory_space<vmem>>) target_semaphore(%run_scoped3A : memref<!tpu.dma_semaphore, #tpu.memory_space<semaphore_mem>>)
      %dma_wait3A = arith.constant 0 : i32
      %dma_wait3A_69 = tpu.memref_slice %arg2[%add3A, %dma_wait3A] : memref<2560x128xi32, #tpu.memory_space<hbm>> -> memref<80x128xi32, #tpu.memory_space<hbm>>
      %dma_wait3A_70 = arith.constant 0 : i32
      %dma_wait3A_71 = tpu.memref_slice %arg2[%add3A, %dma_wait3A_70] : memref<2560x128xi32, #tpu.memory_space<hbm>> -> memref<80x128xi32, #tpu.memory_space<hbm>>
      tpu.wait_dma2 semaphore(%run_scoped3A : memref<!tpu.dma_semaphore, #tpu.memory_space<semaphore_mem>>) src(%dma_wait3A_71 : memref<80x128xi32, #tpu.memory_space<hbm>>) dst(%arg5 : memref<80x128xi32, #tpu.memory_space<vmem>>)
      tpu.yield
    }) : () -> ()
    %barrier3A = arith.constant 0 : index
    tpu.barrier barrier_id(%barrier3A)
    %scan3A = arith.constant 0 : i32
    %scan3A_53 = arith.constant 0 : i32
    %scan3A_54 = arith.constant 80 : i32
    %scan3A_55 = arith.addi %scan3A_53, %scan3A_54 : i32
    %scan3A_56 = arith.constant 1 : i32
    scf.for %scan3A_66 = %scan3A_53 to %scan3A_55 step %scan3A_56  : i32 {
      "tpu.region"() ({
        %run_scoped3A = tpu.sem_alloc : memref<!tpu.dma_semaphore, #tpu.memory_space<semaphore_mem>>
        %dma_start3A = arith.constant 0 : i32
        %dma_start3A_67 = tpu.memref_slice %arg5[%scan3A_66, %dma_start3A] : memref<80x128xi32, #tpu.memory_space<vmem>> -> memref<1x128xi32, #tpu.memory_space<vmem>>
        %dma_start3A_68 = tpu.memref_squeeze %dma_start3A_67 : memref<1x128xi32, #tpu.memory_space<vmem>> -> memref<128xi32, #tpu.memory_space<vmem>>
        %dma_start3A_69 = arith.constant 0 : i32
        %dma_start3A_70 = tpu.memref_slice %arg7[%dma_start3A_69] : memref<10240xf32, #tpu.memory_space<vmem_shared>> -> memref<10240xf32, #tpu.memory_space<vmem_shared>>
        tpu.enqueue_indirect_dma source(%arg6 : memref<128xf32, #tpu.memory_space<vmem>>) target(%dma_start3A_70 : memref<10240xf32, #tpu.memory_space<vmem_shared>>) offsets(%dma_start3A_68 : memref<128xi32, #tpu.memory_space<vmem>>) semaphore(%run_scoped3A : memref<!tpu.dma_semaphore, #tpu.memory_space<semaphore_mem>>) {add = true}
        %dma_wait3A = arith.constant 0 : i32
        %dma_wait3A_71 = tpu.memref_slice %arg5[%scan3A_66, %dma_wait3A] : memref<80x128xi32, #tpu.memory_space<vmem>> -> memref<1x128xi32, #tpu.memory_space<vmem>>
        %dma_wait3A_72 = tpu.memref_squeeze %dma_wait3A_71 : memref<1x128xi32, #tpu.memory_space<vmem>> -> memref<128xi32, #tpu.memory_space<vmem>>
        %dma_wait3A_73 = arith.constant 0 : i32
        %dma_wait3A_74 = tpu.memref_slice %arg7[%dma_wait3A_73] : memref<10240xf32, #tpu.memory_space<vmem_shared>> -> memref<10240xf32, #tpu.memory_space<vmem_shared>>
        tpu.wait_indirect_dma semaphore(%run_scoped3A : memref<!tpu.dma_semaphore, #tpu.memory_space<semaphore_mem>>) src(%arg6 : memref<128xf32, #tpu.memory_space<vmem>>) dst(%dma_wait3A_74 : memref<10240xf32, #tpu.memory_space<vmem_shared>>)
        tpu.yield
      }) : () -> ()
    }
    %scan3A_57 = arith.constant 80 : i32
    %barrier3A_58 = arith.constant 0 : index
    tpu.barrier barrier_id(%barrier3A_58)
    %mul3A_59 = arith.constant 640 : i32
    %mul3A_60 = arith.muli %arg1, %mul3A_59 : i32
    %mul3A_61 = arith.constant 10240 : i32
    %mul3A_62 = arith.muli %arg0, %mul3A_61 : i32
    %mul3A_63 = arith.constant 640 : i32
    %mul3A_64 = arith.muli %arg1, %mul3A_63 : i32
    %add3A_65 = arith.addi %mul3A_62, %mul3A_64 : i32
    "tpu.region"() ({
      %run_scoped3A = tpu.sem_alloc : memref<!tpu.dma_semaphore, #tpu.memory_space<semaphore_mem>>
      %dma_start3A = tpu.memref_slice %arg4[%add3A_65] : memref<20480xf32, #tpu.memory_space<hbm>> -> memref<640xf32, #tpu.memory_space<hbm>>
      %dma_start3A_66 = tpu.memref_slice %arg7[%mul3A_60] : memref<10240xf32, #tpu.memory_space<vmem_shared>> -> memref<640xf32, #tpu.memory_space<vmem_shared>>
      tpu.enqueue_dma source(%dma_start3A_66 : memref<640xf32, #tpu.memory_space<vmem_shared>>) target(%dma_start3A : memref<640xf32, #tpu.memory_space<hbm>>) target_semaphore(%run_scoped3A : memref<!tpu.dma_semaphore, #tpu.memory_space<semaphore_mem>>)
      %dma_wait3A = tpu.memref_slice %arg4[%add3A_65] : memref<20480xf32, #tpu.memory_space<hbm>> -> memref<640xf32, #tpu.memory_space<hbm>>
      %dma_wait3A_67 = tpu.memref_slice %arg7[%mul3A_60] : memref<10240xf32, #tpu.memory_space<vmem_shared>> -> memref<640xf32, #tpu.memory_space<vmem_shared>>
      tpu.wait_dma2 semaphore(%run_scoped3A : memref<!tpu.dma_semaphore, #tpu.memory_space<semaphore_mem>>) src(%dma_wait3A_67 : memref<640xf32, #tpu.memory_space<vmem_shared>>) dst(%dma_wait3A : memref<640xf32, #tpu.memory_space<hbm>>)
      tpu.yield
    }) : () -> ()
    return
  }
}

#map = affine_map<(d0, d1) -> (0, 0)>
module attributes {stable_mosaic.version = 14 : i64} {
  func.func @sc_agg2(%arg0: i32, %arg1: i32, %arg2: memref<10000x128xf32, #tpu.memory_space<hbm>>, %arg3: memref<10000x128xf32, #tpu.memory_space<hbm>>, %arg4: memref<2560x128xi32, #tpu.memory_space<hbm>>, %arg5: memref<2560x128xi32, #tpu.memory_space<hbm>>, %arg6: memref<10240x128xf32, #tpu.memory_space<hbm>>, %arg7: memref<10240x128xf32, #tpu.memory_space<hbm>>, %arg8: memref<10240x128xf32, #tpu.memory_space<hbm>>, %arg9: memref<40x128xi32, #tpu.memory_space<vmem>>, %arg10: memref<40x128xi32, #tpu.memory_space<vmem>>, %arg11: memref<128x128xf32, #tpu.memory_space<vmem>>, %arg12: memref<128x128xf32, #tpu.memory_space<vmem>>, %arg13: memref<10240x128xf32, #tpu.memory_space<vmem_shared>>, %arg14: memref<!tpu.dma_semaphore, #tpu.memory_space<semaphore_mem>>, %arg15: memref<!tpu.dma_semaphore, #tpu.memory_space<semaphore_mem>>, %arg16: memref<!tpu.dma_semaphore, #tpu.memory_space<semaphore_mem>>, %arg17: memref<!tpu.dma_semaphore, #tpu.memory_space<semaphore_mem>>) attributes {dimension_semantics = [#tpu.dimension_semantics<core_parallel>, #tpu.dimension_semantics<subcore_parallel>], iteration_bounds = array<i64: 2, 16>, scalar_prefetch = 0 : i64, scratch_operands = 9 : i64, tpu.core_type = #tpu.core_type<sc_vector_subcore>, window_params = [{transform_indices = #map}, {transform_indices = #map}, {transform_indices = #map}, {transform_indices = #map}, {transform_indices = #map}, {transform_indices = #map}, {transform_indices = #map}]} {
    %mul3A = arith.constant 640 : i32
    %mul3A_0 = arith.muli %arg1, %mul3A : i32
    %mul3A_1 = arith.constant 640 : i32
    %mul3A_2 = arith.muli %arg1, %mul3A_1 : i32
    "tpu.region"() ({
      %run_scoped3A = tpu.sem_alloc : memref<!tpu.dma_semaphore, #tpu.memory_space<semaphore_mem>>
      %dma_start3A = arith.constant 0 : i32
      %dma_start3A_21 = tpu.memref_slice %arg13[%mul3A_2, %dma_start3A] : memref<10240x128xf32, #tpu.memory_space<vmem_shared>> -> memref<640x128xf32, #tpu.memory_space<vmem_shared>>
      %dma_start3A_22 = arith.constant 0 : i32
      %dma_start3A_23 = tpu.memref_slice %arg6[%mul3A_0, %dma_start3A_22] : memref<10240x128xf32, #tpu.memory_space<hbm>> -> memref<640x128xf32, #tpu.memory_space<hbm>>
      tpu.enqueue_dma source(%dma_start3A_23 : memref<640x128xf32, #tpu.memory_space<hbm>>) target(%dma_start3A_21 : memref<640x128xf32, #tpu.memory_space<vmem_shared>>) target_semaphore(%run_scoped3A : memref<!tpu.dma_semaphore, #tpu.memory_space<semaphore_mem>>)
      %dma_wait3A = arith.constant 0 : i32
      %dma_wait3A_24 = tpu.memref_slice %arg13[%mul3A_2, %dma_wait3A] : memref<10240x128xf32, #tpu.memory_space<vmem_shared>> -> memref<640x128xf32, #tpu.memory_space<vmem_shared>>
      %dma_wait3A_25 = arith.constant 0 : i32
      %dma_wait3A_26 = tpu.memref_slice %arg6[%mul3A_0, %dma_wait3A_25] : memref<10240x128xf32, #tpu.memory_space<hbm>> -> memref<640x128xf32, #tpu.memory_space<hbm>>
      tpu.wait_dma2 semaphore(%run_scoped3A : memref<!tpu.dma_semaphore, #tpu.memory_space<semaphore_mem>>) src(%dma_wait3A_26 : memref<640x128xf32, #tpu.memory_space<hbm>>) dst(%dma_wait3A_24 : memref<640x128xf32, #tpu.memory_space<vmem_shared>>)
      tpu.yield
    }) : () -> ()
    %barrier3A = arith.constant 0 : index
    tpu.barrier barrier_id(%barrier3A)
    %eq3A = arith.constant 0 : i32
    %eq3A_3 = arith.cmpi eq, %arg0, %eq3A : i32
    %convert_element_type3A = arith.extui %eq3A_3 : i1 to i32
    %cond3A = arith.constant 0 : i32
    %cond3A_4 = arith.cmpi ne, %convert_element_type3A, %cond3A : i32
    scf.if %cond3A_4 {
      %scan3A = arith.constant 0 : i32
      %scan3A_21 = arith.constant 0 : i32
      %scan3A_22 = arith.constant 4 : i32
      %scan3A_23 = arith.addi %scan3A_21, %scan3A_22 : i32
      %scan3A_24 = arith.constant 1 : i32
      scf.for %scan3A_26 = %scan3A_21 to %scan3A_23 step %scan3A_24  : i32 {
        %mul3A_27 = arith.constant 160 : i32
        %mul3A_28 = arith.muli %arg1, %mul3A_27 : i32
        %mul3A_29 = arith.constant 40 : i32
        %mul3A_30 = arith.muli %scan3A_26, %mul3A_29 : i32
        %add3A = arith.addi %mul3A_28, %mul3A_30 : i32
        "tpu.region"() ({
          %run_scoped3A = tpu.sem_alloc : memref<!tpu.dma_semaphore, #tpu.memory_space<semaphore_mem>>
          %dma_start3A_54 = arith.constant 0 : i32
          %dma_start3A_55 = tpu.memref_slice %arg4[%add3A, %dma_start3A_54] : memref<2560x128xi32, #tpu.memory_space<hbm>> -> memref<40x128xi32, #tpu.memory_space<hbm>>
          %dma_start3A_56 = arith.constant 0 : i32
          %dma_start3A_57 = tpu.memref_slice %arg4[%add3A, %dma_start3A_56] : memref<2560x128xi32, #tpu.memory_space<hbm>> -> memref<40x128xi32, #tpu.memory_space<hbm>>
          tpu.enqueue_dma source(%dma_start3A_57 : memref<40x128xi32, #tpu.memory_space<hbm>>) target(%arg9 : memref<40x128xi32, #tpu.memory_space<vmem>>) target_semaphore(%run_scoped3A : memref<!tpu.dma_semaphore, #tpu.memory_space<semaphore_mem>>)
          %dma_wait3A_58 = arith.constant 0 : i32
          %dma_wait3A_59 = tpu.memref_slice %arg4[%add3A, %dma_wait3A_58] : memref<2560x128xi32, #tpu.memory_space<hbm>> -> memref<40x128xi32, #tpu.memory_space<hbm>>
          %dma_wait3A_60 = arith.constant 0 : i32
          %dma_wait3A_61 = tpu.memref_slice %arg4[%add3A, %dma_wait3A_60] : memref<2560x128xi32, #tpu.memory_space<hbm>> -> memref<40x128xi32, #tpu.memory_space<hbm>>
          tpu.wait_dma2 semaphore(%run_scoped3A : memref<!tpu.dma_semaphore, #tpu.memory_space<semaphore_mem>>) src(%dma_wait3A_61 : memref<40x128xi32, #tpu.memory_space<hbm>>) dst(%arg9 : memref<40x128xi32, #tpu.memory_space<vmem>>)
          tpu.yield
        }) : () -> ()
        %mul3A_31 = arith.constant 160 : i32
        %mul3A_32 = arith.muli %arg1, %mul3A_31 : i32
        %mul3A_33 = arith.constant 40 : i32
        %mul3A_34 = arith.muli %scan3A_26, %mul3A_33 : i32
        %add3A_35 = arith.addi %mul3A_32, %mul3A_34 : i32
        "tpu.region"() ({
          %run_scoped3A = tpu.sem_alloc : memref<!tpu.dma_semaphore, #tpu.memory_space<semaphore_mem>>
          %dma_start3A_54 = arith.constant 0 : i32
          %dma_start3A_55 = tpu.memref_slice %arg5[%add3A_35, %dma_start3A_54] : memref<2560x128xi32, #tpu.memory_space<hbm>> -> memref<40x128xi32, #tpu.memory_space<hbm>>
          %dma_start3A_56 = arith.constant 0 : i32
          %dma_start3A_57 = tpu.memref_slice %arg5[%add3A_35, %dma_start3A_56] : memref<2560x128xi32, #tpu.memory_space<hbm>> -> memref<40x128xi32, #tpu.memory_space<hbm>>
          tpu.enqueue_dma source(%dma_start3A_57 : memref<40x128xi32, #tpu.memory_space<hbm>>) target(%arg10 : memref<40x128xi32, #tpu.memory_space<vmem>>) target_semaphore(%run_scoped3A : memref<!tpu.dma_semaphore, #tpu.memory_space<semaphore_mem>>)
          %dma_wait3A_58 = arith.constant 0 : i32
          %dma_wait3A_59 = tpu.memref_slice %arg5[%add3A_35, %dma_wait3A_58] : memref<2560x128xi32, #tpu.memory_space<hbm>> -> memref<40x128xi32, #tpu.memory_space<hbm>>
          %dma_wait3A_60 = arith.constant 0 : i32
          %dma_wait3A_61 = tpu.memref_slice %arg5[%add3A_35, %dma_wait3A_60] : memref<2560x128xi32, #tpu.memory_space<hbm>> -> memref<40x128xi32, #tpu.memory_space<hbm>>
          tpu.wait_dma2 semaphore(%run_scoped3A : memref<!tpu.dma_semaphore, #tpu.memory_space<semaphore_mem>>) src(%dma_wait3A_61 : memref<40x128xi32, #tpu.memory_space<hbm>>) dst(%arg10 : memref<40x128xi32, #tpu.memory_space<vmem>>)
          tpu.yield
        }) : () -> ()
        %dma_start3A = arith.constant 0 : i32
        %dma_start3A_36 = arith.constant 0 : i32
        %dma_start3A_37 = tpu.memref_slice %arg9[%dma_start3A, %dma_start3A_36] : memref<40x128xi32, #tpu.memory_space<vmem>> -> memref<1x128xi32, #tpu.memory_space<vmem>>
        %dma_start3A_38 = tpu.memref_squeeze %dma_start3A_37 : memref<1x128xi32, #tpu.memory_space<vmem>> -> memref<128xi32, #tpu.memory_space<vmem>>
        %dma_start3A_39 = arith.constant 0 : i32
        %dma_start3A_40 = arith.constant 0 : i32
        %dma_start3A_41 = tpu.memref_slice %arg2[%dma_start3A_39, %dma_start3A_40] : memref<10000x128xf32, #tpu.memory_space<hbm>> -> memref<10000x128xf32, #tpu.memory_space<hbm>>
        tpu.enqueue_indirect_dma source(%dma_start3A_41 : memref<10000x128xf32, #tpu.memory_space<hbm>>) target(%arg11 : memref<128x128xf32, #tpu.memory_space<vmem>>) offsets(%dma_start3A_38 : memref<128xi32, #tpu.memory_space<vmem>>) semaphore(%arg14 : memref<!tpu.dma_semaphore, #tpu.memory_space<semaphore_mem>>)
        %scan3A_42 = arith.constant 0 : i32
        %scan3A_43 = arith.constant 0 : i32
        %scan3A_44 = arith.constant 20 : i32
        %scan3A_45 = arith.addi %scan3A_43, %scan3A_44 : i32
        %scan3A_46 = arith.constant 1 : i32
        scf.for %scan3A_54 = %scan3A_43 to %scan3A_45 step %scan3A_46  : i32 {
          %mul3A_55 = arith.constant 2 : i32
          %mul3A_56 = arith.muli %mul3A_55, %scan3A_54 : i32
          %dma_wait3A_57 = arith.constant 0 : i32
          %dma_wait3A_58 = tpu.memref_slice %arg9[%mul3A_56, %dma_wait3A_57] : memref<40x128xi32, #tpu.memory_space<vmem>> -> memref<1x128xi32, #tpu.memory_space<vmem>>
          %dma_wait3A_59 = tpu.memref_squeeze %dma_wait3A_58 : memref<1x128xi32, #tpu.memory_space<vmem>> -> memref<128xi32, #tpu.memory_space<vmem>>
          %dma_wait3A_60 = arith.constant 0 : i32
          %dma_wait3A_61 = arith.constant 0 : i32
          %dma_wait3A_62 = tpu.memref_slice %arg2[%dma_wait3A_60, %dma_wait3A_61] : memref<10000x128xf32, #tpu.memory_space<hbm>> -> memref<10000x128xf32, #tpu.memory_space<hbm>>
          tpu.wait_indirect_dma semaphore(%arg14 : memref<!tpu.dma_semaphore, #tpu.memory_space<semaphore_mem>>) src(%dma_wait3A_62 : memref<10000x128xf32, #tpu.memory_space<hbm>>) dst(%arg11 : memref<128x128xf32, #tpu.memory_space<vmem>>)
          %dma_start3A_63 = arith.constant 0 : i32
          %dma_start3A_64 = tpu.memref_slice %arg10[%mul3A_56, %dma_start3A_63] : memref<40x128xi32, #tpu.memory_space<vmem>> -> memref<1x128xi32, #tpu.memory_space<vmem>>
          %dma_start3A_65 = tpu.memref_squeeze %dma_start3A_64 : memref<1x128xi32, #tpu.memory_space<vmem>> -> memref<128xi32, #tpu.memory_space<vmem>>
          %dma_start3A_66 = arith.constant 0 : i32
          %dma_start3A_67 = arith.constant 0 : i32
          %dma_start3A_68 = tpu.memref_slice %arg13[%dma_start3A_66, %dma_start3A_67] : memref<10240x128xf32, #tpu.memory_space<vmem_shared>> -> memref<10240x128xf32, #tpu.memory_space<vmem_shared>>
          tpu.enqueue_indirect_dma source(%arg11 : memref<128x128xf32, #tpu.memory_space<vmem>>) target(%dma_start3A_68 : memref<10240x128xf32, #tpu.memory_space<vmem_shared>>) offsets(%dma_start3A_65 : memref<128xi32, #tpu.memory_space<vmem>>) semaphore(%arg16 : memref<!tpu.dma_semaphore, #tpu.memory_space<semaphore_mem>>) {add = true}
          %gt3A = arith.constant 0 : i32
          %gt3A_69 = arith.cmpi sgt, %scan3A_54, %gt3A : i32
          %convert_element_type3A_70 = arith.extui %gt3A_69 : i1 to i32
          %cond3A_71 = arith.constant 0 : i32
          %cond3A_72 = arith.cmpi ne, %convert_element_type3A_70, %cond3A_71 : i32
          scf.if %cond3A_72 {
            %dma_wait3A_107 = arith.constant 0 : i32
            %dma_wait3A_108 = tpu.memref_slice %arg10[%mul3A_56, %dma_wait3A_107] : memref<40x128xi32, #tpu.memory_space<vmem>> -> memref<1x128xi32, #tpu.memory_space<vmem>>
            %dma_wait3A_109 = tpu.memref_squeeze %dma_wait3A_108 : memref<1x128xi32, #tpu.memory_space<vmem>> -> memref<128xi32, #tpu.memory_space<vmem>>
            %dma_wait3A_110 = arith.constant 0 : i32
            %dma_wait3A_111 = arith.constant 0 : i32
            %dma_wait3A_112 = tpu.memref_slice %arg13[%dma_wait3A_110, %dma_wait3A_111] : memref<10240x128xf32, #tpu.memory_space<vmem_shared>> -> memref<10240x128xf32, #tpu.memory_space<vmem_shared>>
            tpu.wait_indirect_dma semaphore(%arg17 : memref<!tpu.dma_semaphore, #tpu.memory_space<semaphore_mem>>) src(%arg12 : memref<128x128xf32, #tpu.memory_space<vmem>>) dst(%dma_wait3A_112 : memref<10240x128xf32, #tpu.memory_space<vmem_shared>>)
          } else {
          }
          %add3A_73 = arith.constant 1 : i32
          %add3A_74 = arith.addi %mul3A_56, %add3A_73 : i32
          %dma_start3A_75 = arith.constant 0 : i32
          %dma_start3A_76 = tpu.memref_slice %arg9[%add3A_74, %dma_start3A_75] : memref<40x128xi32, #tpu.memory_space<vmem>> -> memref<1x128xi32, #tpu.memory_space<vmem>>
          %dma_start3A_77 = tpu.memref_squeeze %dma_start3A_76 : memref<1x128xi32, #tpu.memory_space<vmem>> -> memref<128xi32, #tpu.memory_space<vmem>>
          %dma_start3A_78 = arith.constant 0 : i32
          %dma_start3A_79 = arith.constant 0 : i32
          %dma_start3A_80 = tpu.memref_slice %arg2[%dma_start3A_78, %dma_start3A_79] : memref<10000x128xf32, #tpu.memory_space<hbm>> -> memref<10000x128xf32, #tpu.memory_space<hbm>>
          tpu.enqueue_indirect_dma source(%dma_start3A_80 : memref<10000x128xf32, #tpu.memory_space<hbm>>) target(%arg12 : memref<128x128xf32, #tpu.memory_space<vmem>>) offsets(%dma_start3A_77 : memref<128xi32, #tpu.memory_space<vmem>>) semaphore(%arg15 : memref<!tpu.dma_semaphore, #tpu.memory_space<semaphore_mem>>)
          %add3A_81 = arith.constant 1 : i32
          %add3A_82 = arith.addi %mul3A_56, %add3A_81 : i32
          %dma_wait3A_83 = arith.constant 0 : i32
          %dma_wait3A_84 = tpu.memref_slice %arg9[%add3A_82, %dma_wait3A_83] : memref<40x128xi32, #tpu.memory_space<vmem>> -> memref<1x128xi32, #tpu.memory_space<vmem>>
          %dma_wait3A_85 = tpu.memref_squeeze %dma_wait3A_84 : memref<1x128xi32, #tpu.memory_space<vmem>> -> memref<128xi32, #tpu.memory_space<vmem>>
          %dma_wait3A_86 = arith.constant 0 : i32
          %dma_wait3A_87 = arith.constant 0 : i32
          %dma_wait3A_88 = tpu.memref_slice %arg2[%dma_wait3A_86, %dma_wait3A_87] : memref<10000x128xf32, #tpu.memory_space<hbm>> -> memref<10000x128xf32, #tpu.memory_space<hbm>>
          tpu.wait_indirect_dma semaphore(%arg15 : memref<!tpu.dma_semaphore, #tpu.memory_space<semaphore_mem>>) src(%dma_wait3A_88 : memref<10000x128xf32, #tpu.memory_space<hbm>>) dst(%arg12 : memref<128x128xf32, #tpu.memory_space<vmem>>)
          %add3A_89 = arith.constant 1 : i32
          %add3A_90 = arith.addi %mul3A_56, %add3A_89 : i32
          %dma_start3A_91 = arith.constant 0 : i32
          %dma_start3A_92 = tpu.memref_slice %arg10[%add3A_90, %dma_start3A_91] : memref<40x128xi32, #tpu.memory_space<vmem>> -> memref<1x128xi32, #tpu.memory_space<vmem>>
          %dma_start3A_93 = tpu.memref_squeeze %dma_start3A_92 : memref<1x128xi32, #tpu.memory_space<vmem>> -> memref<128xi32, #tpu.memory_space<vmem>>
          %dma_start3A_94 = arith.constant 0 : i32
          %dma_start3A_95 = arith.constant 0 : i32
          %dma_start3A_96 = tpu.memref_slice %arg13[%dma_start3A_94, %dma_start3A_95] : memref<10240x128xf32, #tpu.memory_space<vmem_shared>> -> memref<10240x128xf32, #tpu.memory_space<vmem_shared>>
          tpu.enqueue_indirect_dma source(%arg12 : memref<128x128xf32, #tpu.memory_space<vmem>>) target(%dma_start3A_96 : memref<10240x128xf32, #tpu.memory_space<vmem_shared>>) offsets(%dma_start3A_93 : memref<128xi32, #tpu.memory_space<vmem>>) semaphore(%arg17 : memref<!tpu.dma_semaphore, #tpu.memory_space<semaphore_mem>>) {add = true}
          %dma_wait3A_97 = arith.constant 0 : i32
          %dma_wait3A_98 = tpu.memref_slice %arg10[%mul3A_56, %dma_wait3A_97] : memref<40x128xi32, #tpu.memory_space<vmem>> -> memref<1x128xi32, #tpu.memory_space<vmem>>
          %dma_wait3A_99 = tpu.memref_squeeze %dma_wait3A_98 : memref<1x128xi32, #tpu.memory_space<vmem>> -> memref<128xi32, #tpu.memory_space<vmem>>
          %dma_wait3A_100 = arith.constant 0 : i32
          %dma_wait3A_101 = arith.constant 0 : i32
          %dma_wait3A_102 = tpu.memref_slice %arg13[%dma_wait3A_100, %dma_wait3A_101] : memref<10240x128xf32, #tpu.memory_space<vmem_shared>> -> memref<10240x128xf32, #tpu.memory_space<vmem_shared>>
          tpu.wait_indirect_dma semaphore(%arg16 : memref<!tpu.dma_semaphore, #tpu.memory_space<semaphore_mem>>) src(%arg11 : memref<128x128xf32, #tpu.memory_space<vmem>>) dst(%dma_wait3A_102 : memref<10240x128xf32, #tpu.memory_space<vmem_shared>>)
          %lt3A = arith.constant 19 : i32
          %lt3A_103 = arith.cmpi slt, %scan3A_54, %lt3A : i32
          %convert_element_type3A_104 = arith.extui %lt3A_103 : i1 to i32
          %cond3A_105 = arith.constant 0 : i32
          %cond3A_106 = arith.cmpi ne, %convert_element_type3A_104, %cond3A_105 : i32
          scf.if %cond3A_106 {
            %add3A_107 = arith.constant 2 : i32
            %add3A_108 = arith.addi %mul3A_56, %add3A_107 : i32
            %dma_start3A_109 = arith.constant 0 : i32
            %dma_start3A_110 = tpu.memref_slice %arg9[%add3A_108, %dma_start3A_109] : memref<40x128xi32, #tpu.memory_space<vmem>> -> memref<1x128xi32, #tpu.memory_space<vmem>>
            %dma_start3A_111 = tpu.memref_squeeze %dma_start3A_110 : memref<1x128xi32, #tpu.memory_space<vmem>> -> memref<128xi32, #tpu.memory_space<vmem>>
            %dma_start3A_112 = arith.constant 0 : i32
            %dma_start3A_113 = arith.constant 0 : i32
            %dma_start3A_114 = tpu.memref_slice %arg2[%dma_start3A_112, %dma_start3A_113] : memref<10000x128xf32, #tpu.memory_space<hbm>> -> memref<10000x128xf32, #tpu.memory_space<hbm>>
            tpu.enqueue_indirect_dma source(%dma_start3A_114 : memref<10000x128xf32, #tpu.memory_space<hbm>>) target(%arg11 : memref<128x128xf32, #tpu.memory_space<vmem>>) offsets(%dma_start3A_111 : memref<128xi32, #tpu.memory_space<vmem>>) semaphore(%arg14 : memref<!tpu.dma_semaphore, #tpu.memory_space<semaphore_mem>>)
          } else {
          }
        }
        %scan3A_47 = arith.constant 20 : i32
        %dma_wait3A = arith.constant 0 : i32
        %dma_wait3A_48 = arith.constant 0 : i32
        %dma_wait3A_49 = tpu.memref_slice %arg10[%dma_wait3A, %dma_wait3A_48] : memref<40x128xi32, #tpu.memory_space<vmem>> -> memref<1x128xi32, #tpu.memory_space<vmem>>
        %dma_wait3A_50 = tpu.memref_squeeze %dma_wait3A_49 : memref<1x128xi32, #tpu.memory_space<vmem>> -> memref<128xi32, #tpu.memory_space<vmem>>
        %dma_wait3A_51 = arith.constant 0 : i32
        %dma_wait3A_52 = arith.constant 0 : i32
        %dma_wait3A_53 = tpu.memref_slice %arg13[%dma_wait3A_51, %dma_wait3A_52] : memref<10240x128xf32, #tpu.memory_space<vmem_shared>> -> memref<10240x128xf32, #tpu.memory_space<vmem_shared>>
        tpu.wait_indirect_dma semaphore(%arg17 : memref<!tpu.dma_semaphore, #tpu.memory_space<semaphore_mem>>) src(%arg12 : memref<128x128xf32, #tpu.memory_space<vmem>>) dst(%dma_wait3A_53 : memref<10240x128xf32, #tpu.memory_space<vmem_shared>>)
      }
      %scan3A_25 = arith.constant 4 : i32
    } else {
    }
    %eq3A_5 = arith.constant 1 : i32
    %eq3A_6 = arith.cmpi eq, %arg0, %eq3A_5 : i32
    %convert_element_type3A_7 = arith.extui %eq3A_6 : i1 to i32
    %cond3A_8 = arith.constant 0 : i32
    %cond3A_9 = arith.cmpi ne, %convert_element_type3A_7, %cond3A_8 : i32
    scf.if %cond3A_9 {
      %scan3A = arith.constant 0 : i32
      %scan3A_21 = arith.constant 0 : i32
      %scan3A_22 = arith.constant 4 : i32
      %scan3A_23 = arith.addi %scan3A_21, %scan3A_22 : i32
      %scan3A_24 = arith.constant 1 : i32
      scf.for %scan3A_26 = %scan3A_21 to %scan3A_23 step %scan3A_24  : i32 {
        %mul3A_27 = arith.constant 160 : i32
        %mul3A_28 = arith.muli %arg1, %mul3A_27 : i32
        %mul3A_29 = arith.constant 40 : i32
        %mul3A_30 = arith.muli %scan3A_26, %mul3A_29 : i32
        %add3A = arith.addi %mul3A_28, %mul3A_30 : i32
        "tpu.region"() ({
          %run_scoped3A = tpu.sem_alloc : memref<!tpu.dma_semaphore, #tpu.memory_space<semaphore_mem>>
          %dma_start3A_54 = arith.constant 0 : i32
          %dma_start3A_55 = tpu.memref_slice %arg4[%add3A, %dma_start3A_54] : memref<2560x128xi32, #tpu.memory_space<hbm>> -> memref<40x128xi32, #tpu.memory_space<hbm>>
          %dma_start3A_56 = arith.constant 0 : i32
          %dma_start3A_57 = tpu.memref_slice %arg4[%add3A, %dma_start3A_56] : memref<2560x128xi32, #tpu.memory_space<hbm>> -> memref<40x128xi32, #tpu.memory_space<hbm>>
          tpu.enqueue_dma source(%dma_start3A_57 : memref<40x128xi32, #tpu.memory_space<hbm>>) target(%arg9 : memref<40x128xi32, #tpu.memory_space<vmem>>) target_semaphore(%run_scoped3A : memref<!tpu.dma_semaphore, #tpu.memory_space<semaphore_mem>>)
          %dma_wait3A_58 = arith.constant 0 : i32
          %dma_wait3A_59 = tpu.memref_slice %arg4[%add3A, %dma_wait3A_58] : memref<2560x128xi32, #tpu.memory_space<hbm>> -> memref<40x128xi32, #tpu.memory_space<hbm>>
          %dma_wait3A_60 = arith.constant 0 : i32
          %dma_wait3A_61 = tpu.memref_slice %arg4[%add3A, %dma_wait3A_60] : memref<2560x128xi32, #tpu.memory_space<hbm>> -> memref<40x128xi32, #tpu.memory_space<hbm>>
          tpu.wait_dma2 semaphore(%run_scoped3A : memref<!tpu.dma_semaphore, #tpu.memory_space<semaphore_mem>>) src(%dma_wait3A_61 : memref<40x128xi32, #tpu.memory_space<hbm>>) dst(%arg9 : memref<40x128xi32, #tpu.memory_space<vmem>>)
          tpu.yield
        }) : () -> ()
        %mul3A_31 = arith.constant 160 : i32
        %mul3A_32 = arith.muli %arg1, %mul3A_31 : i32
        %mul3A_33 = arith.constant 40 : i32
        %mul3A_34 = arith.muli %scan3A_26, %mul3A_33 : i32
        %add3A_35 = arith.addi %mul3A_32, %mul3A_34 : i32
        "tpu.region"() ({
          %run_scoped3A = tpu.sem_alloc : memref<!tpu.dma_semaphore, #tpu.memory_space<semaphore_mem>>
          %dma_start3A_54 = arith.constant 0 : i32
          %dma_start3A_55 = tpu.memref_slice %arg5[%add3A_35, %dma_start3A_54] : memref<2560x128xi32, #tpu.memory_space<hbm>> -> memref<40x128xi32, #tpu.memory_space<hbm>>
          %dma_start3A_56 = arith.constant 0 : i32
          %dma_start3A_57 = tpu.memref_slice %arg5[%add3A_35, %dma_start3A_56] : memref<2560x128xi32, #tpu.memory_space<hbm>> -> memref<40x128xi32, #tpu.memory_space<hbm>>
          tpu.enqueue_dma source(%dma_start3A_57 : memref<40x128xi32, #tpu.memory_space<hbm>>) target(%arg10 : memref<40x128xi32, #tpu.memory_space<vmem>>) target_semaphore(%run_scoped3A : memref<!tpu.dma_semaphore, #tpu.memory_space<semaphore_mem>>)
          %dma_wait3A_58 = arith.constant 0 : i32
          %dma_wait3A_59 = tpu.memref_slice %arg5[%add3A_35, %dma_wait3A_58] : memref<2560x128xi32, #tpu.memory_space<hbm>> -> memref<40x128xi32, #tpu.memory_space<hbm>>
          %dma_wait3A_60 = arith.constant 0 : i32
          %dma_wait3A_61 = tpu.memref_slice %arg5[%add3A_35, %dma_wait3A_60] : memref<2560x128xi32, #tpu.memory_space<hbm>> -> memref<40x128xi32, #tpu.memory_space<hbm>>
          tpu.wait_dma2 semaphore(%run_scoped3A : memref<!tpu.dma_semaphore, #tpu.memory_space<semaphore_mem>>) src(%dma_wait3A_61 : memref<40x128xi32, #tpu.memory_space<hbm>>) dst(%arg10 : memref<40x128xi32, #tpu.memory_space<vmem>>)
          tpu.yield
        }) : () -> ()
        %dma_start3A = arith.constant 0 : i32
        %dma_start3A_36 = arith.constant 0 : i32
        %dma_start3A_37 = tpu.memref_slice %arg9[%dma_start3A, %dma_start3A_36] : memref<40x128xi32, #tpu.memory_space<vmem>> -> memref<1x128xi32, #tpu.memory_space<vmem>>
        %dma_start3A_38 = tpu.memref_squeeze %dma_start3A_37 : memref<1x128xi32, #tpu.memory_space<vmem>> -> memref<128xi32, #tpu.memory_space<vmem>>
        %dma_start3A_39 = arith.constant 0 : i32
        %dma_start3A_40 = arith.constant 0 : i32
        %dma_start3A_41 = tpu.memref_slice %arg3[%dma_start3A_39, %dma_start3A_40] : memref<10000x128xf32, #tpu.memory_space<hbm>> -> memref<10000x128xf32, #tpu.memory_space<hbm>>
        tpu.enqueue_indirect_dma source(%dma_start3A_41 : memref<10000x128xf32, #tpu.memory_space<hbm>>) target(%arg11 : memref<128x128xf32, #tpu.memory_space<vmem>>) offsets(%dma_start3A_38 : memref<128xi32, #tpu.memory_space<vmem>>) semaphore(%arg14 : memref<!tpu.dma_semaphore, #tpu.memory_space<semaphore_mem>>)
        %scan3A_42 = arith.constant 0 : i32
        %scan3A_43 = arith.constant 0 : i32
        %scan3A_44 = arith.constant 20 : i32
        %scan3A_45 = arith.addi %scan3A_43, %scan3A_44 : i32
        %scan3A_46 = arith.constant 1 : i32
        scf.for %scan3A_54 = %scan3A_43 to %scan3A_45 step %scan3A_46  : i32 {
          %mul3A_55 = arith.constant 2 : i32
          %mul3A_56 = arith.muli %mul3A_55, %scan3A_54 : i32
          %dma_wait3A_57 = arith.constant 0 : i32
          %dma_wait3A_58 = tpu.memref_slice %arg9[%mul3A_56, %dma_wait3A_57] : memref<40x128xi32, #tpu.memory_space<vmem>> -> memref<1x128xi32, #tpu.memory_space<vmem>>
          %dma_wait3A_59 = tpu.memref_squeeze %dma_wait3A_58 : memref<1x128xi32, #tpu.memory_space<vmem>> -> memref<128xi32, #tpu.memory_space<vmem>>
          %dma_wait3A_60 = arith.constant 0 : i32
          %dma_wait3A_61 = arith.constant 0 : i32
          %dma_wait3A_62 = tpu.memref_slice %arg3[%dma_wait3A_60, %dma_wait3A_61] : memref<10000x128xf32, #tpu.memory_space<hbm>> -> memref<10000x128xf32, #tpu.memory_space<hbm>>
          tpu.wait_indirect_dma semaphore(%arg14 : memref<!tpu.dma_semaphore, #tpu.memory_space<semaphore_mem>>) src(%dma_wait3A_62 : memref<10000x128xf32, #tpu.memory_space<hbm>>) dst(%arg11 : memref<128x128xf32, #tpu.memory_space<vmem>>)
          %dma_start3A_63 = arith.constant 0 : i32
          %dma_start3A_64 = tpu.memref_slice %arg10[%mul3A_56, %dma_start3A_63] : memref<40x128xi32, #tpu.memory_space<vmem>> -> memref<1x128xi32, #tpu.memory_space<vmem>>
          %dma_start3A_65 = tpu.memref_squeeze %dma_start3A_64 : memref<1x128xi32, #tpu.memory_space<vmem>> -> memref<128xi32, #tpu.memory_space<vmem>>
          %dma_start3A_66 = arith.constant 0 : i32
          %dma_start3A_67 = arith.constant 0 : i32
          %dma_start3A_68 = tpu.memref_slice %arg13[%dma_start3A_66, %dma_start3A_67] : memref<10240x128xf32, #tpu.memory_space<vmem_shared>> -> memref<10240x128xf32, #tpu.memory_space<vmem_shared>>
          tpu.enqueue_indirect_dma source(%arg11 : memref<128x128xf32, #tpu.memory_space<vmem>>) target(%dma_start3A_68 : memref<10240x128xf32, #tpu.memory_space<vmem_shared>>) offsets(%dma_start3A_65 : memref<128xi32, #tpu.memory_space<vmem>>) semaphore(%arg16 : memref<!tpu.dma_semaphore, #tpu.memory_space<semaphore_mem>>) {add = true}
          %gt3A = arith.constant 0 : i32
          %gt3A_69 = arith.cmpi sgt, %scan3A_54, %gt3A : i32
          %convert_element_type3A_70 = arith.extui %gt3A_69 : i1 to i32
          %cond3A_71 = arith.constant 0 : i32
          %cond3A_72 = arith.cmpi ne, %convert_element_type3A_70, %cond3A_71 : i32
          scf.if %cond3A_72 {
            %dma_wait3A_107 = arith.constant 0 : i32
            %dma_wait3A_108 = tpu.memref_slice %arg10[%mul3A_56, %dma_wait3A_107] : memref<40x128xi32, #tpu.memory_space<vmem>> -> memref<1x128xi32, #tpu.memory_space<vmem>>
            %dma_wait3A_109 = tpu.memref_squeeze %dma_wait3A_108 : memref<1x128xi32, #tpu.memory_space<vmem>> -> memref<128xi32, #tpu.memory_space<vmem>>
            %dma_wait3A_110 = arith.constant 0 : i32
            %dma_wait3A_111 = arith.constant 0 : i32
            %dma_wait3A_112 = tpu.memref_slice %arg13[%dma_wait3A_110, %dma_wait3A_111] : memref<10240x128xf32, #tpu.memory_space<vmem_shared>> -> memref<10240x128xf32, #tpu.memory_space<vmem_shared>>
            tpu.wait_indirect_dma semaphore(%arg17 : memref<!tpu.dma_semaphore, #tpu.memory_space<semaphore_mem>>) src(%arg12 : memref<128x128xf32, #tpu.memory_space<vmem>>) dst(%dma_wait3A_112 : memref<10240x128xf32, #tpu.memory_space<vmem_shared>>)
          } else {
          }
          %add3A_73 = arith.constant 1 : i32
          %add3A_74 = arith.addi %mul3A_56, %add3A_73 : i32
          %dma_start3A_75 = arith.constant 0 : i32
          %dma_start3A_76 = tpu.memref_slice %arg9[%add3A_74, %dma_start3A_75] : memref<40x128xi32, #tpu.memory_space<vmem>> -> memref<1x128xi32, #tpu.memory_space<vmem>>
          %dma_start3A_77 = tpu.memref_squeeze %dma_start3A_76 : memref<1x128xi32, #tpu.memory_space<vmem>> -> memref<128xi32, #tpu.memory_space<vmem>>
          %dma_start3A_78 = arith.constant 0 : i32
          %dma_start3A_79 = arith.constant 0 : i32
          %dma_start3A_80 = tpu.memref_slice %arg3[%dma_start3A_78, %dma_start3A_79] : memref<10000x128xf32, #tpu.memory_space<hbm>> -> memref<10000x128xf32, #tpu.memory_space<hbm>>
          tpu.enqueue_indirect_dma source(%dma_start3A_80 : memref<10000x128xf32, #tpu.memory_space<hbm>>) target(%arg12 : memref<128x128xf32, #tpu.memory_space<vmem>>) offsets(%dma_start3A_77 : memref<128xi32, #tpu.memory_space<vmem>>) semaphore(%arg15 : memref<!tpu.dma_semaphore, #tpu.memory_space<semaphore_mem>>)
          %add3A_81 = arith.constant 1 : i32
          %add3A_82 = arith.addi %mul3A_56, %add3A_81 : i32
          %dma_wait3A_83 = arith.constant 0 : i32
          %dma_wait3A_84 = tpu.memref_slice %arg9[%add3A_82, %dma_wait3A_83] : memref<40x128xi32, #tpu.memory_space<vmem>> -> memref<1x128xi32, #tpu.memory_space<vmem>>
          %dma_wait3A_85 = tpu.memref_squeeze %dma_wait3A_84 : memref<1x128xi32, #tpu.memory_space<vmem>> -> memref<128xi32, #tpu.memory_space<vmem>>
          %dma_wait3A_86 = arith.constant 0 : i32
          %dma_wait3A_87 = arith.constant 0 : i32
          %dma_wait3A_88 = tpu.memref_slice %arg3[%dma_wait3A_86, %dma_wait3A_87] : memref<10000x128xf32, #tpu.memory_space<hbm>> -> memref<10000x128xf32, #tpu.memory_space<hbm>>
          tpu.wait_indirect_dma semaphore(%arg15 : memref<!tpu.dma_semaphore, #tpu.memory_space<semaphore_mem>>) src(%dma_wait3A_88 : memref<10000x128xf32, #tpu.memory_space<hbm>>) dst(%arg12 : memref<128x128xf32, #tpu.memory_space<vmem>>)
          %add3A_89 = arith.constant 1 : i32
          %add3A_90 = arith.addi %mul3A_56, %add3A_89 : i32
          %dma_start3A_91 = arith.constant 0 : i32
          %dma_start3A_92 = tpu.memref_slice %arg10[%add3A_90, %dma_start3A_91] : memref<40x128xi32, #tpu.memory_space<vmem>> -> memref<1x128xi32, #tpu.memory_space<vmem>>
          %dma_start3A_93 = tpu.memref_squeeze %dma_start3A_92 : memref<1x128xi32, #tpu.memory_space<vmem>> -> memref<128xi32, #tpu.memory_space<vmem>>
          %dma_start3A_94 = arith.constant 0 : i32
          %dma_start3A_95 = arith.constant 0 : i32
          %dma_start3A_96 = tpu.memref_slice %arg13[%dma_start3A_94, %dma_start3A_95] : memref<10240x128xf32, #tpu.memory_space<vmem_shared>> -> memref<10240x128xf32, #tpu.memory_space<vmem_shared>>
          tpu.enqueue_indirect_dma source(%arg12 : memref<128x128xf32, #tpu.memory_space<vmem>>) target(%dma_start3A_96 : memref<10240x128xf32, #tpu.memory_space<vmem_shared>>) offsets(%dma_start3A_93 : memref<128xi32, #tpu.memory_space<vmem>>) semaphore(%arg17 : memref<!tpu.dma_semaphore, #tpu.memory_space<semaphore_mem>>) {add = true}
          %dma_wait3A_97 = arith.constant 0 : i32
          %dma_wait3A_98 = tpu.memref_slice %arg10[%mul3A_56, %dma_wait3A_97] : memref<40x128xi32, #tpu.memory_space<vmem>> -> memref<1x128xi32, #tpu.memory_space<vmem>>
          %dma_wait3A_99 = tpu.memref_squeeze %dma_wait3A_98 : memref<1x128xi32, #tpu.memory_space<vmem>> -> memref<128xi32, #tpu.memory_space<vmem>>
          %dma_wait3A_100 = arith.constant 0 : i32
          %dma_wait3A_101 = arith.constant 0 : i32
          %dma_wait3A_102 = tpu.memref_slice %arg13[%dma_wait3A_100, %dma_wait3A_101] : memref<10240x128xf32, #tpu.memory_space<vmem_shared>> -> memref<10240x128xf32, #tpu.memory_space<vmem_shared>>
          tpu.wait_indirect_dma semaphore(%arg16 : memref<!tpu.dma_semaphore, #tpu.memory_space<semaphore_mem>>) src(%arg11 : memref<128x128xf32, #tpu.memory_space<vmem>>) dst(%dma_wait3A_102 : memref<10240x128xf32, #tpu.memory_space<vmem_shared>>)
          %lt3A = arith.constant 19 : i32
          %lt3A_103 = arith.cmpi slt, %scan3A_54, %lt3A : i32
          %convert_element_type3A_104 = arith.extui %lt3A_103 : i1 to i32
          %cond3A_105 = arith.constant 0 : i32
          %cond3A_106 = arith.cmpi ne, %convert_element_type3A_104, %cond3A_105 : i32
          scf.if %cond3A_106 {
            %add3A_107 = arith.constant 2 : i32
            %add3A_108 = arith.addi %mul3A_56, %add3A_107 : i32
            %dma_start3A_109 = arith.constant 0 : i32
            %dma_start3A_110 = tpu.memref_slice %arg9[%add3A_108, %dma_start3A_109] : memref<40x128xi32, #tpu.memory_space<vmem>> -> memref<1x128xi32, #tpu.memory_space<vmem>>
            %dma_start3A_111 = tpu.memref_squeeze %dma_start3A_110 : memref<1x128xi32, #tpu.memory_space<vmem>> -> memref<128xi32, #tpu.memory_space<vmem>>
            %dma_start3A_112 = arith.constant 0 : i32
            %dma_start3A_113 = arith.constant 0 : i32
            %dma_start3A_114 = tpu.memref_slice %arg3[%dma_start3A_112, %dma_start3A_113] : memref<10000x128xf32, #tpu.memory_space<hbm>> -> memref<10000x128xf32, #tpu.memory_space<hbm>>
            tpu.enqueue_indirect_dma source(%dma_start3A_114 : memref<10000x128xf32, #tpu.memory_space<hbm>>) target(%arg11 : memref<128x128xf32, #tpu.memory_space<vmem>>) offsets(%dma_start3A_111 : memref<128xi32, #tpu.memory_space<vmem>>) semaphore(%arg14 : memref<!tpu.dma_semaphore, #tpu.memory_space<semaphore_mem>>)
          } else {
          }
        }
        %scan3A_47 = arith.constant 20 : i32
        %dma_wait3A = arith.constant 0 : i32
        %dma_wait3A_48 = arith.constant 0 : i32
        %dma_wait3A_49 = tpu.memref_slice %arg10[%dma_wait3A, %dma_wait3A_48] : memref<40x128xi32, #tpu.memory_space<vmem>> -> memref<1x128xi32, #tpu.memory_space<vmem>>
        %dma_wait3A_50 = tpu.memref_squeeze %dma_wait3A_49 : memref<1x128xi32, #tpu.memory_space<vmem>> -> memref<128xi32, #tpu.memory_space<vmem>>
        %dma_wait3A_51 = arith.constant 0 : i32
        %dma_wait3A_52 = arith.constant 0 : i32
        %dma_wait3A_53 = tpu.memref_slice %arg13[%dma_wait3A_51, %dma_wait3A_52] : memref<10240x128xf32, #tpu.memory_space<vmem_shared>> -> memref<10240x128xf32, #tpu.memory_space<vmem_shared>>
        tpu.wait_indirect_dma semaphore(%arg17 : memref<!tpu.dma_semaphore, #tpu.memory_space<semaphore_mem>>) src(%arg12 : memref<128x128xf32, #tpu.memory_space<vmem>>) dst(%dma_wait3A_53 : memref<10240x128xf32, #tpu.memory_space<vmem_shared>>)
      }
      %scan3A_25 = arith.constant 4 : i32
    } else {
    }
    %barrier3A_10 = arith.constant 0 : index
    tpu.barrier barrier_id(%barrier3A_10)
    %eq3A_11 = arith.constant 0 : i32
    %eq3A_12 = arith.cmpi eq, %arg0, %eq3A_11 : i32
    %convert_element_type3A_13 = arith.extui %eq3A_12 : i1 to i32
    %cond3A_14 = arith.constant 0 : i32
    %cond3A_15 = arith.cmpi ne, %convert_element_type3A_13, %cond3A_14 : i32
    scf.if %cond3A_15 {
      %mul3A_21 = arith.constant 640 : i32
      %mul3A_22 = arith.muli %arg1, %mul3A_21 : i32
      %mul3A_23 = arith.constant 640 : i32
      %mul3A_24 = arith.muli %arg1, %mul3A_23 : i32
      "tpu.region"() ({
        %run_scoped3A = tpu.sem_alloc : memref<!tpu.dma_semaphore, #tpu.memory_space<semaphore_mem>>
        %dma_start3A = arith.constant 0 : i32
        %dma_start3A_25 = tpu.memref_slice %arg7[%mul3A_24, %dma_start3A] : memref<10240x128xf32, #tpu.memory_space<hbm>> -> memref<640x128xf32, #tpu.memory_space<hbm>>
        %dma_start3A_26 = arith.constant 0 : i32
        %dma_start3A_27 = tpu.memref_slice %arg13[%mul3A_22, %dma_start3A_26] : memref<10240x128xf32, #tpu.memory_space<vmem_shared>> -> memref<640x128xf32, #tpu.memory_space<vmem_shared>>
        tpu.enqueue_dma source(%dma_start3A_27 : memref<640x128xf32, #tpu.memory_space<vmem_shared>>) target(%dma_start3A_25 : memref<640x128xf32, #tpu.memory_space<hbm>>) target_semaphore(%run_scoped3A : memref<!tpu.dma_semaphore, #tpu.memory_space<semaphore_mem>>)
        %dma_wait3A = arith.constant 0 : i32
        %dma_wait3A_28 = tpu.memref_slice %arg7[%mul3A_24, %dma_wait3A] : memref<10240x128xf32, #tpu.memory_space<hbm>> -> memref<640x128xf32, #tpu.memory_space<hbm>>
        %dma_wait3A_29 = arith.constant 0 : i32
        %dma_wait3A_30 = tpu.memref_slice %arg13[%mul3A_22, %dma_wait3A_29] : memref<10240x128xf32, #tpu.memory_space<vmem_shared>> -> memref<640x128xf32, #tpu.memory_space<vmem_shared>>
        tpu.wait_dma2 semaphore(%run_scoped3A : memref<!tpu.dma_semaphore, #tpu.memory_space<semaphore_mem>>) src(%dma_wait3A_30 : memref<640x128xf32, #tpu.memory_space<vmem_shared>>) dst(%dma_wait3A_28 : memref<640x128xf32, #tpu.memory_space<hbm>>)
        tpu.yield
      }) : () -> ()
    } else {
    }
    %eq3A_16 = arith.constant 1 : i32
    %eq3A_17 = arith.cmpi eq, %arg0, %eq3A_16 : i32
    %convert_element_type3A_18 = arith.extui %eq3A_17 : i1 to i32
    %cond3A_19 = arith.constant 0 : i32
    %cond3A_20 = arith.cmpi ne, %convert_element_type3A_18, %cond3A_19 : i32
    scf.if %cond3A_20 {
      %mul3A_21 = arith.constant 640 : i32
      %mul3A_22 = arith.muli %arg1, %mul3A_21 : i32
      %mul3A_23 = arith.constant 640 : i32
      %mul3A_24 = arith.muli %arg1, %mul3A_23 : i32
      "tpu.region"() ({
        %run_scoped3A = tpu.sem_alloc : memref<!tpu.dma_semaphore, #tpu.memory_space<semaphore_mem>>
        %dma_start3A = arith.constant 0 : i32
        %dma_start3A_25 = tpu.memref_slice %arg8[%mul3A_24, %dma_start3A] : memref<10240x128xf32, #tpu.memory_space<hbm>> -> memref<640x128xf32, #tpu.memory_space<hbm>>
        %dma_start3A_26 = arith.constant 0 : i32
        %dma_start3A_27 = tpu.memref_slice %arg13[%mul3A_22, %dma_start3A_26] : memref<10240x128xf32, #tpu.memory_space<vmem_shared>> -> memref<640x128xf32, #tpu.memory_space<vmem_shared>>
        tpu.enqueue_dma source(%dma_start3A_27 : memref<640x128xf32, #tpu.memory_space<vmem_shared>>) target(%dma_start3A_25 : memref<640x128xf32, #tpu.memory_space<hbm>>) target_semaphore(%run_scoped3A : memref<!tpu.dma_semaphore, #tpu.memory_space<semaphore_mem>>)
        %dma_wait3A = arith.constant 0 : i32
        %dma_wait3A_28 = tpu.memref_slice %arg8[%mul3A_24, %dma_wait3A] : memref<10240x128xf32, #tpu.memory_space<hbm>> -> memref<640x128xf32, #tpu.memory_space<hbm>>
        %dma_wait3A_29 = arith.constant 0 : i32
        %dma_wait3A_30 = tpu.memref_slice %arg13[%mul3A_22, %dma_wait3A_29] : memref<10240x128xf32, #tpu.memory_space<vmem_shared>> -> memref<640x128xf32, #tpu.memory_space<vmem_shared>>
        tpu.wait_dma2 semaphore(%run_scoped3A : memref<!tpu.dma_semaphore, #tpu.memory_space<semaphore_mem>>) src(%dma_wait3A_30 : memref<640x128xf32, #tpu.memory_space<vmem_shared>>) dst(%dma_wait3A_28 : memref<640x128xf32, #tpu.memory_space<hbm>>)
        tpu.yield
      }) : () -> ()
    } else {
    }
    return
  }
}

#map = affine_map<(d0, d1) -> (0, 0)>
#map1 = affine_map<(d0, d1) -> (0, 0, 0)>
module attributes {stable_mosaic.version = 14 : i64} {
  func.func @sc_aggp(%arg0: i32, %arg1: i32, %arg2: memref<10000x128xf32, #tpu.memory_space<hbm>>, %arg3: memref<10000x128xf32, #tpu.memory_space<hbm>>, %arg4: memref<2560x128xi32, #tpu.memory_space<hbm>>, %arg5: memref<2560x128xi32, #tpu.memory_space<hbm>>, %arg6: memref<10240x128xf32, #tpu.memory_space<hbm>>, %arg7: memref<2x10240x128xf32, #tpu.memory_space<hbm>>, %arg8: memref<40x128xi32, #tpu.memory_space<vmem>>, %arg9: memref<40x128xi32, #tpu.memory_space<vmem>>, %arg10: memref<128x128xf32, #tpu.memory_space<vmem>>, %arg11: memref<128x128xf32, #tpu.memory_space<vmem>>, %arg12: memref<10240x128xf32, #tpu.memory_space<vmem_shared>>, %arg13: memref<!tpu.dma_semaphore, #tpu.memory_space<semaphore_mem>>, %arg14: memref<!tpu.dma_semaphore, #tpu.memory_space<semaphore_mem>>, %arg15: memref<!tpu.dma_semaphore, #tpu.memory_space<semaphore_mem>>, %arg16: memref<!tpu.dma_semaphore, #tpu.memory_space<semaphore_mem>>) attributes {dimension_semantics = [#tpu.dimension_semantics<core_parallel>, #tpu.dimension_semantics<subcore_parallel>], iteration_bounds = array<i64: 2, 16>, scalar_prefetch = 0 : i64, scratch_operands = 9 : i64, tpu.core_type = #tpu.core_type<sc_vector_subcore>, window_params = [{transform_indices = #map}, {transform_indices = #map}, {transform_indices = #map}, {transform_indices = #map}, {transform_indices = #map}, {transform_indices = #map1}]} {
    %mul3A = arith.constant 640 : i32
    %mul3A_0 = arith.muli %arg1, %mul3A : i32
    %mul3A_1 = arith.constant 640 : i32
    %mul3A_2 = arith.muli %arg1, %mul3A_1 : i32
    "tpu.region"() ({
      %run_scoped3A = tpu.sem_alloc : memref<!tpu.dma_semaphore, #tpu.memory_space<semaphore_mem>>
      %dma_start3A = arith.constant 0 : i32
      %dma_start3A_15 = tpu.memref_slice %arg12[%mul3A_2, %dma_start3A] : memref<10240x128xf32, #tpu.memory_space<vmem_shared>> -> memref<640x128xf32, #tpu.memory_space<vmem_shared>>
      %dma_start3A_16 = arith.constant 0 : i32
      %dma_start3A_17 = tpu.memref_slice %arg6[%mul3A_0, %dma_start3A_16] : memref<10240x128xf32, #tpu.memory_space<hbm>> -> memref<640x128xf32, #tpu.memory_space<hbm>>
      tpu.enqueue_dma source(%dma_start3A_17 : memref<640x128xf32, #tpu.memory_space<hbm>>) target(%dma_start3A_15 : memref<640x128xf32, #tpu.memory_space<vmem_shared>>) target_semaphore(%run_scoped3A : memref<!tpu.dma_semaphore, #tpu.memory_space<semaphore_mem>>)
      %dma_wait3A = arith.constant 0 : i32
      %dma_wait3A_18 = tpu.memref_slice %arg12[%mul3A_2, %dma_wait3A] : memref<10240x128xf32, #tpu.memory_space<vmem_shared>> -> memref<640x128xf32, #tpu.memory_space<vmem_shared>>
      %dma_wait3A_19 = arith.constant 0 : i32
      %dma_wait3A_20 = tpu.memref_slice %arg6[%mul3A_0, %dma_wait3A_19] : memref<10240x128xf32, #tpu.memory_space<hbm>> -> memref<640x128xf32, #tpu.memory_space<hbm>>
      tpu.wait_dma2 semaphore(%run_scoped3A : memref<!tpu.dma_semaphore, #tpu.memory_space<semaphore_mem>>) src(%dma_wait3A_20 : memref<640x128xf32, #tpu.memory_space<hbm>>) dst(%dma_wait3A_18 : memref<640x128xf32, #tpu.memory_space<vmem_shared>>)
      tpu.yield
    }) : () -> ()
    %barrier3A = arith.constant 0 : index
    tpu.barrier barrier_id(%barrier3A)
    %eq3A = arith.constant 0 : i32
    %eq3A_3 = arith.cmpi eq, %arg0, %eq3A : i32
    %convert_element_type3A = arith.extui %eq3A_3 : i1 to i32
    %cond3A = arith.constant 0 : i32
    %cond3A_4 = arith.cmpi ne, %convert_element_type3A, %cond3A : i32
    scf.if %cond3A_4 {
      %scan3A = arith.constant 0 : i32
      %scan3A_15 = arith.constant 0 : i32
      %scan3A_16 = arith.constant 2 : i32
      %scan3A_17 = arith.addi %scan3A_15, %scan3A_16 : i32
      %scan3A_18 = arith.constant 1 : i32
      scf.for %scan3A_20 = %scan3A_15 to %scan3A_17 step %scan3A_18  : i32 {
        %mul3A_21 = arith.constant 160 : i32
        %mul3A_22 = arith.muli %arg1, %mul3A_21 : i32
        %mul3A_23 = arith.constant 80 : i32
        %mul3A_24 = arith.muli %scan3A_20, %mul3A_23 : i32
        %add3A = arith.addi %mul3A_22, %mul3A_24 : i32
        %add3A_25 = arith.constant 0 : i32
        %add3A_26 = arith.addi %add3A, %add3A_25 : i32
        "tpu.region"() ({
          %run_scoped3A = tpu.sem_alloc : memref<!tpu.dma_semaphore, #tpu.memory_space<semaphore_mem>>
          %dma_start3A_45 = arith.constant 0 : i32
          %dma_start3A_46 = tpu.memref_slice %arg4[%add3A_26, %dma_start3A_45] : memref<2560x128xi32, #tpu.memory_space<hbm>> -> memref<40x128xi32, #tpu.memory_space<hbm>>
          %dma_start3A_47 = arith.constant 0 : i32
          %dma_start3A_48 = tpu.memref_slice %arg4[%add3A_26, %dma_start3A_47] : memref<2560x128xi32, #tpu.memory_space<hbm>> -> memref<40x128xi32, #tpu.memory_space<hbm>>
          tpu.enqueue_dma source(%dma_start3A_48 : memref<40x128xi32, #tpu.memory_space<hbm>>) target(%arg8 : memref<40x128xi32, #tpu.memory_space<vmem>>) target_semaphore(%run_scoped3A : memref<!tpu.dma_semaphore, #tpu.memory_space<semaphore_mem>>)
          %dma_wait3A_49 = arith.constant 0 : i32
          %dma_wait3A_50 = tpu.memref_slice %arg4[%add3A_26, %dma_wait3A_49] : memref<2560x128xi32, #tpu.memory_space<hbm>> -> memref<40x128xi32, #tpu.memory_space<hbm>>
          %dma_wait3A_51 = arith.constant 0 : i32
          %dma_wait3A_52 = tpu.memref_slice %arg4[%add3A_26, %dma_wait3A_51] : memref<2560x128xi32, #tpu.memory_space<hbm>> -> memref<40x128xi32, #tpu.memory_space<hbm>>
          tpu.wait_dma2 semaphore(%run_scoped3A : memref<!tpu.dma_semaphore, #tpu.memory_space<semaphore_mem>>) src(%dma_wait3A_52 : memref<40x128xi32, #tpu.memory_space<hbm>>) dst(%arg8 : memref<40x128xi32, #tpu.memory_space<vmem>>)
          tpu.yield
        }) : () -> ()
        "tpu.region"() ({
          %run_scoped3A = tpu.sem_alloc : memref<!tpu.dma_semaphore, #tpu.memory_space<semaphore_mem>>
          %dma_start3A_45 = arith.constant 0 : i32
          %dma_start3A_46 = tpu.memref_slice %arg5[%add3A_26, %dma_start3A_45] : memref<2560x128xi32, #tpu.memory_space<hbm>> -> memref<40x128xi32, #tpu.memory_space<hbm>>
          %dma_start3A_47 = arith.constant 0 : i32
          %dma_start3A_48 = tpu.memref_slice %arg5[%add3A_26, %dma_start3A_47] : memref<2560x128xi32, #tpu.memory_space<hbm>> -> memref<40x128xi32, #tpu.memory_space<hbm>>
          tpu.enqueue_dma source(%dma_start3A_48 : memref<40x128xi32, #tpu.memory_space<hbm>>) target(%arg9 : memref<40x128xi32, #tpu.memory_space<vmem>>) target_semaphore(%run_scoped3A : memref<!tpu.dma_semaphore, #tpu.memory_space<semaphore_mem>>)
          %dma_wait3A_49 = arith.constant 0 : i32
          %dma_wait3A_50 = tpu.memref_slice %arg5[%add3A_26, %dma_wait3A_49] : memref<2560x128xi32, #tpu.memory_space<hbm>> -> memref<40x128xi32, #tpu.memory_space<hbm>>
          %dma_wait3A_51 = arith.constant 0 : i32
          %dma_wait3A_52 = tpu.memref_slice %arg5[%add3A_26, %dma_wait3A_51] : memref<2560x128xi32, #tpu.memory_space<hbm>> -> memref<40x128xi32, #tpu.memory_space<hbm>>
          tpu.wait_dma2 semaphore(%run_scoped3A : memref<!tpu.dma_semaphore, #tpu.memory_space<semaphore_mem>>) src(%dma_wait3A_52 : memref<40x128xi32, #tpu.memory_space<hbm>>) dst(%arg9 : memref<40x128xi32, #tpu.memory_space<vmem>>)
          tpu.yield
        }) : () -> ()
        %dma_start3A = arith.constant 0 : i32
        %dma_start3A_27 = arith.constant 0 : i32
        %dma_start3A_28 = tpu.memref_slice %arg8[%dma_start3A, %dma_start3A_27] : memref<40x128xi32, #tpu.memory_space<vmem>> -> memref<1x128xi32, #tpu.memory_space<vmem>>
        %dma_start3A_29 = tpu.memref_squeeze %dma_start3A_28 : memref<1x128xi32, #tpu.memory_space<vmem>> -> memref<128xi32, #tpu.memory_space<vmem>>
        %dma_start3A_30 = arith.constant 0 : i32
        %dma_start3A_31 = arith.constant 0 : i32
        %dma_start3A_32 = tpu.memref_slice %arg2[%dma_start3A_30, %dma_start3A_31] : memref<10000x128xf32, #tpu.memory_space<hbm>> -> memref<10000x128xf32, #tpu.memory_space<hbm>>
        tpu.enqueue_indirect_dma source(%dma_start3A_32 : memref<10000x128xf32, #tpu.memory_space<hbm>>) target(%arg10 : memref<128x128xf32, #tpu.memory_space<vmem>>) offsets(%dma_start3A_29 : memref<128xi32, #tpu.memory_space<vmem>>) semaphore(%arg13 : memref<!tpu.dma_semaphore, #tpu.memory_space<semaphore_mem>>)
        %scan3A_33 = arith.constant 0 : i32
        %scan3A_34 = arith.constant 0 : i32
        %scan3A_35 = arith.constant 20 : i32
        %scan3A_36 = arith.addi %scan3A_34, %scan3A_35 : i32
        %scan3A_37 = arith.constant 1 : i32
        scf.for %scan3A_45 = %scan3A_34 to %scan3A_36 step %scan3A_37  : i32 {
          %mul3A_46 = arith.constant 2 : i32
          %mul3A_47 = arith.muli %mul3A_46, %scan3A_45 : i32
          %dma_wait3A_48 = arith.constant 0 : i32
          %dma_wait3A_49 = tpu.memref_slice %arg8[%mul3A_47, %dma_wait3A_48] : memref<40x128xi32, #tpu.memory_space<vmem>> -> memref<1x128xi32, #tpu.memory_space<vmem>>
          %dma_wait3A_50 = tpu.memref_squeeze %dma_wait3A_49 : memref<1x128xi32, #tpu.memory_space<vmem>> -> memref<128xi32, #tpu.memory_space<vmem>>
          %dma_wait3A_51 = arith.constant 0 : i32
          %dma_wait3A_52 = arith.constant 0 : i32
          %dma_wait3A_53 = tpu.memref_slice %arg2[%dma_wait3A_51, %dma_wait3A_52] : memref<10000x128xf32, #tpu.memory_space<hbm>> -> memref<10000x128xf32, #tpu.memory_space<hbm>>
          tpu.wait_indirect_dma semaphore(%arg13 : memref<!tpu.dma_semaphore, #tpu.memory_space<semaphore_mem>>) src(%dma_wait3A_53 : memref<10000x128xf32, #tpu.memory_space<hbm>>) dst(%arg10 : memref<128x128xf32, #tpu.memory_space<vmem>>)
          %dma_start3A_54 = arith.constant 0 : i32
          %dma_start3A_55 = tpu.memref_slice %arg9[%mul3A_47, %dma_start3A_54] : memref<40x128xi32, #tpu.memory_space<vmem>> -> memref<1x128xi32, #tpu.memory_space<vmem>>
          %dma_start3A_56 = tpu.memref_squeeze %dma_start3A_55 : memref<1x128xi32, #tpu.memory_space<vmem>> -> memref<128xi32, #tpu.memory_space<vmem>>
          %dma_start3A_57 = arith.constant 0 : i32
          %dma_start3A_58 = arith.constant 0 : i32
          %dma_start3A_59 = tpu.memref_slice %arg12[%dma_start3A_57, %dma_start3A_58] : memref<10240x128xf32, #tpu.memory_space<vmem_shared>> -> memref<10240x128xf32, #tpu.memory_space<vmem_shared>>
          tpu.enqueue_indirect_dma source(%arg10 : memref<128x128xf32, #tpu.memory_space<vmem>>) target(%dma_start3A_59 : memref<10240x128xf32, #tpu.memory_space<vmem_shared>>) offsets(%dma_start3A_56 : memref<128xi32, #tpu.memory_space<vmem>>) semaphore(%arg15 : memref<!tpu.dma_semaphore, #tpu.memory_space<semaphore_mem>>) {add = true}
          %gt3A = arith.constant 0 : i32
          %gt3A_60 = arith.cmpi sgt, %scan3A_45, %gt3A : i32
          %convert_element_type3A_61 = arith.extui %gt3A_60 : i1 to i32
          %cond3A_62 = arith.constant 0 : i32
          %cond3A_63 = arith.cmpi ne, %convert_element_type3A_61, %cond3A_62 : i32
          scf.if %cond3A_63 {
            %dma_wait3A_98 = arith.constant 0 : i32
            %dma_wait3A_99 = tpu.memref_slice %arg9[%mul3A_47, %dma_wait3A_98] : memref<40x128xi32, #tpu.memory_space<vmem>> -> memref<1x128xi32, #tpu.memory_space<vmem>>
            %dma_wait3A_100 = tpu.memref_squeeze %dma_wait3A_99 : memref<1x128xi32, #tpu.memory_space<vmem>> -> memref<128xi32, #tpu.memory_space<vmem>>
            %dma_wait3A_101 = arith.constant 0 : i32
            %dma_wait3A_102 = arith.constant 0 : i32
            %dma_wait3A_103 = tpu.memref_slice %arg12[%dma_wait3A_101, %dma_wait3A_102] : memref<10240x128xf32, #tpu.memory_space<vmem_shared>> -> memref<10240x128xf32, #tpu.memory_space<vmem_shared>>
            tpu.wait_indirect_dma semaphore(%arg16 : memref<!tpu.dma_semaphore, #tpu.memory_space<semaphore_mem>>) src(%arg11 : memref<128x128xf32, #tpu.memory_space<vmem>>) dst(%dma_wait3A_103 : memref<10240x128xf32, #tpu.memory_space<vmem_shared>>)
          } else {
          }
          %add3A_64 = arith.constant 1 : i32
          %add3A_65 = arith.addi %mul3A_47, %add3A_64 : i32
          %dma_start3A_66 = arith.constant 0 : i32
          %dma_start3A_67 = tpu.memref_slice %arg8[%add3A_65, %dma_start3A_66] : memref<40x128xi32, #tpu.memory_space<vmem>> -> memref<1x128xi32, #tpu.memory_space<vmem>>
          %dma_start3A_68 = tpu.memref_squeeze %dma_start3A_67 : memref<1x128xi32, #tpu.memory_space<vmem>> -> memref<128xi32, #tpu.memory_space<vmem>>
          %dma_start3A_69 = arith.constant 0 : i32
          %dma_start3A_70 = arith.constant 0 : i32
          %dma_start3A_71 = tpu.memref_slice %arg2[%dma_start3A_69, %dma_start3A_70] : memref<10000x128xf32, #tpu.memory_space<hbm>> -> memref<10000x128xf32, #tpu.memory_space<hbm>>
          tpu.enqueue_indirect_dma source(%dma_start3A_71 : memref<10000x128xf32, #tpu.memory_space<hbm>>) target(%arg11 : memref<128x128xf32, #tpu.memory_space<vmem>>) offsets(%dma_start3A_68 : memref<128xi32, #tpu.memory_space<vmem>>) semaphore(%arg14 : memref<!tpu.dma_semaphore, #tpu.memory_space<semaphore_mem>>)
          %add3A_72 = arith.constant 1 : i32
          %add3A_73 = arith.addi %mul3A_47, %add3A_72 : i32
          %dma_wait3A_74 = arith.constant 0 : i32
          %dma_wait3A_75 = tpu.memref_slice %arg8[%add3A_73, %dma_wait3A_74] : memref<40x128xi32, #tpu.memory_space<vmem>> -> memref<1x128xi32, #tpu.memory_space<vmem>>
          %dma_wait3A_76 = tpu.memref_squeeze %dma_wait3A_75 : memref<1x128xi32, #tpu.memory_space<vmem>> -> memref<128xi32, #tpu.memory_space<vmem>>
          %dma_wait3A_77 = arith.constant 0 : i32
          %dma_wait3A_78 = arith.constant 0 : i32
          %dma_wait3A_79 = tpu.memref_slice %arg2[%dma_wait3A_77, %dma_wait3A_78] : memref<10000x128xf32, #tpu.memory_space<hbm>> -> memref<10000x128xf32, #tpu.memory_space<hbm>>
          tpu.wait_indirect_dma semaphore(%arg14 : memref<!tpu.dma_semaphore, #tpu.memory_space<semaphore_mem>>) src(%dma_wait3A_79 : memref<10000x128xf32, #tpu.memory_space<hbm>>) dst(%arg11 : memref<128x128xf32, #tpu.memory_space<vmem>>)
          %add3A_80 = arith.constant 1 : i32
          %add3A_81 = arith.addi %mul3A_47, %add3A_80 : i32
          %dma_start3A_82 = arith.constant 0 : i32
          %dma_start3A_83 = tpu.memref_slice %arg9[%add3A_81, %dma_start3A_82] : memref<40x128xi32, #tpu.memory_space<vmem>> -> memref<1x128xi32, #tpu.memory_space<vmem>>
          %dma_start3A_84 = tpu.memref_squeeze %dma_start3A_83 : memref<1x128xi32, #tpu.memory_space<vmem>> -> memref<128xi32, #tpu.memory_space<vmem>>
          %dma_start3A_85 = arith.constant 0 : i32
          %dma_start3A_86 = arith.constant 0 : i32
          %dma_start3A_87 = tpu.memref_slice %arg12[%dma_start3A_85, %dma_start3A_86] : memref<10240x128xf32, #tpu.memory_space<vmem_shared>> -> memref<10240x128xf32, #tpu.memory_space<vmem_shared>>
          tpu.enqueue_indirect_dma source(%arg11 : memref<128x128xf32, #tpu.memory_space<vmem>>) target(%dma_start3A_87 : memref<10240x128xf32, #tpu.memory_space<vmem_shared>>) offsets(%dma_start3A_84 : memref<128xi32, #tpu.memory_space<vmem>>) semaphore(%arg16 : memref<!tpu.dma_semaphore, #tpu.memory_space<semaphore_mem>>) {add = true}
          %dma_wait3A_88 = arith.constant 0 : i32
          %dma_wait3A_89 = tpu.memref_slice %arg9[%mul3A_47, %dma_wait3A_88] : memref<40x128xi32, #tpu.memory_space<vmem>> -> memref<1x128xi32, #tpu.memory_space<vmem>>
          %dma_wait3A_90 = tpu.memref_squeeze %dma_wait3A_89 : memref<1x128xi32, #tpu.memory_space<vmem>> -> memref<128xi32, #tpu.memory_space<vmem>>
          %dma_wait3A_91 = arith.constant 0 : i32
          %dma_wait3A_92 = arith.constant 0 : i32
          %dma_wait3A_93 = tpu.memref_slice %arg12[%dma_wait3A_91, %dma_wait3A_92] : memref<10240x128xf32, #tpu.memory_space<vmem_shared>> -> memref<10240x128xf32, #tpu.memory_space<vmem_shared>>
          tpu.wait_indirect_dma semaphore(%arg15 : memref<!tpu.dma_semaphore, #tpu.memory_space<semaphore_mem>>) src(%arg10 : memref<128x128xf32, #tpu.memory_space<vmem>>) dst(%dma_wait3A_93 : memref<10240x128xf32, #tpu.memory_space<vmem_shared>>)
          %lt3A = arith.constant 19 : i32
          %lt3A_94 = arith.cmpi slt, %scan3A_45, %lt3A : i32
          %convert_element_type3A_95 = arith.extui %lt3A_94 : i1 to i32
          %cond3A_96 = arith.constant 0 : i32
          %cond3A_97 = arith.cmpi ne, %convert_element_type3A_95, %cond3A_96 : i32
          scf.if %cond3A_97 {
            %add3A_98 = arith.constant 2 : i32
            %add3A_99 = arith.addi %mul3A_47, %add3A_98 : i32
            %dma_start3A_100 = arith.constant 0 : i32
            %dma_start3A_101 = tpu.memref_slice %arg8[%add3A_99, %dma_start3A_100] : memref<40x128xi32, #tpu.memory_space<vmem>> -> memref<1x128xi32, #tpu.memory_space<vmem>>
            %dma_start3A_102 = tpu.memref_squeeze %dma_start3A_101 : memref<1x128xi32, #tpu.memory_space<vmem>> -> memref<128xi32, #tpu.memory_space<vmem>>
            %dma_start3A_103 = arith.constant 0 : i32
            %dma_start3A_104 = arith.constant 0 : i32
            %dma_start3A_105 = tpu.memref_slice %arg2[%dma_start3A_103, %dma_start3A_104] : memref<10000x128xf32, #tpu.memory_space<hbm>> -> memref<10000x128xf32, #tpu.memory_space<hbm>>
            tpu.enqueue_indirect_dma source(%dma_start3A_105 : memref<10000x128xf32, #tpu.memory_space<hbm>>) target(%arg10 : memref<128x128xf32, #tpu.memory_space<vmem>>) offsets(%dma_start3A_102 : memref<128xi32, #tpu.memory_space<vmem>>) semaphore(%arg13 : memref<!tpu.dma_semaphore, #tpu.memory_space<semaphore_mem>>)
          } else {
          }
        }
        %scan3A_38 = arith.constant 20 : i32
        %dma_wait3A = arith.constant 0 : i32
        %dma_wait3A_39 = arith.constant 0 : i32
        %dma_wait3A_40 = tpu.memref_slice %arg9[%dma_wait3A, %dma_wait3A_39] : memref<40x128xi32, #tpu.memory_space<vmem>> -> memref<1x128xi32, #tpu.memory_space<vmem>>
        %dma_wait3A_41 = tpu.memref_squeeze %dma_wait3A_40 : memref<1x128xi32, #tpu.memory_space<vmem>> -> memref<128xi32, #tpu.memory_space<vmem>>
        %dma_wait3A_42 = arith.constant 0 : i32
        %dma_wait3A_43 = arith.constant 0 : i32
        %dma_wait3A_44 = tpu.memref_slice %arg12[%dma_wait3A_42, %dma_wait3A_43] : memref<10240x128xf32, #tpu.memory_space<vmem_shared>> -> memref<10240x128xf32, #tpu.memory_space<vmem_shared>>
        tpu.wait_indirect_dma semaphore(%arg16 : memref<!tpu.dma_semaphore, #tpu.memory_space<semaphore_mem>>) src(%arg11 : memref<128x128xf32, #tpu.memory_space<vmem>>) dst(%dma_wait3A_44 : memref<10240x128xf32, #tpu.memory_space<vmem_shared>>)
      }
      %scan3A_19 = arith.constant 2 : i32
    } else {
    }
    %eq3A_5 = arith.constant 1 : i32
    %eq3A_6 = arith.cmpi eq, %arg0, %eq3A_5 : i32
    %convert_element_type3A_7 = arith.extui %eq3A_6 : i1 to i32
    %cond3A_8 = arith.constant 0 : i32
    %cond3A_9 = arith.cmpi ne, %convert_element_type3A_7, %cond3A_8 : i32
    scf.if %cond3A_9 {
      %scan3A = arith.constant 0 : i32
      %scan3A_15 = arith.constant 0 : i32
      %scan3A_16 = arith.constant 2 : i32
      %scan3A_17 = arith.addi %scan3A_15, %scan3A_16 : i32
      %scan3A_18 = arith.constant 1 : i32
      scf.for %scan3A_20 = %scan3A_15 to %scan3A_17 step %scan3A_18  : i32 {
        %mul3A_21 = arith.constant 160 : i32
        %mul3A_22 = arith.muli %arg1, %mul3A_21 : i32
        %mul3A_23 = arith.constant 80 : i32
        %mul3A_24 = arith.muli %scan3A_20, %mul3A_23 : i32
        %add3A = arith.addi %mul3A_22, %mul3A_24 : i32
        %add3A_25 = arith.constant 40 : i32
        %add3A_26 = arith.addi %add3A, %add3A_25 : i32
        "tpu.region"() ({
          %run_scoped3A = tpu.sem_alloc : memref<!tpu.dma_semaphore, #tpu.memory_space<semaphore_mem>>
          %dma_start3A_45 = arith.constant 0 : i32
          %dma_start3A_46 = tpu.memref_slice %arg4[%add3A_26, %dma_start3A_45] : memref<2560x128xi32, #tpu.memory_space<hbm>> -> memref<40x128xi32, #tpu.memory_space<hbm>>
          %dma_start3A_47 = arith.constant 0 : i32
          %dma_start3A_48 = tpu.memref_slice %arg4[%add3A_26, %dma_start3A_47] : memref<2560x128xi32, #tpu.memory_space<hbm>> -> memref<40x128xi32, #tpu.memory_space<hbm>>
          tpu.enqueue_dma source(%dma_start3A_48 : memref<40x128xi32, #tpu.memory_space<hbm>>) target(%arg8 : memref<40x128xi32, #tpu.memory_space<vmem>>) target_semaphore(%run_scoped3A : memref<!tpu.dma_semaphore, #tpu.memory_space<semaphore_mem>>)
          %dma_wait3A_49 = arith.constant 0 : i32
          %dma_wait3A_50 = tpu.memref_slice %arg4[%add3A_26, %dma_wait3A_49] : memref<2560x128xi32, #tpu.memory_space<hbm>> -> memref<40x128xi32, #tpu.memory_space<hbm>>
          %dma_wait3A_51 = arith.constant 0 : i32
          %dma_wait3A_52 = tpu.memref_slice %arg4[%add3A_26, %dma_wait3A_51] : memref<2560x128xi32, #tpu.memory_space<hbm>> -> memref<40x128xi32, #tpu.memory_space<hbm>>
          tpu.wait_dma2 semaphore(%run_scoped3A : memref<!tpu.dma_semaphore, #tpu.memory_space<semaphore_mem>>) src(%dma_wait3A_52 : memref<40x128xi32, #tpu.memory_space<hbm>>) dst(%arg8 : memref<40x128xi32, #tpu.memory_space<vmem>>)
          tpu.yield
        }) : () -> ()
        "tpu.region"() ({
          %run_scoped3A = tpu.sem_alloc : memref<!tpu.dma_semaphore, #tpu.memory_space<semaphore_mem>>
          %dma_start3A_45 = arith.constant 0 : i32
          %dma_start3A_46 = tpu.memref_slice %arg5[%add3A_26, %dma_start3A_45] : memref<2560x128xi32, #tpu.memory_space<hbm>> -> memref<40x128xi32, #tpu.memory_space<hbm>>
          %dma_start3A_47 = arith.constant 0 : i32
          %dma_start3A_48 = tpu.memref_slice %arg5[%add3A_26, %dma_start3A_47] : memref<2560x128xi32, #tpu.memory_space<hbm>> -> memref<40x128xi32, #tpu.memory_space<hbm>>
          tpu.enqueue_dma source(%dma_start3A_48 : memref<40x128xi32, #tpu.memory_space<hbm>>) target(%arg9 : memref<40x128xi32, #tpu.memory_space<vmem>>) target_semaphore(%run_scoped3A : memref<!tpu.dma_semaphore, #tpu.memory_space<semaphore_mem>>)
          %dma_wait3A_49 = arith.constant 0 : i32
          %dma_wait3A_50 = tpu.memref_slice %arg5[%add3A_26, %dma_wait3A_49] : memref<2560x128xi32, #tpu.memory_space<hbm>> -> memref<40x128xi32, #tpu.memory_space<hbm>>
          %dma_wait3A_51 = arith.constant 0 : i32
          %dma_wait3A_52 = tpu.memref_slice %arg5[%add3A_26, %dma_wait3A_51] : memref<2560x128xi32, #tpu.memory_space<hbm>> -> memref<40x128xi32, #tpu.memory_space<hbm>>
          tpu.wait_dma2 semaphore(%run_scoped3A : memref<!tpu.dma_semaphore, #tpu.memory_space<semaphore_mem>>) src(%dma_wait3A_52 : memref<40x128xi32, #tpu.memory_space<hbm>>) dst(%arg9 : memref<40x128xi32, #tpu.memory_space<vmem>>)
          tpu.yield
        }) : () -> ()
        %dma_start3A = arith.constant 0 : i32
        %dma_start3A_27 = arith.constant 0 : i32
        %dma_start3A_28 = tpu.memref_slice %arg8[%dma_start3A, %dma_start3A_27] : memref<40x128xi32, #tpu.memory_space<vmem>> -> memref<1x128xi32, #tpu.memory_space<vmem>>
        %dma_start3A_29 = tpu.memref_squeeze %dma_start3A_28 : memref<1x128xi32, #tpu.memory_space<vmem>> -> memref<128xi32, #tpu.memory_space<vmem>>
        %dma_start3A_30 = arith.constant 0 : i32
        %dma_start3A_31 = arith.constant 0 : i32
        %dma_start3A_32 = tpu.memref_slice %arg3[%dma_start3A_30, %dma_start3A_31] : memref<10000x128xf32, #tpu.memory_space<hbm>> -> memref<10000x128xf32, #tpu.memory_space<hbm>>
        tpu.enqueue_indirect_dma source(%dma_start3A_32 : memref<10000x128xf32, #tpu.memory_space<hbm>>) target(%arg10 : memref<128x128xf32, #tpu.memory_space<vmem>>) offsets(%dma_start3A_29 : memref<128xi32, #tpu.memory_space<vmem>>) semaphore(%arg13 : memref<!tpu.dma_semaphore, #tpu.memory_space<semaphore_mem>>)
        %scan3A_33 = arith.constant 0 : i32
        %scan3A_34 = arith.constant 0 : i32
        %scan3A_35 = arith.constant 20 : i32
        %scan3A_36 = arith.addi %scan3A_34, %scan3A_35 : i32
        %scan3A_37 = arith.constant 1 : i32
        scf.for %scan3A_45 = %scan3A_34 to %scan3A_36 step %scan3A_37  : i32 {
          %mul3A_46 = arith.constant 2 : i32
          %mul3A_47 = arith.muli %mul3A_46, %scan3A_45 : i32
          %dma_wait3A_48 = arith.constant 0 : i32
          %dma_wait3A_49 = tpu.memref_slice %arg8[%mul3A_47, %dma_wait3A_48] : memref<40x128xi32, #tpu.memory_space<vmem>> -> memref<1x128xi32, #tpu.memory_space<vmem>>
          %dma_wait3A_50 = tpu.memref_squeeze %dma_wait3A_49 : memref<1x128xi32, #tpu.memory_space<vmem>> -> memref<128xi32, #tpu.memory_space<vmem>>
          %dma_wait3A_51 = arith.constant 0 : i32
          %dma_wait3A_52 = arith.constant 0 : i32
          %dma_wait3A_53 = tpu.memref_slice %arg3[%dma_wait3A_51, %dma_wait3A_52] : memref<10000x128xf32, #tpu.memory_space<hbm>> -> memref<10000x128xf32, #tpu.memory_space<hbm>>
          tpu.wait_indirect_dma semaphore(%arg13 : memref<!tpu.dma_semaphore, #tpu.memory_space<semaphore_mem>>) src(%dma_wait3A_53 : memref<10000x128xf32, #tpu.memory_space<hbm>>) dst(%arg10 : memref<128x128xf32, #tpu.memory_space<vmem>>)
          %dma_start3A_54 = arith.constant 0 : i32
          %dma_start3A_55 = tpu.memref_slice %arg9[%mul3A_47, %dma_start3A_54] : memref<40x128xi32, #tpu.memory_space<vmem>> -> memref<1x128xi32, #tpu.memory_space<vmem>>
          %dma_start3A_56 = tpu.memref_squeeze %dma_start3A_55 : memref<1x128xi32, #tpu.memory_space<vmem>> -> memref<128xi32, #tpu.memory_space<vmem>>
          %dma_start3A_57 = arith.constant 0 : i32
          %dma_start3A_58 = arith.constant 0 : i32
          %dma_start3A_59 = tpu.memref_slice %arg12[%dma_start3A_57, %dma_start3A_58] : memref<10240x128xf32, #tpu.memory_space<vmem_shared>> -> memref<10240x128xf32, #tpu.memory_space<vmem_shared>>
          tpu.enqueue_indirect_dma source(%arg10 : memref<128x128xf32, #tpu.memory_space<vmem>>) target(%dma_start3A_59 : memref<10240x128xf32, #tpu.memory_space<vmem_shared>>) offsets(%dma_start3A_56 : memref<128xi32, #tpu.memory_space<vmem>>) semaphore(%arg15 : memref<!tpu.dma_semaphore, #tpu.memory_space<semaphore_mem>>) {add = true}
          %gt3A = arith.constant 0 : i32
          %gt3A_60 = arith.cmpi sgt, %scan3A_45, %gt3A : i32
          %convert_element_type3A_61 = arith.extui %gt3A_60 : i1 to i32
          %cond3A_62 = arith.constant 0 : i32
          %cond3A_63 = arith.cmpi ne, %convert_element_type3A_61, %cond3A_62 : i32
          scf.if %cond3A_63 {
            %dma_wait3A_98 = arith.constant 0 : i32
            %dma_wait3A_99 = tpu.memref_slice %arg9[%mul3A_47, %dma_wait3A_98] : memref<40x128xi32, #tpu.memory_space<vmem>> -> memref<1x128xi32, #tpu.memory_space<vmem>>
            %dma_wait3A_100 = tpu.memref_squeeze %dma_wait3A_99 : memref<1x128xi32, #tpu.memory_space<vmem>> -> memref<128xi32, #tpu.memory_space<vmem>>
            %dma_wait3A_101 = arith.constant 0 : i32
            %dma_wait3A_102 = arith.constant 0 : i32
            %dma_wait3A_103 = tpu.memref_slice %arg12[%dma_wait3A_101, %dma_wait3A_102] : memref<10240x128xf32, #tpu.memory_space<vmem_shared>> -> memref<10240x128xf32, #tpu.memory_space<vmem_shared>>
            tpu.wait_indirect_dma semaphore(%arg16 : memref<!tpu.dma_semaphore, #tpu.memory_space<semaphore_mem>>) src(%arg11 : memref<128x128xf32, #tpu.memory_space<vmem>>) dst(%dma_wait3A_103 : memref<10240x128xf32, #tpu.memory_space<vmem_shared>>)
          } else {
          }
          %add3A_64 = arith.constant 1 : i32
          %add3A_65 = arith.addi %mul3A_47, %add3A_64 : i32
          %dma_start3A_66 = arith.constant 0 : i32
          %dma_start3A_67 = tpu.memref_slice %arg8[%add3A_65, %dma_start3A_66] : memref<40x128xi32, #tpu.memory_space<vmem>> -> memref<1x128xi32, #tpu.memory_space<vmem>>
          %dma_start3A_68 = tpu.memref_squeeze %dma_start3A_67 : memref<1x128xi32, #tpu.memory_space<vmem>> -> memref<128xi32, #tpu.memory_space<vmem>>
          %dma_start3A_69 = arith.constant 0 : i32
          %dma_start3A_70 = arith.constant 0 : i32
          %dma_start3A_71 = tpu.memref_slice %arg3[%dma_start3A_69, %dma_start3A_70] : memref<10000x128xf32, #tpu.memory_space<hbm>> -> memref<10000x128xf32, #tpu.memory_space<hbm>>
          tpu.enqueue_indirect_dma source(%dma_start3A_71 : memref<10000x128xf32, #tpu.memory_space<hbm>>) target(%arg11 : memref<128x128xf32, #tpu.memory_space<vmem>>) offsets(%dma_start3A_68 : memref<128xi32, #tpu.memory_space<vmem>>) semaphore(%arg14 : memref<!tpu.dma_semaphore, #tpu.memory_space<semaphore_mem>>)
          %add3A_72 = arith.constant 1 : i32
          %add3A_73 = arith.addi %mul3A_47, %add3A_72 : i32
          %dma_wait3A_74 = arith.constant 0 : i32
          %dma_wait3A_75 = tpu.memref_slice %arg8[%add3A_73, %dma_wait3A_74] : memref<40x128xi32, #tpu.memory_space<vmem>> -> memref<1x128xi32, #tpu.memory_space<vmem>>
          %dma_wait3A_76 = tpu.memref_squeeze %dma_wait3A_75 : memref<1x128xi32, #tpu.memory_space<vmem>> -> memref<128xi32, #tpu.memory_space<vmem>>
          %dma_wait3A_77 = arith.constant 0 : i32
          %dma_wait3A_78 = arith.constant 0 : i32
          %dma_wait3A_79 = tpu.memref_slice %arg3[%dma_wait3A_77, %dma_wait3A_78] : memref<10000x128xf32, #tpu.memory_space<hbm>> -> memref<10000x128xf32, #tpu.memory_space<hbm>>
          tpu.wait_indirect_dma semaphore(%arg14 : memref<!tpu.dma_semaphore, #tpu.memory_space<semaphore_mem>>) src(%dma_wait3A_79 : memref<10000x128xf32, #tpu.memory_space<hbm>>) dst(%arg11 : memref<128x128xf32, #tpu.memory_space<vmem>>)
          %add3A_80 = arith.constant 1 : i32
          %add3A_81 = arith.addi %mul3A_47, %add3A_80 : i32
          %dma_start3A_82 = arith.constant 0 : i32
          %dma_start3A_83 = tpu.memref_slice %arg9[%add3A_81, %dma_start3A_82] : memref<40x128xi32, #tpu.memory_space<vmem>> -> memref<1x128xi32, #tpu.memory_space<vmem>>
          %dma_start3A_84 = tpu.memref_squeeze %dma_start3A_83 : memref<1x128xi32, #tpu.memory_space<vmem>> -> memref<128xi32, #tpu.memory_space<vmem>>
          %dma_start3A_85 = arith.constant 0 : i32
          %dma_start3A_86 = arith.constant 0 : i32
          %dma_start3A_87 = tpu.memref_slice %arg12[%dma_start3A_85, %dma_start3A_86] : memref<10240x128xf32, #tpu.memory_space<vmem_shared>> -> memref<10240x128xf32, #tpu.memory_space<vmem_shared>>
          tpu.enqueue_indirect_dma source(%arg11 : memref<128x128xf32, #tpu.memory_space<vmem>>) target(%dma_start3A_87 : memref<10240x128xf32, #tpu.memory_space<vmem_shared>>) offsets(%dma_start3A_84 : memref<128xi32, #tpu.memory_space<vmem>>) semaphore(%arg16 : memref<!tpu.dma_semaphore, #tpu.memory_space<semaphore_mem>>) {add = true}
          %dma_wait3A_88 = arith.constant 0 : i32
          %dma_wait3A_89 = tpu.memref_slice %arg9[%mul3A_47, %dma_wait3A_88] : memref<40x128xi32, #tpu.memory_space<vmem>> -> memref<1x128xi32, #tpu.memory_space<vmem>>
          %dma_wait3A_90 = tpu.memref_squeeze %dma_wait3A_89 : memref<1x128xi32, #tpu.memory_space<vmem>> -> memref<128xi32, #tpu.memory_space<vmem>>
          %dma_wait3A_91 = arith.constant 0 : i32
          %dma_wait3A_92 = arith.constant 0 : i32
          %dma_wait3A_93 = tpu.memref_slice %arg12[%dma_wait3A_91, %dma_wait3A_92] : memref<10240x128xf32, #tpu.memory_space<vmem_shared>> -> memref<10240x128xf32, #tpu.memory_space<vmem_shared>>
          tpu.wait_indirect_dma semaphore(%arg15 : memref<!tpu.dma_semaphore, #tpu.memory_space<semaphore_mem>>) src(%arg10 : memref<128x128xf32, #tpu.memory_space<vmem>>) dst(%dma_wait3A_93 : memref<10240x128xf32, #tpu.memory_space<vmem_shared>>)
          %lt3A = arith.constant 19 : i32
          %lt3A_94 = arith.cmpi slt, %scan3A_45, %lt3A : i32
          %convert_element_type3A_95 = arith.extui %lt3A_94 : i1 to i32
          %cond3A_96 = arith.constant 0 : i32
          %cond3A_97 = arith.cmpi ne, %convert_element_type3A_95, %cond3A_96 : i32
          scf.if %cond3A_97 {
            %add3A_98 = arith.constant 2 : i32
            %add3A_99 = arith.addi %mul3A_47, %add3A_98 : i32
            %dma_start3A_100 = arith.constant 0 : i32
            %dma_start3A_101 = tpu.memref_slice %arg8[%add3A_99, %dma_start3A_100] : memref<40x128xi32, #tpu.memory_space<vmem>> -> memref<1x128xi32, #tpu.memory_space<vmem>>
            %dma_start3A_102 = tpu.memref_squeeze %dma_start3A_101 : memref<1x128xi32, #tpu.memory_space<vmem>> -> memref<128xi32, #tpu.memory_space<vmem>>
            %dma_start3A_103 = arith.constant 0 : i32
            %dma_start3A_104 = arith.constant 0 : i32
            %dma_start3A_105 = tpu.memref_slice %arg3[%dma_start3A_103, %dma_start3A_104] : memref<10000x128xf32, #tpu.memory_space<hbm>> -> memref<10000x128xf32, #tpu.memory_space<hbm>>
            tpu.enqueue_indirect_dma source(%dma_start3A_105 : memref<10000x128xf32, #tpu.memory_space<hbm>>) target(%arg10 : memref<128x128xf32, #tpu.memory_space<vmem>>) offsets(%dma_start3A_102 : memref<128xi32, #tpu.memory_space<vmem>>) semaphore(%arg13 : memref<!tpu.dma_semaphore, #tpu.memory_space<semaphore_mem>>)
          } else {
          }
        }
        %scan3A_38 = arith.constant 20 : i32
        %dma_wait3A = arith.constant 0 : i32
        %dma_wait3A_39 = arith.constant 0 : i32
        %dma_wait3A_40 = tpu.memref_slice %arg9[%dma_wait3A, %dma_wait3A_39] : memref<40x128xi32, #tpu.memory_space<vmem>> -> memref<1x128xi32, #tpu.memory_space<vmem>>
        %dma_wait3A_41 = tpu.memref_squeeze %dma_wait3A_40 : memref<1x128xi32, #tpu.memory_space<vmem>> -> memref<128xi32, #tpu.memory_space<vmem>>
        %dma_wait3A_42 = arith.constant 0 : i32
        %dma_wait3A_43 = arith.constant 0 : i32
        %dma_wait3A_44 = tpu.memref_slice %arg12[%dma_wait3A_42, %dma_wait3A_43] : memref<10240x128xf32, #tpu.memory_space<vmem_shared>> -> memref<10240x128xf32, #tpu.memory_space<vmem_shared>>
        tpu.wait_indirect_dma semaphore(%arg16 : memref<!tpu.dma_semaphore, #tpu.memory_space<semaphore_mem>>) src(%arg11 : memref<128x128xf32, #tpu.memory_space<vmem>>) dst(%dma_wait3A_44 : memref<10240x128xf32, #tpu.memory_space<vmem_shared>>)
      }
      %scan3A_19 = arith.constant 2 : i32
    } else {
    }
    %barrier3A_10 = arith.constant 0 : index
    tpu.barrier barrier_id(%barrier3A_10)
    %mul3A_11 = arith.constant 640 : i32
    %mul3A_12 = arith.muli %arg1, %mul3A_11 : i32
    %mul3A_13 = arith.constant 640 : i32
    %mul3A_14 = arith.muli %arg1, %mul3A_13 : i32
    "tpu.region"() ({
      %run_scoped3A = tpu.sem_alloc : memref<!tpu.dma_semaphore, #tpu.memory_space<semaphore_mem>>
      %dma_start3A = arith.constant 0 : i32
      %dma_start3A_15 = tpu.memref_slice %arg7[%arg0, %mul3A_14, %dma_start3A] : memref<2x10240x128xf32, #tpu.memory_space<hbm>> -> memref<1x640x128xf32, #tpu.memory_space<hbm>>
      %dma_start3A_16 = tpu.memref_squeeze %dma_start3A_15 : memref<1x640x128xf32, #tpu.memory_space<hbm>> -> memref<640x128xf32, #tpu.memory_space<hbm>>
      %dma_start3A_17 = arith.constant 0 : i32
      %dma_start3A_18 = tpu.memref_slice %arg12[%mul3A_12, %dma_start3A_17] : memref<10240x128xf32, #tpu.memory_space<vmem_shared>> -> memref<640x128xf32, #tpu.memory_space<vmem_shared>>
      tpu.enqueue_dma source(%dma_start3A_18 : memref<640x128xf32, #tpu.memory_space<vmem_shared>>) target(%dma_start3A_16 : memref<640x128xf32, #tpu.memory_space<hbm>>) target_semaphore(%run_scoped3A : memref<!tpu.dma_semaphore, #tpu.memory_space<semaphore_mem>>)
      %dma_wait3A = arith.constant 0 : i32
      %dma_wait3A_19 = tpu.memref_slice %arg7[%arg0, %mul3A_14, %dma_wait3A] : memref<2x10240x128xf32, #tpu.memory_space<hbm>> -> memref<1x640x128xf32, #tpu.memory_space<hbm>>
      %dma_wait3A_20 = tpu.memref_squeeze %dma_wait3A_19 : memref<1x640x128xf32, #tpu.memory_space<hbm>> -> memref<640x128xf32, #tpu.memory_space<hbm>>
      %dma_wait3A_21 = arith.constant 0 : i32
      %dma_wait3A_22 = tpu.memref_slice %arg12[%mul3A_12, %dma_wait3A_21] : memref<10240x128xf32, #tpu.memory_space<vmem_shared>> -> memref<640x128xf32, #tpu.memory_space<vmem_shared>>
      tpu.wait_dma2 semaphore(%run_scoped3A : memref<!tpu.dma_semaphore, #tpu.memory_space<semaphore_mem>>) src(%dma_wait3A_22 : memref<640x128xf32, #tpu.memory_space<vmem_shared>>) dst(%dma_wait3A_20 : memref<640x128xf32, #tpu.memory_space<hbm>>)
      tpu.yield
    }) : () -> ()
    return
  }
}

#map = affine_map<(d0, d1) -> (0, 0)>
module attributes {stable_mosaic.version = 14 : i64} {
  func.func @sc_agg2(%arg0: i32, %arg1: i32, %arg2: memref<10000x128xf32, #tpu.memory_space<hbm>>, %arg3: memref<10000x128xf32, #tpu.memory_space<hbm>>, %arg4: memref<2560x128xi32, #tpu.memory_space<hbm>>, %arg5: memref<2560x128xi32, #tpu.memory_space<hbm>>, %arg6: memref<10240x128xf32, #tpu.memory_space<hbm>>, %arg7: memref<10240x128xf32, #tpu.memory_space<hbm>>, %arg8: memref<10240x128xf32, #tpu.memory_space<hbm>>, %arg9: memref<40x128xi32, #tpu.memory_space<vmem>>, %arg10: memref<40x128xi32, #tpu.memory_space<vmem>>, %arg11: memref<128x128xf32, #tpu.memory_space<vmem>>, %arg12: memref<128x128xf32, #tpu.memory_space<vmem>>, %arg13: memref<10240x128xf32, #tpu.memory_space<vmem_shared>>, %arg14: memref<!tpu.dma_semaphore, #tpu.memory_space<semaphore_mem>>, %arg15: memref<!tpu.dma_semaphore, #tpu.memory_space<semaphore_mem>>, %arg16: memref<!tpu.dma_semaphore, #tpu.memory_space<semaphore_mem>>, %arg17: memref<!tpu.dma_semaphore, #tpu.memory_space<semaphore_mem>>) attributes {dimension_semantics = [#tpu.dimension_semantics<core_parallel>, #tpu.dimension_semantics<subcore_parallel>], iteration_bounds = array<i64: 2, 16>, scalar_prefetch = 0 : i64, scratch_operands = 9 : i64, tpu.core_type = #tpu.core_type<sc_vector_subcore>, window_params = [{transform_indices = #map}, {transform_indices = #map}, {transform_indices = #map}, {transform_indices = #map}, {transform_indices = #map}, {transform_indices = #map}, {transform_indices = #map}]} {
    %mul3A = arith.constant 640 : i32
    %mul3A_0 = arith.muli %arg1, %mul3A : i32
    %mul3A_1 = arith.constant 640 : i32
    %mul3A_2 = arith.muli %arg1, %mul3A_1 : i32
    "tpu.region"() ({
      %run_scoped3A = tpu.sem_alloc : memref<!tpu.dma_semaphore, #tpu.memory_space<semaphore_mem>>
      %dma_start3A = arith.constant 0 : i32
      %dma_start3A_21 = tpu.memref_slice %arg13[%mul3A_2, %dma_start3A] : memref<10240x128xf32, #tpu.memory_space<vmem_shared>> -> memref<640x128xf32, #tpu.memory_space<vmem_shared>>
      %dma_start3A_22 = arith.constant 0 : i32
      %dma_start3A_23 = tpu.memref_slice %arg6[%mul3A_0, %dma_start3A_22] : memref<10240x128xf32, #tpu.memory_space<hbm>> -> memref<640x128xf32, #tpu.memory_space<hbm>>
      tpu.enqueue_dma source(%dma_start3A_23 : memref<640x128xf32, #tpu.memory_space<hbm>>) target(%dma_start3A_21 : memref<640x128xf32, #tpu.memory_space<vmem_shared>>) target_semaphore(%run_scoped3A : memref<!tpu.dma_semaphore, #tpu.memory_space<semaphore_mem>>)
      %dma_wait3A = arith.constant 0 : i32
      %dma_wait3A_24 = tpu.memref_slice %arg13[%mul3A_2, %dma_wait3A] : memref<10240x128xf32, #tpu.memory_space<vmem_shared>> -> memref<640x128xf32, #tpu.memory_space<vmem_shared>>
      %dma_wait3A_25 = arith.constant 0 : i32
      %dma_wait3A_26 = tpu.memref_slice %arg6[%mul3A_0, %dma_wait3A_25] : memref<10240x128xf32, #tpu.memory_space<hbm>> -> memref<640x128xf32, #tpu.memory_space<hbm>>
      tpu.wait_dma2 semaphore(%run_scoped3A : memref<!tpu.dma_semaphore, #tpu.memory_space<semaphore_mem>>) src(%dma_wait3A_26 : memref<640x128xf32, #tpu.memory_space<hbm>>) dst(%dma_wait3A_24 : memref<640x128xf32, #tpu.memory_space<vmem_shared>>)
      tpu.yield
    }) : () -> ()
    %barrier3A = arith.constant 0 : index
    tpu.barrier barrier_id(%barrier3A)
    %eq3A = arith.constant 0 : i32
    %eq3A_3 = arith.cmpi eq, %arg0, %eq3A : i32
    %convert_element_type3A = arith.extui %eq3A_3 : i1 to i32
    %cond3A = arith.constant 0 : i32
    %cond3A_4 = arith.cmpi ne, %convert_element_type3A, %cond3A : i32
    scf.if %cond3A_4 {
      %scan3A = arith.constant 0 : i32
      %scan3A_21 = arith.constant 0 : i32
      %scan3A_22 = arith.constant 4 : i32
      %scan3A_23 = arith.addi %scan3A_21, %scan3A_22 : i32
      %scan3A_24 = arith.constant 1 : i32
      scf.for %scan3A_26 = %scan3A_21 to %scan3A_23 step %scan3A_24  : i32 {
        %mul3A_27 = arith.constant 160 : i32
        %mul3A_28 = arith.muli %arg1, %mul3A_27 : i32
        %mul3A_29 = arith.constant 40 : i32
        %mul3A_30 = arith.muli %scan3A_26, %mul3A_29 : i32
        %add3A = arith.addi %mul3A_28, %mul3A_30 : i32
        "tpu.region"() ({
          %run_scoped3A = tpu.sem_alloc : memref<!tpu.dma_semaphore, #tpu.memory_space<semaphore_mem>>
          %dma_start3A_54 = arith.constant 0 : i32
          %dma_start3A_55 = tpu.memref_slice %arg4[%add3A, %dma_start3A_54] : memref<2560x128xi32, #tpu.memory_space<hbm>> -> memref<40x128xi32, #tpu.memory_space<hbm>>
          %dma_start3A_56 = arith.constant 0 : i32
          %dma_start3A_57 = tpu.memref_slice %arg4[%add3A, %dma_start3A_56] : memref<2560x128xi32, #tpu.memory_space<hbm>> -> memref<40x128xi32, #tpu.memory_space<hbm>>
          tpu.enqueue_dma source(%dma_start3A_57 : memref<40x128xi32, #tpu.memory_space<hbm>>) target(%arg9 : memref<40x128xi32, #tpu.memory_space<vmem>>) target_semaphore(%run_scoped3A : memref<!tpu.dma_semaphore, #tpu.memory_space<semaphore_mem>>)
          %dma_wait3A_58 = arith.constant 0 : i32
          %dma_wait3A_59 = tpu.memref_slice %arg4[%add3A, %dma_wait3A_58] : memref<2560x128xi32, #tpu.memory_space<hbm>> -> memref<40x128xi32, #tpu.memory_space<hbm>>
          %dma_wait3A_60 = arith.constant 0 : i32
          %dma_wait3A_61 = tpu.memref_slice %arg4[%add3A, %dma_wait3A_60] : memref<2560x128xi32, #tpu.memory_space<hbm>> -> memref<40x128xi32, #tpu.memory_space<hbm>>
          tpu.wait_dma2 semaphore(%run_scoped3A : memref<!tpu.dma_semaphore, #tpu.memory_space<semaphore_mem>>) src(%dma_wait3A_61 : memref<40x128xi32, #tpu.memory_space<hbm>>) dst(%arg9 : memref<40x128xi32, #tpu.memory_space<vmem>>)
          tpu.yield
        }) : () -> ()
        %mul3A_31 = arith.constant 160 : i32
        %mul3A_32 = arith.muli %arg1, %mul3A_31 : i32
        %mul3A_33 = arith.constant 40 : i32
        %mul3A_34 = arith.muli %scan3A_26, %mul3A_33 : i32
        %add3A_35 = arith.addi %mul3A_32, %mul3A_34 : i32
        "tpu.region"() ({
          %run_scoped3A = tpu.sem_alloc : memref<!tpu.dma_semaphore, #tpu.memory_space<semaphore_mem>>
          %dma_start3A_54 = arith.constant 0 : i32
          %dma_start3A_55 = tpu.memref_slice %arg5[%add3A_35, %dma_start3A_54] : memref<2560x128xi32, #tpu.memory_space<hbm>> -> memref<40x128xi32, #tpu.memory_space<hbm>>
          %dma_start3A_56 = arith.constant 0 : i32
          %dma_start3A_57 = tpu.memref_slice %arg5[%add3A_35, %dma_start3A_56] : memref<2560x128xi32, #tpu.memory_space<hbm>> -> memref<40x128xi32, #tpu.memory_space<hbm>>
          tpu.enqueue_dma source(%dma_start3A_57 : memref<40x128xi32, #tpu.memory_space<hbm>>) target(%arg10 : memref<40x128xi32, #tpu.memory_space<vmem>>) target_semaphore(%run_scoped3A : memref<!tpu.dma_semaphore, #tpu.memory_space<semaphore_mem>>)
          %dma_wait3A_58 = arith.constant 0 : i32
          %dma_wait3A_59 = tpu.memref_slice %arg5[%add3A_35, %dma_wait3A_58] : memref<2560x128xi32, #tpu.memory_space<hbm>> -> memref<40x128xi32, #tpu.memory_space<hbm>>
          %dma_wait3A_60 = arith.constant 0 : i32
          %dma_wait3A_61 = tpu.memref_slice %arg5[%add3A_35, %dma_wait3A_60] : memref<2560x128xi32, #tpu.memory_space<hbm>> -> memref<40x128xi32, #tpu.memory_space<hbm>>
          tpu.wait_dma2 semaphore(%run_scoped3A : memref<!tpu.dma_semaphore, #tpu.memory_space<semaphore_mem>>) src(%dma_wait3A_61 : memref<40x128xi32, #tpu.memory_space<hbm>>) dst(%arg10 : memref<40x128xi32, #tpu.memory_space<vmem>>)
          tpu.yield
        }) : () -> ()
        %dma_start3A = arith.constant 0 : i32
        %dma_start3A_36 = arith.constant 0 : i32
        %dma_start3A_37 = tpu.memref_slice %arg9[%dma_start3A, %dma_start3A_36] : memref<40x128xi32, #tpu.memory_space<vmem>> -> memref<1x128xi32, #tpu.memory_space<vmem>>
        %dma_start3A_38 = tpu.memref_squeeze %dma_start3A_37 : memref<1x128xi32, #tpu.memory_space<vmem>> -> memref<128xi32, #tpu.memory_space<vmem>>
        %dma_start3A_39 = arith.constant 0 : i32
        %dma_start3A_40 = arith.constant 0 : i32
        %dma_start3A_41 = tpu.memref_slice %arg2[%dma_start3A_39, %dma_start3A_40] : memref<10000x128xf32, #tpu.memory_space<hbm>> -> memref<10000x128xf32, #tpu.memory_space<hbm>>
        tpu.enqueue_indirect_dma source(%dma_start3A_41 : memref<10000x128xf32, #tpu.memory_space<hbm>>) target(%arg11 : memref<128x128xf32, #tpu.memory_space<vmem>>) offsets(%dma_start3A_38 : memref<128xi32, #tpu.memory_space<vmem>>) semaphore(%arg14 : memref<!tpu.dma_semaphore, #tpu.memory_space<semaphore_mem>>)
        %scan3A_42 = arith.constant 0 : i32
        %scan3A_43 = arith.constant 0 : i32
        %scan3A_44 = arith.constant 20 : i32
        %scan3A_45 = arith.addi %scan3A_43, %scan3A_44 : i32
        %scan3A_46 = arith.constant 1 : i32
        scf.for %scan3A_54 = %scan3A_43 to %scan3A_45 step %scan3A_46  : i32 {
          %mul3A_55 = arith.constant 2 : i32
          %mul3A_56 = arith.muli %mul3A_55, %scan3A_54 : i32
          %dma_wait3A_57 = arith.constant 0 : i32
          %dma_wait3A_58 = tpu.memref_slice %arg9[%mul3A_56, %dma_wait3A_57] : memref<40x128xi32, #tpu.memory_space<vmem>> -> memref<1x128xi32, #tpu.memory_space<vmem>>
          %dma_wait3A_59 = tpu.memref_squeeze %dma_wait3A_58 : memref<1x128xi32, #tpu.memory_space<vmem>> -> memref<128xi32, #tpu.memory_space<vmem>>
          %dma_wait3A_60 = arith.constant 0 : i32
          %dma_wait3A_61 = arith.constant 0 : i32
          %dma_wait3A_62 = tpu.memref_slice %arg2[%dma_wait3A_60, %dma_wait3A_61] : memref<10000x128xf32, #tpu.memory_space<hbm>> -> memref<10000x128xf32, #tpu.memory_space<hbm>>
          tpu.wait_indirect_dma semaphore(%arg14 : memref<!tpu.dma_semaphore, #tpu.memory_space<semaphore_mem>>) src(%dma_wait3A_62 : memref<10000x128xf32, #tpu.memory_space<hbm>>) dst(%arg11 : memref<128x128xf32, #tpu.memory_space<vmem>>)
          %dma_start3A_63 = arith.constant 0 : i32
          %dma_start3A_64 = tpu.memref_slice %arg10[%mul3A_56, %dma_start3A_63] : memref<40x128xi32, #tpu.memory_space<vmem>> -> memref<1x128xi32, #tpu.memory_space<vmem>>
          %dma_start3A_65 = tpu.memref_squeeze %dma_start3A_64 : memref<1x128xi32, #tpu.memory_space<vmem>> -> memref<128xi32, #tpu.memory_space<vmem>>
          %dma_start3A_66 = arith.constant 0 : i32
          %dma_start3A_67 = arith.constant 0 : i32
          %dma_start3A_68 = tpu.memref_slice %arg13[%dma_start3A_66, %dma_start3A_67] : memref<10240x128xf32, #tpu.memory_space<vmem_shared>> -> memref<10240x128xf32, #tpu.memory_space<vmem_shared>>
          tpu.enqueue_indirect_dma source(%arg11 : memref<128x128xf32, #tpu.memory_space<vmem>>) target(%dma_start3A_68 : memref<10240x128xf32, #tpu.memory_space<vmem_shared>>) offsets(%dma_start3A_65 : memref<128xi32, #tpu.memory_space<vmem>>) semaphore(%arg16 : memref<!tpu.dma_semaphore, #tpu.memory_space<semaphore_mem>>) {add = true}
          %gt3A = arith.constant 0 : i32
          %gt3A_69 = arith.cmpi sgt, %scan3A_54, %gt3A : i32
          %convert_element_type3A_70 = arith.extui %gt3A_69 : i1 to i32
          %cond3A_71 = arith.constant 0 : i32
          %cond3A_72 = arith.cmpi ne, %convert_element_type3A_70, %cond3A_71 : i32
          scf.if %cond3A_72 {
            %dma_wait3A_107 = arith.constant 0 : i32
            %dma_wait3A_108 = tpu.memref_slice %arg10[%mul3A_56, %dma_wait3A_107] : memref<40x128xi32, #tpu.memory_space<vmem>> -> memref<1x128xi32, #tpu.memory_space<vmem>>
            %dma_wait3A_109 = tpu.memref_squeeze %dma_wait3A_108 : memref<1x128xi32, #tpu.memory_space<vmem>> -> memref<128xi32, #tpu.memory_space<vmem>>
            %dma_wait3A_110 = arith.constant 0 : i32
            %dma_wait3A_111 = arith.constant 0 : i32
            %dma_wait3A_112 = tpu.memref_slice %arg13[%dma_wait3A_110, %dma_wait3A_111] : memref<10240x128xf32, #tpu.memory_space<vmem_shared>> -> memref<10240x128xf32, #tpu.memory_space<vmem_shared>>
            tpu.wait_indirect_dma semaphore(%arg17 : memref<!tpu.dma_semaphore, #tpu.memory_space<semaphore_mem>>) src(%arg12 : memref<128x128xf32, #tpu.memory_space<vmem>>) dst(%dma_wait3A_112 : memref<10240x128xf32, #tpu.memory_space<vmem_shared>>)
          } else {
          }
          %add3A_73 = arith.constant 1 : i32
          %add3A_74 = arith.addi %mul3A_56, %add3A_73 : i32
          %dma_start3A_75 = arith.constant 0 : i32
          %dma_start3A_76 = tpu.memref_slice %arg9[%add3A_74, %dma_start3A_75] : memref<40x128xi32, #tpu.memory_space<vmem>> -> memref<1x128xi32, #tpu.memory_space<vmem>>
          %dma_start3A_77 = tpu.memref_squeeze %dma_start3A_76 : memref<1x128xi32, #tpu.memory_space<vmem>> -> memref<128xi32, #tpu.memory_space<vmem>>
          %dma_start3A_78 = arith.constant 0 : i32
          %dma_start3A_79 = arith.constant 0 : i32
          %dma_start3A_80 = tpu.memref_slice %arg2[%dma_start3A_78, %dma_start3A_79] : memref<10000x128xf32, #tpu.memory_space<hbm>> -> memref<10000x128xf32, #tpu.memory_space<hbm>>
          tpu.enqueue_indirect_dma source(%dma_start3A_80 : memref<10000x128xf32, #tpu.memory_space<hbm>>) target(%arg12 : memref<128x128xf32, #tpu.memory_space<vmem>>) offsets(%dma_start3A_77 : memref<128xi32, #tpu.memory_space<vmem>>) semaphore(%arg15 : memref<!tpu.dma_semaphore, #tpu.memory_space<semaphore_mem>>)
          %add3A_81 = arith.constant 1 : i32
          %add3A_82 = arith.addi %mul3A_56, %add3A_81 : i32
          %dma_wait3A_83 = arith.constant 0 : i32
          %dma_wait3A_84 = tpu.memref_slice %arg9[%add3A_82, %dma_wait3A_83] : memref<40x128xi32, #tpu.memory_space<vmem>> -> memref<1x128xi32, #tpu.memory_space<vmem>>
          %dma_wait3A_85 = tpu.memref_squeeze %dma_wait3A_84 : memref<1x128xi32, #tpu.memory_space<vmem>> -> memref<128xi32, #tpu.memory_space<vmem>>
          %dma_wait3A_86 = arith.constant 0 : i32
          %dma_wait3A_87 = arith.constant 0 : i32
          %dma_wait3A_88 = tpu.memref_slice %arg2[%dma_wait3A_86, %dma_wait3A_87] : memref<10000x128xf32, #tpu.memory_space<hbm>> -> memref<10000x128xf32, #tpu.memory_space<hbm>>
          tpu.wait_indirect_dma semaphore(%arg15 : memref<!tpu.dma_semaphore, #tpu.memory_space<semaphore_mem>>) src(%dma_wait3A_88 : memref<10000x128xf32, #tpu.memory_space<hbm>>) dst(%arg12 : memref<128x128xf32, #tpu.memory_space<vmem>>)
          %add3A_89 = arith.constant 1 : i32
          %add3A_90 = arith.addi %mul3A_56, %add3A_89 : i32
          %dma_start3A_91 = arith.constant 0 : i32
          %dma_start3A_92 = tpu.memref_slice %arg10[%add3A_90, %dma_start3A_91] : memref<40x128xi32, #tpu.memory_space<vmem>> -> memref<1x128xi32, #tpu.memory_space<vmem>>
          %dma_start3A_93 = tpu.memref_squeeze %dma_start3A_92 : memref<1x128xi32, #tpu.memory_space<vmem>> -> memref<128xi32, #tpu.memory_space<vmem>>
          %dma_start3A_94 = arith.constant 0 : i32
          %dma_start3A_95 = arith.constant 0 : i32
          %dma_start3A_96 = tpu.memref_slice %arg13[%dma_start3A_94, %dma_start3A_95] : memref<10240x128xf32, #tpu.memory_space<vmem_shared>> -> memref<10240x128xf32, #tpu.memory_space<vmem_shared>>
          tpu.enqueue_indirect_dma source(%arg12 : memref<128x128xf32, #tpu.memory_space<vmem>>) target(%dma_start3A_96 : memref<10240x128xf32, #tpu.memory_space<vmem_shared>>) offsets(%dma_start3A_93 : memref<128xi32, #tpu.memory_space<vmem>>) semaphore(%arg17 : memref<!tpu.dma_semaphore, #tpu.memory_space<semaphore_mem>>) {add = true}
          %dma_wait3A_97 = arith.constant 0 : i32
          %dma_wait3A_98 = tpu.memref_slice %arg10[%mul3A_56, %dma_wait3A_97] : memref<40x128xi32, #tpu.memory_space<vmem>> -> memref<1x128xi32, #tpu.memory_space<vmem>>
          %dma_wait3A_99 = tpu.memref_squeeze %dma_wait3A_98 : memref<1x128xi32, #tpu.memory_space<vmem>> -> memref<128xi32, #tpu.memory_space<vmem>>
          %dma_wait3A_100 = arith.constant 0 : i32
          %dma_wait3A_101 = arith.constant 0 : i32
          %dma_wait3A_102 = tpu.memref_slice %arg13[%dma_wait3A_100, %dma_wait3A_101] : memref<10240x128xf32, #tpu.memory_space<vmem_shared>> -> memref<10240x128xf32, #tpu.memory_space<vmem_shared>>
          tpu.wait_indirect_dma semaphore(%arg16 : memref<!tpu.dma_semaphore, #tpu.memory_space<semaphore_mem>>) src(%arg11 : memref<128x128xf32, #tpu.memory_space<vmem>>) dst(%dma_wait3A_102 : memref<10240x128xf32, #tpu.memory_space<vmem_shared>>)
          %lt3A = arith.constant 19 : i32
          %lt3A_103 = arith.cmpi slt, %scan3A_54, %lt3A : i32
          %convert_element_type3A_104 = arith.extui %lt3A_103 : i1 to i32
          %cond3A_105 = arith.constant 0 : i32
          %cond3A_106 = arith.cmpi ne, %convert_element_type3A_104, %cond3A_105 : i32
          scf.if %cond3A_106 {
            %add3A_107 = arith.constant 2 : i32
            %add3A_108 = arith.addi %mul3A_56, %add3A_107 : i32
            %dma_start3A_109 = arith.constant 0 : i32
            %dma_start3A_110 = tpu.memref_slice %arg9[%add3A_108, %dma_start3A_109] : memref<40x128xi32, #tpu.memory_space<vmem>> -> memref<1x128xi32, #tpu.memory_space<vmem>>
            %dma_start3A_111 = tpu.memref_squeeze %dma_start3A_110 : memref<1x128xi32, #tpu.memory_space<vmem>> -> memref<128xi32, #tpu.memory_space<vmem>>
            %dma_start3A_112 = arith.constant 0 : i32
            %dma_start3A_113 = arith.constant 0 : i32
            %dma_start3A_114 = tpu.memref_slice %arg2[%dma_start3A_112, %dma_start3A_113] : memref<10000x128xf32, #tpu.memory_space<hbm>> -> memref<10000x128xf32, #tpu.memory_space<hbm>>
            tpu.enqueue_indirect_dma source(%dma_start3A_114 : memref<10000x128xf32, #tpu.memory_space<hbm>>) target(%arg11 : memref<128x128xf32, #tpu.memory_space<vmem>>) offsets(%dma_start3A_111 : memref<128xi32, #tpu.memory_space<vmem>>) semaphore(%arg14 : memref<!tpu.dma_semaphore, #tpu.memory_space<semaphore_mem>>)
          } else {
          }
        }
        %scan3A_47 = arith.constant 20 : i32
        %dma_wait3A = arith.constant 0 : i32
        %dma_wait3A_48 = arith.constant 0 : i32
        %dma_wait3A_49 = tpu.memref_slice %arg10[%dma_wait3A, %dma_wait3A_48] : memref<40x128xi32, #tpu.memory_space<vmem>> -> memref<1x128xi32, #tpu.memory_space<vmem>>
        %dma_wait3A_50 = tpu.memref_squeeze %dma_wait3A_49 : memref<1x128xi32, #tpu.memory_space<vmem>> -> memref<128xi32, #tpu.memory_space<vmem>>
        %dma_wait3A_51 = arith.constant 0 : i32
        %dma_wait3A_52 = arith.constant 0 : i32
        %dma_wait3A_53 = tpu.memref_slice %arg13[%dma_wait3A_51, %dma_wait3A_52] : memref<10240x128xf32, #tpu.memory_space<vmem_shared>> -> memref<10240x128xf32, #tpu.memory_space<vmem_shared>>
        tpu.wait_indirect_dma semaphore(%arg17 : memref<!tpu.dma_semaphore, #tpu.memory_space<semaphore_mem>>) src(%arg12 : memref<128x128xf32, #tpu.memory_space<vmem>>) dst(%dma_wait3A_53 : memref<10240x128xf32, #tpu.memory_space<vmem_shared>>)
      }
      %scan3A_25 = arith.constant 4 : i32
    } else {
    }
    %eq3A_5 = arith.constant 1 : i32
    %eq3A_6 = arith.cmpi eq, %arg0, %eq3A_5 : i32
    %convert_element_type3A_7 = arith.extui %eq3A_6 : i1 to i32
    %cond3A_8 = arith.constant 0 : i32
    %cond3A_9 = arith.cmpi ne, %convert_element_type3A_7, %cond3A_8 : i32
    scf.if %cond3A_9 {
      %scan3A = arith.constant 0 : i32
      %scan3A_21 = arith.constant 0 : i32
      %scan3A_22 = arith.constant 4 : i32
      %scan3A_23 = arith.addi %scan3A_21, %scan3A_22 : i32
      %scan3A_24 = arith.constant 1 : i32
      scf.for %scan3A_26 = %scan3A_21 to %scan3A_23 step %scan3A_24  : i32 {
        %mul3A_27 = arith.constant 160 : i32
        %mul3A_28 = arith.muli %arg1, %mul3A_27 : i32
        %mul3A_29 = arith.constant 40 : i32
        %mul3A_30 = arith.muli %scan3A_26, %mul3A_29 : i32
        %add3A = arith.addi %mul3A_28, %mul3A_30 : i32
        "tpu.region"() ({
          %run_scoped3A = tpu.sem_alloc : memref<!tpu.dma_semaphore, #tpu.memory_space<semaphore_mem>>
          %dma_start3A_54 = arith.constant 0 : i32
          %dma_start3A_55 = tpu.memref_slice %arg4[%add3A, %dma_start3A_54] : memref<2560x128xi32, #tpu.memory_space<hbm>> -> memref<40x128xi32, #tpu.memory_space<hbm>>
          %dma_start3A_56 = arith.constant 0 : i32
          %dma_start3A_57 = tpu.memref_slice %arg4[%add3A, %dma_start3A_56] : memref<2560x128xi32, #tpu.memory_space<hbm>> -> memref<40x128xi32, #tpu.memory_space<hbm>>
          tpu.enqueue_dma source(%dma_start3A_57 : memref<40x128xi32, #tpu.memory_space<hbm>>) target(%arg9 : memref<40x128xi32, #tpu.memory_space<vmem>>) target_semaphore(%run_scoped3A : memref<!tpu.dma_semaphore, #tpu.memory_space<semaphore_mem>>)
          %dma_wait3A_58 = arith.constant 0 : i32
          %dma_wait3A_59 = tpu.memref_slice %arg4[%add3A, %dma_wait3A_58] : memref<2560x128xi32, #tpu.memory_space<hbm>> -> memref<40x128xi32, #tpu.memory_space<hbm>>
          %dma_wait3A_60 = arith.constant 0 : i32
          %dma_wait3A_61 = tpu.memref_slice %arg4[%add3A, %dma_wait3A_60] : memref<2560x128xi32, #tpu.memory_space<hbm>> -> memref<40x128xi32, #tpu.memory_space<hbm>>
          tpu.wait_dma2 semaphore(%run_scoped3A : memref<!tpu.dma_semaphore, #tpu.memory_space<semaphore_mem>>) src(%dma_wait3A_61 : memref<40x128xi32, #tpu.memory_space<hbm>>) dst(%arg9 : memref<40x128xi32, #tpu.memory_space<vmem>>)
          tpu.yield
        }) : () -> ()
        %mul3A_31 = arith.constant 160 : i32
        %mul3A_32 = arith.muli %arg1, %mul3A_31 : i32
        %mul3A_33 = arith.constant 40 : i32
        %mul3A_34 = arith.muli %scan3A_26, %mul3A_33 : i32
        %add3A_35 = arith.addi %mul3A_32, %mul3A_34 : i32
        "tpu.region"() ({
          %run_scoped3A = tpu.sem_alloc : memref<!tpu.dma_semaphore, #tpu.memory_space<semaphore_mem>>
          %dma_start3A_54 = arith.constant 0 : i32
          %dma_start3A_55 = tpu.memref_slice %arg5[%add3A_35, %dma_start3A_54] : memref<2560x128xi32, #tpu.memory_space<hbm>> -> memref<40x128xi32, #tpu.memory_space<hbm>>
          %dma_start3A_56 = arith.constant 0 : i32
          %dma_start3A_57 = tpu.memref_slice %arg5[%add3A_35, %dma_start3A_56] : memref<2560x128xi32, #tpu.memory_space<hbm>> -> memref<40x128xi32, #tpu.memory_space<hbm>>
          tpu.enqueue_dma source(%dma_start3A_57 : memref<40x128xi32, #tpu.memory_space<hbm>>) target(%arg10 : memref<40x128xi32, #tpu.memory_space<vmem>>) target_semaphore(%run_scoped3A : memref<!tpu.dma_semaphore, #tpu.memory_space<semaphore_mem>>)
          %dma_wait3A_58 = arith.constant 0 : i32
          %dma_wait3A_59 = tpu.memref_slice %arg5[%add3A_35, %dma_wait3A_58] : memref<2560x128xi32, #tpu.memory_space<hbm>> -> memref<40x128xi32, #tpu.memory_space<hbm>>
          %dma_wait3A_60 = arith.constant 0 : i32
          %dma_wait3A_61 = tpu.memref_slice %arg5[%add3A_35, %dma_wait3A_60] : memref<2560x128xi32, #tpu.memory_space<hbm>> -> memref<40x128xi32, #tpu.memory_space<hbm>>
          tpu.wait_dma2 semaphore(%run_scoped3A : memref<!tpu.dma_semaphore, #tpu.memory_space<semaphore_mem>>) src(%dma_wait3A_61 : memref<40x128xi32, #tpu.memory_space<hbm>>) dst(%arg10 : memref<40x128xi32, #tpu.memory_space<vmem>>)
          tpu.yield
        }) : () -> ()
        %dma_start3A = arith.constant 0 : i32
        %dma_start3A_36 = arith.constant 0 : i32
        %dma_start3A_37 = tpu.memref_slice %arg9[%dma_start3A, %dma_start3A_36] : memref<40x128xi32, #tpu.memory_space<vmem>> -> memref<1x128xi32, #tpu.memory_space<vmem>>
        %dma_start3A_38 = tpu.memref_squeeze %dma_start3A_37 : memref<1x128xi32, #tpu.memory_space<vmem>> -> memref<128xi32, #tpu.memory_space<vmem>>
        %dma_start3A_39 = arith.constant 0 : i32
        %dma_start3A_40 = arith.constant 0 : i32
        %dma_start3A_41 = tpu.memref_slice %arg3[%dma_start3A_39, %dma_start3A_40] : memref<10000x128xf32, #tpu.memory_space<hbm>> -> memref<10000x128xf32, #tpu.memory_space<hbm>>
        tpu.enqueue_indirect_dma source(%dma_start3A_41 : memref<10000x128xf32, #tpu.memory_space<hbm>>) target(%arg11 : memref<128x128xf32, #tpu.memory_space<vmem>>) offsets(%dma_start3A_38 : memref<128xi32, #tpu.memory_space<vmem>>) semaphore(%arg14 : memref<!tpu.dma_semaphore, #tpu.memory_space<semaphore_mem>>)
        %scan3A_42 = arith.constant 0 : i32
        %scan3A_43 = arith.constant 0 : i32
        %scan3A_44 = arith.constant 20 : i32
        %scan3A_45 = arith.addi %scan3A_43, %scan3A_44 : i32
        %scan3A_46 = arith.constant 1 : i32
        scf.for %scan3A_54 = %scan3A_43 to %scan3A_45 step %scan3A_46  : i32 {
          %mul3A_55 = arith.constant 2 : i32
          %mul3A_56 = arith.muli %mul3A_55, %scan3A_54 : i32
          %dma_wait3A_57 = arith.constant 0 : i32
          %dma_wait3A_58 = tpu.memref_slice %arg9[%mul3A_56, %dma_wait3A_57] : memref<40x128xi32, #tpu.memory_space<vmem>> -> memref<1x128xi32, #tpu.memory_space<vmem>>
          %dma_wait3A_59 = tpu.memref_squeeze %dma_wait3A_58 : memref<1x128xi32, #tpu.memory_space<vmem>> -> memref<128xi32, #tpu.memory_space<vmem>>
          %dma_wait3A_60 = arith.constant 0 : i32
          %dma_wait3A_61 = arith.constant 0 : i32
          %dma_wait3A_62 = tpu.memref_slice %arg3[%dma_wait3A_60, %dma_wait3A_61] : memref<10000x128xf32, #tpu.memory_space<hbm>> -> memref<10000x128xf32, #tpu.memory_space<hbm>>
          tpu.wait_indirect_dma semaphore(%arg14 : memref<!tpu.dma_semaphore, #tpu.memory_space<semaphore_mem>>) src(%dma_wait3A_62 : memref<10000x128xf32, #tpu.memory_space<hbm>>) dst(%arg11 : memref<128x128xf32, #tpu.memory_space<vmem>>)
          %dma_start3A_63 = arith.constant 0 : i32
          %dma_start3A_64 = tpu.memref_slice %arg10[%mul3A_56, %dma_start3A_63] : memref<40x128xi32, #tpu.memory_space<vmem>> -> memref<1x128xi32, #tpu.memory_space<vmem>>
          %dma_start3A_65 = tpu.memref_squeeze %dma_start3A_64 : memref<1x128xi32, #tpu.memory_space<vmem>> -> memref<128xi32, #tpu.memory_space<vmem>>
          %dma_start3A_66 = arith.constant 0 : i32
          %dma_start3A_67 = arith.constant 0 : i32
          %dma_start3A_68 = tpu.memref_slice %arg13[%dma_start3A_66, %dma_start3A_67] : memref<10240x128xf32, #tpu.memory_space<vmem_shared>> -> memref<10240x128xf32, #tpu.memory_space<vmem_shared>>
          tpu.enqueue_indirect_dma source(%arg11 : memref<128x128xf32, #tpu.memory_space<vmem>>) target(%dma_start3A_68 : memref<10240x128xf32, #tpu.memory_space<vmem_shared>>) offsets(%dma_start3A_65 : memref<128xi32, #tpu.memory_space<vmem>>) semaphore(%arg16 : memref<!tpu.dma_semaphore, #tpu.memory_space<semaphore_mem>>) {add = true}
          %gt3A = arith.constant 0 : i32
          %gt3A_69 = arith.cmpi sgt, %scan3A_54, %gt3A : i32
          %convert_element_type3A_70 = arith.extui %gt3A_69 : i1 to i32
          %cond3A_71 = arith.constant 0 : i32
          %cond3A_72 = arith.cmpi ne, %convert_element_type3A_70, %cond3A_71 : i32
          scf.if %cond3A_72 {
            %dma_wait3A_107 = arith.constant 0 : i32
            %dma_wait3A_108 = tpu.memref_slice %arg10[%mul3A_56, %dma_wait3A_107] : memref<40x128xi32, #tpu.memory_space<vmem>> -> memref<1x128xi32, #tpu.memory_space<vmem>>
            %dma_wait3A_109 = tpu.memref_squeeze %dma_wait3A_108 : memref<1x128xi32, #tpu.memory_space<vmem>> -> memref<128xi32, #tpu.memory_space<vmem>>
            %dma_wait3A_110 = arith.constant 0 : i32
            %dma_wait3A_111 = arith.constant 0 : i32
            %dma_wait3A_112 = tpu.memref_slice %arg13[%dma_wait3A_110, %dma_wait3A_111] : memref<10240x128xf32, #tpu.memory_space<vmem_shared>> -> memref<10240x128xf32, #tpu.memory_space<vmem_shared>>
            tpu.wait_indirect_dma semaphore(%arg17 : memref<!tpu.dma_semaphore, #tpu.memory_space<semaphore_mem>>) src(%arg12 : memref<128x128xf32, #tpu.memory_space<vmem>>) dst(%dma_wait3A_112 : memref<10240x128xf32, #tpu.memory_space<vmem_shared>>)
          } else {
          }
          %add3A_73 = arith.constant 1 : i32
          %add3A_74 = arith.addi %mul3A_56, %add3A_73 : i32
          %dma_start3A_75 = arith.constant 0 : i32
          %dma_start3A_76 = tpu.memref_slice %arg9[%add3A_74, %dma_start3A_75] : memref<40x128xi32, #tpu.memory_space<vmem>> -> memref<1x128xi32, #tpu.memory_space<vmem>>
          %dma_start3A_77 = tpu.memref_squeeze %dma_start3A_76 : memref<1x128xi32, #tpu.memory_space<vmem>> -> memref<128xi32, #tpu.memory_space<vmem>>
          %dma_start3A_78 = arith.constant 0 : i32
          %dma_start3A_79 = arith.constant 0 : i32
          %dma_start3A_80 = tpu.memref_slice %arg3[%dma_start3A_78, %dma_start3A_79] : memref<10000x128xf32, #tpu.memory_space<hbm>> -> memref<10000x128xf32, #tpu.memory_space<hbm>>
          tpu.enqueue_indirect_dma source(%dma_start3A_80 : memref<10000x128xf32, #tpu.memory_space<hbm>>) target(%arg12 : memref<128x128xf32, #tpu.memory_space<vmem>>) offsets(%dma_start3A_77 : memref<128xi32, #tpu.memory_space<vmem>>) semaphore(%arg15 : memref<!tpu.dma_semaphore, #tpu.memory_space<semaphore_mem>>)
          %add3A_81 = arith.constant 1 : i32
          %add3A_82 = arith.addi %mul3A_56, %add3A_81 : i32
          %dma_wait3A_83 = arith.constant 0 : i32
          %dma_wait3A_84 = tpu.memref_slice %arg9[%add3A_82, %dma_wait3A_83] : memref<40x128xi32, #tpu.memory_space<vmem>> -> memref<1x128xi32, #tpu.memory_space<vmem>>
          %dma_wait3A_85 = tpu.memref_squeeze %dma_wait3A_84 : memref<1x128xi32, #tpu.memory_space<vmem>> -> memref<128xi32, #tpu.memory_space<vmem>>
          %dma_wait3A_86 = arith.constant 0 : i32
          %dma_wait3A_87 = arith.constant 0 : i32
          %dma_wait3A_88 = tpu.memref_slice %arg3[%dma_wait3A_86, %dma_wait3A_87] : memref<10000x128xf32, #tpu.memory_space<hbm>> -> memref<10000x128xf32, #tpu.memory_space<hbm>>
          tpu.wait_indirect_dma semaphore(%arg15 : memref<!tpu.dma_semaphore, #tpu.memory_space<semaphore_mem>>) src(%dma_wait3A_88 : memref<10000x128xf32, #tpu.memory_space<hbm>>) dst(%arg12 : memref<128x128xf32, #tpu.memory_space<vmem>>)
          %add3A_89 = arith.constant 1 : i32
          %add3A_90 = arith.addi %mul3A_56, %add3A_89 : i32
          %dma_start3A_91 = arith.constant 0 : i32
          %dma_start3A_92 = tpu.memref_slice %arg10[%add3A_90, %dma_start3A_91] : memref<40x128xi32, #tpu.memory_space<vmem>> -> memref<1x128xi32, #tpu.memory_space<vmem>>
          %dma_start3A_93 = tpu.memref_squeeze %dma_start3A_92 : memref<1x128xi32, #tpu.memory_space<vmem>> -> memref<128xi32, #tpu.memory_space<vmem>>
          %dma_start3A_94 = arith.constant 0 : i32
          %dma_start3A_95 = arith.constant 0 : i32
          %dma_start3A_96 = tpu.memref_slice %arg13[%dma_start3A_94, %dma_start3A_95] : memref<10240x128xf32, #tpu.memory_space<vmem_shared>> -> memref<10240x128xf32, #tpu.memory_space<vmem_shared>>
          tpu.enqueue_indirect_dma source(%arg12 : memref<128x128xf32, #tpu.memory_space<vmem>>) target(%dma_start3A_96 : memref<10240x128xf32, #tpu.memory_space<vmem_shared>>) offsets(%dma_start3A_93 : memref<128xi32, #tpu.memory_space<vmem>>) semaphore(%arg17 : memref<!tpu.dma_semaphore, #tpu.memory_space<semaphore_mem>>) {add = true}
          %dma_wait3A_97 = arith.constant 0 : i32
          %dma_wait3A_98 = tpu.memref_slice %arg10[%mul3A_56, %dma_wait3A_97] : memref<40x128xi32, #tpu.memory_space<vmem>> -> memref<1x128xi32, #tpu.memory_space<vmem>>
          %dma_wait3A_99 = tpu.memref_squeeze %dma_wait3A_98 : memref<1x128xi32, #tpu.memory_space<vmem>> -> memref<128xi32, #tpu.memory_space<vmem>>
          %dma_wait3A_100 = arith.constant 0 : i32
          %dma_wait3A_101 = arith.constant 0 : i32
          %dma_wait3A_102 = tpu.memref_slice %arg13[%dma_wait3A_100, %dma_wait3A_101] : memref<10240x128xf32, #tpu.memory_space<vmem_shared>> -> memref<10240x128xf32, #tpu.memory_space<vmem_shared>>
          tpu.wait_indirect_dma semaphore(%arg16 : memref<!tpu.dma_semaphore, #tpu.memory_space<semaphore_mem>>) src(%arg11 : memref<128x128xf32, #tpu.memory_space<vmem>>) dst(%dma_wait3A_102 : memref<10240x128xf32, #tpu.memory_space<vmem_shared>>)
          %lt3A = arith.constant 19 : i32
          %lt3A_103 = arith.cmpi slt, %scan3A_54, %lt3A : i32
          %convert_element_type3A_104 = arith.extui %lt3A_103 : i1 to i32
          %cond3A_105 = arith.constant 0 : i32
          %cond3A_106 = arith.cmpi ne, %convert_element_type3A_104, %cond3A_105 : i32
          scf.if %cond3A_106 {
            %add3A_107 = arith.constant 2 : i32
            %add3A_108 = arith.addi %mul3A_56, %add3A_107 : i32
            %dma_start3A_109 = arith.constant 0 : i32
            %dma_start3A_110 = tpu.memref_slice %arg9[%add3A_108, %dma_start3A_109] : memref<40x128xi32, #tpu.memory_space<vmem>> -> memref<1x128xi32, #tpu.memory_space<vmem>>
            %dma_start3A_111 = tpu.memref_squeeze %dma_start3A_110 : memref<1x128xi32, #tpu.memory_space<vmem>> -> memref<128xi32, #tpu.memory_space<vmem>>
            %dma_start3A_112 = arith.constant 0 : i32
            %dma_start3A_113 = arith.constant 0 : i32
            %dma_start3A_114 = tpu.memref_slice %arg3[%dma_start3A_112, %dma_start3A_113] : memref<10000x128xf32, #tpu.memory_space<hbm>> -> memref<10000x128xf32, #tpu.memory_space<hbm>>
            tpu.enqueue_indirect_dma source(%dma_start3A_114 : memref<10000x128xf32, #tpu.memory_space<hbm>>) target(%arg11 : memref<128x128xf32, #tpu.memory_space<vmem>>) offsets(%dma_start3A_111 : memref<128xi32, #tpu.memory_space<vmem>>) semaphore(%arg14 : memref<!tpu.dma_semaphore, #tpu.memory_space<semaphore_mem>>)
          } else {
          }
        }
        %scan3A_47 = arith.constant 20 : i32
        %dma_wait3A = arith.constant 0 : i32
        %dma_wait3A_48 = arith.constant 0 : i32
        %dma_wait3A_49 = tpu.memref_slice %arg10[%dma_wait3A, %dma_wait3A_48] : memref<40x128xi32, #tpu.memory_space<vmem>> -> memref<1x128xi32, #tpu.memory_space<vmem>>
        %dma_wait3A_50 = tpu.memref_squeeze %dma_wait3A_49 : memref<1x128xi32, #tpu.memory_space<vmem>> -> memref<128xi32, #tpu.memory_space<vmem>>
        %dma_wait3A_51 = arith.constant 0 : i32
        %dma_wait3A_52 = arith.constant 0 : i32
        %dma_wait3A_53 = tpu.memref_slice %arg13[%dma_wait3A_51, %dma_wait3A_52] : memref<10240x128xf32, #tpu.memory_space<vmem_shared>> -> memref<10240x128xf32, #tpu.memory_space<vmem_shared>>
        tpu.wait_indirect_dma semaphore(%arg17 : memref<!tpu.dma_semaphore, #tpu.memory_space<semaphore_mem>>) src(%arg12 : memref<128x128xf32, #tpu.memory_space<vmem>>) dst(%dma_wait3A_53 : memref<10240x128xf32, #tpu.memory_space<vmem_shared>>)
      }
      %scan3A_25 = arith.constant 4 : i32
    } else {
    }
    %barrier3A_10 = arith.constant 0 : index
    tpu.barrier barrier_id(%barrier3A_10)
    %eq3A_11 = arith.constant 0 : i32
    %eq3A_12 = arith.cmpi eq, %arg0, %eq3A_11 : i32
    %convert_element_type3A_13 = arith.extui %eq3A_12 : i1 to i32
    %cond3A_14 = arith.constant 0 : i32
    %cond3A_15 = arith.cmpi ne, %convert_element_type3A_13, %cond3A_14 : i32
    scf.if %cond3A_15 {
      %mul3A_21 = arith.constant 640 : i32
      %mul3A_22 = arith.muli %arg1, %mul3A_21 : i32
      %mul3A_23 = arith.constant 640 : i32
      %mul3A_24 = arith.muli %arg1, %mul3A_23 : i32
      "tpu.region"() ({
        %run_scoped3A = tpu.sem_alloc : memref<!tpu.dma_semaphore, #tpu.memory_space<semaphore_mem>>
        %dma_start3A = arith.constant 0 : i32
        %dma_start3A_25 = tpu.memref_slice %arg7[%mul3A_24, %dma_start3A] : memref<10240x128xf32, #tpu.memory_space<hbm>> -> memref<640x128xf32, #tpu.memory_space<hbm>>
        %dma_start3A_26 = arith.constant 0 : i32
        %dma_start3A_27 = tpu.memref_slice %arg13[%mul3A_22, %dma_start3A_26] : memref<10240x128xf32, #tpu.memory_space<vmem_shared>> -> memref<640x128xf32, #tpu.memory_space<vmem_shared>>
        tpu.enqueue_dma source(%dma_start3A_27 : memref<640x128xf32, #tpu.memory_space<vmem_shared>>) target(%dma_start3A_25 : memref<640x128xf32, #tpu.memory_space<hbm>>) target_semaphore(%run_scoped3A : memref<!tpu.dma_semaphore, #tpu.memory_space<semaphore_mem>>)
        %dma_wait3A = arith.constant 0 : i32
        %dma_wait3A_28 = tpu.memref_slice %arg7[%mul3A_24, %dma_wait3A] : memref<10240x128xf32, #tpu.memory_space<hbm>> -> memref<640x128xf32, #tpu.memory_space<hbm>>
        %dma_wait3A_29 = arith.constant 0 : i32
        %dma_wait3A_30 = tpu.memref_slice %arg13[%mul3A_22, %dma_wait3A_29] : memref<10240x128xf32, #tpu.memory_space<vmem_shared>> -> memref<640x128xf32, #tpu.memory_space<vmem_shared>>
        tpu.wait_dma2 semaphore(%run_scoped3A : memref<!tpu.dma_semaphore, #tpu.memory_space<semaphore_mem>>) src(%dma_wait3A_30 : memref<640x128xf32, #tpu.memory_space<vmem_shared>>) dst(%dma_wait3A_28 : memref<640x128xf32, #tpu.memory_space<hbm>>)
        tpu.yield
      }) : () -> ()
    } else {
    }
    %eq3A_16 = arith.constant 1 : i32
    %eq3A_17 = arith.cmpi eq, %arg0, %eq3A_16 : i32
    %convert_element_type3A_18 = arith.extui %eq3A_17 : i1 to i32
    %cond3A_19 = arith.constant 0 : i32
    %cond3A_20 = arith.cmpi ne, %convert_element_type3A_18, %cond3A_19 : i32
    scf.if %cond3A_20 {
      %mul3A_21 = arith.constant 640 : i32
      %mul3A_22 = arith.muli %arg1, %mul3A_21 : i32
      %mul3A_23 = arith.constant 640 : i32
      %mul3A_24 = arith.muli %arg1, %mul3A_23 : i32
      "tpu.region"() ({
        %run_scoped3A = tpu.sem_alloc : memref<!tpu.dma_semaphore, #tpu.memory_space<semaphore_mem>>
        %dma_start3A = arith.constant 0 : i32
        %dma_start3A_25 = tpu.memref_slice %arg8[%mul3A_24, %dma_start3A] : memref<10240x128xf32, #tpu.memory_space<hbm>> -> memref<640x128xf32, #tpu.memory_space<hbm>>
        %dma_start3A_26 = arith.constant 0 : i32
        %dma_start3A_27 = tpu.memref_slice %arg13[%mul3A_22, %dma_start3A_26] : memref<10240x128xf32, #tpu.memory_space<vmem_shared>> -> memref<640x128xf32, #tpu.memory_space<vmem_shared>>
        tpu.enqueue_dma source(%dma_start3A_27 : memref<640x128xf32, #tpu.memory_space<vmem_shared>>) target(%dma_start3A_25 : memref<640x128xf32, #tpu.memory_space<hbm>>) target_semaphore(%run_scoped3A : memref<!tpu.dma_semaphore, #tpu.memory_space<semaphore_mem>>)
        %dma_wait3A = arith.constant 0 : i32
        %dma_wait3A_28 = tpu.memref_slice %arg8[%mul3A_24, %dma_wait3A] : memref<10240x128xf32, #tpu.memory_space<hbm>> -> memref<640x128xf32, #tpu.memory_space<hbm>>
        %dma_wait3A_29 = arith.constant 0 : i32
        %dma_wait3A_30 = tpu.memref_slice %arg13[%mul3A_22, %dma_wait3A_29] : memref<10240x128xf32, #tpu.memory_space<vmem_shared>> -> memref<640x128xf32, #tpu.memory_space<vmem_shared>>
        tpu.wait_dma2 semaphore(%run_scoped3A : memref<!tpu.dma_semaphore, #tpu.memory_space<semaphore_mem>>) src(%dma_wait3A_30 : memref<640x128xf32, #tpu.memory_space<vmem_shared>>) dst(%dma_wait3A_28 : memref<640x128xf32, #tpu.memory_space<hbm>>)
        tpu.yield
      }) : () -> ()
    } else {
    }
    return
  }
}

module attributes {stable_mosaic.version = 14 : i64} {
  func.func @_k1_body(%arg0: i32, %arg1: memref<1000x128xf32, #tpu.memory_space<vmem>>, %arg2: memref<128x256xf32, #tpu.memory_space<vmem>>, %arg3: memref<1000x1xf32, #tpu.memory_space<vmem>>, %arg4: memref<1000x1xf32, #tpu.memory_space<vmem>>, %arg5: memref<1000x128xf32, #tpu.memory_space<vmem>>, %arg6: memref<1000x128xf32, #tpu.memory_space<vmem>>, %arg7: memref<1000x1xf32, #tpu.memory_space<vmem>>) attributes {dimension_semantics = [#tpu.dimension_semantics<arbitrary>], iteration_bounds = array<i64: 10>, scalar_prefetch = 0 : i64, scratch_operands = 0 : i64, tpu.core_type = #tpu.core_type<tc>, window_params = [{transform_indices = @transform_0, window_bounds = array<i64: 1000, 128>}, {pipeline_mode = #tpu.pipeline_mode<synchronous>, transform_indices = @transform_1, window_bounds = array<i64: 128, 256>}, {transform_indices = @transform_2, window_bounds = array<i64: 1000, 1>}, {transform_indices = @transform_3, window_bounds = array<i64: 1000, 1>}, {transform_indices = @transform_4, window_bounds = array<i64: 1000, 128>}, {transform_indices = @transform_5, window_bounds = array<i64: 1000, 128>}, {transform_indices = @transform_6, window_bounds = array<i64: 1000, 1>}]} {
    %get3A = arith.constant 0 : index
    %get3A_0 = arith.constant 0 : index
    %get3A_1 = vector.load %arg3[%get3A, %get3A_0] : memref<1000x1xf32, #tpu.memory_space<vmem>>, vector<1000x1xf32>
    %add3A = arith.constant 1.000000e+00 : f32
    %add3A_2 = vector.broadcast %add3A : f32 to vector<1000x1xf32>
    %add3A_3 = arith.addf %add3A_2, %get3A_1 : vector<1000x1xf32>
    %get3A_4 = arith.constant 0 : index
    %get3A_5 = arith.constant 0 : index
    %get3A_6 = vector.load %arg4[%get3A_4, %get3A_5] : memref<1000x1xf32, #tpu.memory_space<vmem>>, vector<1000x1xf32>
    %add3A_7 = arith.addf %add3A_3, %get3A_6 : vector<1000x1xf32>
    %rsqrt3A = math.rsqrt %add3A_7 : vector<1000x1xf32>
    %get3A_8 = arith.constant 0 : index
    %get3A_9 = arith.constant 0 : index
    %get3A_10 = vector.load %arg1[%get3A_8, %get3A_9] : memref<1000x128xf32, #tpu.memory_space<vmem>>, vector<1000x128xf32>
    %get3A_11 = arith.constant 0 : index
    %get3A_12 = arith.constant 0 : index
    %get3A_13 = vector.load %arg2[%get3A_11, %get3A_12] : memref<128x256xf32, #tpu.memory_space<vmem>>, vector<128x256xf32>
    %dot_general3A = arith.constant dense<0.000000e+00> : vector<1000x256xf32>
    %dot_general3A_14 = tpu.matmul %get3A_10, %get3A_13, %dot_general3A {dimension_numbers = #tpu.dot_dimension_numbers<[1], [0], [0], [1], [0, 0, 1, 1], [], []>, transpose_lhs_hint = false} : vector<1000x128xf32>, vector<128x256xf32>, vector<1000x256xf32> -> vector<1000x256xf32>
    %mul3A = vector.broadcast %rsqrt3A : vector<1000x1xf32> to vector<1000x256xf32>
    %mul3A_15 = arith.mulf %mul3A, %dot_general3A_14 : vector<1000x256xf32>
    %slice3A = vector.extract_strided_slice %mul3A_15 {offsets = [0, 0], sizes = [1000, 128], strides = [1, 1]} : vector<1000x256xf32> to vector<1000x128xf32>
    %swap3A = arith.constant 0 : index
    %swap3A_16 = arith.constant 0 : index
    %swap3A_17 = vector.load %arg5[%swap3A, %swap3A_16] : memref<1000x128xf32, #tpu.memory_space<vmem>>, vector<1000x128xf32>
    tpu.vector_store %arg5[%swap3A, %swap3A_16], %slice3A {strides = array<i32>} : memref<1000x128xf32, #tpu.memory_space<vmem>>, vector<1000x128xf32>,
    %slice3A_18 = vector.extract_strided_slice %mul3A_15 {offsets = [0, 128], sizes = [1000, 128], strides = [1, 1]} : vector<1000x256xf32> to vector<1000x128xf32>
    %swap3A_19 = arith.constant 0 : index
    %swap3A_20 = arith.constant 0 : index
    %swap3A_21 = vector.load %arg6[%swap3A_19, %swap3A_20] : memref<1000x128xf32, #tpu.memory_space<vmem>>, vector<1000x128xf32>
    tpu.vector_store %arg6[%swap3A_19, %swap3A_20], %slice3A_18 {strides = array<i32>} : memref<1000x128xf32, #tpu.memory_space<vmem>>, vector<1000x128xf32>,
    %swap3A_22 = arith.constant 0 : index
    %swap3A_23 = arith.constant 0 : index
    %swap3A_24 = vector.load %arg7[%swap3A_22, %swap3A_23] : memref<1000x1xf32, #tpu.memory_space<vmem>>, vector<1000x1xf32>
    tpu.vector_store %arg7[%swap3A_22, %swap3A_23], %rsqrt3A {strides = array<i32>} : memref<1000x1xf32, #tpu.memory_space<vmem>>, vector<1000x1xf32>,
    return
  }
  func.func @transform_0(%arg0: i32) -> (i32, i32) {
    %c0_i32 = arith.constant 0 : i32
    %c0_i32_0 = arith.constant 0 : i32
    return %arg0, %c0_i32 : i32, i32
  }
  func.func @transform_1(%arg0: i32) -> (i32, i32) {
    %c0_i32 = arith.constant 0 : i32
    %c0_i32_0 = arith.constant 0 : i32
    %c0_i32_1 = arith.constant 0 : i32
    return %c0_i32, %c0_i32_0 : i32, i32
  }
  func.func @transform_2(%arg0: i32) -> (i32, i32) {
    %c0_i32 = arith.constant 0 : i32
    %c0_i32_0 = arith.constant 0 : i32
    return %arg0, %c0_i32 : i32, i32
  }
  func.func @transform_3(%arg0: i32) -> (i32, i32) {
    %c0_i32 = arith.constant 0 : i32
    %c0_i32_0 = arith.constant 0 : i32
    return %arg0, %c0_i32 : i32, i32
  }
  func.func @transform_4(%arg0: i32) -> (i32, i32) {
    %c0_i32 = arith.constant 0 : i32
    %c0_i32_0 = arith.constant 0 : i32
    return %arg0, %c0_i32 : i32, i32
  }
  func.func @transform_5(%arg0: i32) -> (i32, i32) {
    %c0_i32 = arith.constant 0 : i32
    %c0_i32_0 = arith.constant 0 : i32
    return %arg0, %c0_i32 : i32, i32
  }
  func.func @transform_6(%arg0: i32) -> (i32, i32) {
    %c0_i32 = arith.constant 0 : i32
    %c0_i32_0 = arith.constant 0 : i32
    return %arg0, %c0_i32 : i32, i32
  }
}

module attributes {stable_mosaic.version = 14 : i64} {
  func.func @_k2_body(%arg0: i32, %arg1: memref<1000x128xf32, #tpu.memory_space<vmem>>, %arg2: memref<1000x128xf32, #tpu.memory_space<vmem>>, %arg3: memref<1000x128xf32, #tpu.memory_space<vmem>>, %arg4: memref<1000x128xf32, #tpu.memory_space<vmem>>, %arg5: memref<1000x1xf32, #tpu.memory_space<vmem>>, %arg6: memref<1x256xf32, #tpu.memory_space<vmem>>, %arg7: memref<256x256xf32, #tpu.memory_space<vmem>>, %arg8: memref<1000x128xf32, #tpu.memory_space<vmem>>, %arg9: memref<1000x128xf32, #tpu.memory_space<vmem>>) attributes {dimension_semantics = [#tpu.dimension_semantics<arbitrary>], iteration_bounds = array<i64: 10>, scalar_prefetch = 0 : i64, scratch_operands = 0 : i64, tpu.core_type = #tpu.core_type<tc>, window_params = [{transform_indices = @transform_0, window_bounds = array<i64: 1000, 128>}, {transform_indices = @transform_1, window_bounds = array<i64: 1000, 128>}, {transform_indices = @transform_2, window_bounds = array<i64: 1000, 128>}, {transform_indices = @transform_3, window_bounds = array<i64: 1000, 128>}, {transform_indices = @transform_4, window_bounds = array<i64: 1000, 1>}, {pipeline_mode = #tpu.pipeline_mode<synchronous>, transform_indices = @transform_5, window_bounds = array<i64: 1, 256>}, {pipeline_mode = #tpu.pipeline_mode<synchronous>, transform_indices = @transform_6, window_bounds = array<i64: 256, 256>}, {transform_indices = @transform_7, window_bounds = array<i64: 1000, 128>}, {transform_indices = @transform_8, window_bounds = array<i64: 1000, 128>}]} {
    %get3A = arith.constant 0 : index
    %get3A_0 = arith.constant 0 : index
    %get3A_1 = vector.load %arg5[%get3A, %get3A_0] : memref<1000x1xf32, #tpu.memory_space<vmem>>, vector<1000x1xf32>
    %get3A_2 = arith.constant 0 : index
    %get3A_3 = arith.constant 0 : index
    %get3A_4 = vector.load %arg1[%get3A_2, %get3A_3] : memref<1000x128xf32, #tpu.memory_space<vmem>>, vector<1000x128xf32>
    %get3A_5 = arith.constant 0 : index
    %get3A_6 = arith.constant 0 : index
    %get3A_7 = vector.load %arg3[%get3A_5, %get3A_6] : memref<1000x128xf32, #tpu.memory_space<vmem>>, vector<1000x128xf32>
    %add3A = arith.addf %get3A_4, %get3A_7 : vector<1000x128xf32>
    %get3A_8 = arith.constant 0 : index
    %get3A_9 = arith.constant 0 : index
    %get3A_10 = vector.load %arg2[%get3A_8, %get3A_9] : memref<1000x128xf32, #tpu.memory_space<vmem>>, vector<1000x128xf32>
    %get3A_11 = arith.constant 0 : index
    %get3A_12 = arith.constant 0 : index
    %get3A_13 = vector.load %arg4[%get3A_11, %get3A_12] : memref<1000x128xf32, #tpu.memory_space<vmem>>, vector<1000x128xf32>
    %add3A_14 = arith.addf %get3A_10, %get3A_13 : vector<1000x128xf32>
    %concatenate3A = tpu.concatenate %add3A, %add3A_14 in 1 : vector<1000x128xf32>, vector<1000x128xf32> -> vector<1000x256xf32>
    %mul3A = vector.broadcast %get3A_1 : vector<1000x1xf32> to vector<1000x256xf32>
    %mul3A_15 = arith.mulf %mul3A, %concatenate3A : vector<1000x256xf32>
    %get3A_16 = arith.constant 0 : index
    %get3A_17 = arith.constant 0 : index
    %get3A_18 = vector.load %arg6[%get3A_16, %get3A_17] : memref<1x256xf32, #tpu.memory_space<vmem>>, vector<1x256xf32>
    %add3A_19 = vector.broadcast %get3A_18 : vector<1x256xf32> to vector<1000x256xf32>
    %add3A_20 = arith.addf %mul3A_15, %add3A_19 : vector<1000x256xf32>
    %max3A = arith.constant 0.000000e+00 : f32
    %max3A_21 = vector.broadcast %max3A : f32 to vector<1000x256xf32>
    %max3A_22 = arith.maximumf %add3A_20, %max3A_21 : vector<1000x256xf32>
    %get3A_23 = arith.constant 0 : index
    %get3A_24 = arith.constant 0 : index
    %get3A_25 = vector.load %arg7[%get3A_23, %get3A_24] : memref<256x256xf32, #tpu.memory_space<vmem>>, vector<256x256xf32>
    %dot_general3A = arith.constant dense<0.000000e+00> : vector<1000x256xf32>
    %dot_general3A_26 = tpu.matmul %max3A_22, %get3A_25, %dot_general3A {dimension_numbers = #tpu.dot_dimension_numbers<[1], [0], [0], [1], [0, 0, 1, 1], [], []>, transpose_lhs_hint = false} : vector<1000x256xf32>, vector<256x256xf32>, vector<1000x256xf32> -> vector<1000x256xf32>
    %mul3A_27 = vector.broadcast %get3A_1 : vector<1000x1xf32> to vector<1000x256xf32>
    %mul3A_28 = arith.mulf %mul3A_27, %dot_general3A_26 : vector<1000x256xf32>
    %slice3A = vector.extract_strided_slice %mul3A_28 {offsets = [0, 0], sizes = [1000, 128], strides = [1, 1]} : vector<1000x256xf32> to vector<1000x128xf32>
    %swap3A = arith.constant 0 : index
    %swap3A_29 = arith.constant 0 : index
    %swap3A_30 = vector.load %arg8[%swap3A, %swap3A_29] : memref<1000x128xf32, #tpu.memory_space<vmem>>, vector<1000x128xf32>
    tpu.vector_store %arg8[%swap3A, %swap3A_29], %slice3A {strides = array<i32>} : memref<1000x128xf32, #tpu.memory_space<vmem>>, vector<1000x128xf32>,
    %slice3A_31 = vector.extract_strided_slice %mul3A_28 {offsets = [0, 128], sizes = [1000, 128], strides = [1, 1]} : vector<1000x256xf32> to vector<1000x128xf32>
    %swap3A_32 = arith.constant 0 : index
    %swap3A_33 = arith.constant 0 : index
    %swap3A_34 = vector.load %arg9[%swap3A_32, %swap3A_33] : memref<1000x128xf32, #tpu.memory_space<vmem>>, vector<1000x128xf32>
    tpu.vector_store %arg9[%swap3A_32, %swap3A_33], %slice3A_31 {strides = array<i32>} : memref<1000x128xf32, #tpu.memory_space<vmem>>, vector<1000x128xf32>,
    return
  }
  func.func @transform_0(%arg0: i32) -> (i32, i32) {
    %c0_i32 = arith.constant 0 : i32
    %c0_i32_0 = arith.constant 0 : i32
    return %arg0, %c0_i32 : i32, i32
  }
  func.func @transform_1(%arg0: i32) -> (i32, i32) {
    %c0_i32 = arith.constant 0 : i32
    %c0_i32_0 = arith.constant 0 : i32
    return %arg0, %c0_i32 : i32, i32
  }
  func.func @transform_2(%arg0: i32) -> (i32, i32) {
    %c0_i32 = arith.constant 0 : i32
    %c0_i32_0 = arith.constant 0 : i32
    return %arg0, %c0_i32 : i32, i32
  }
  func.func @transform_3(%arg0: i32) -> (i32, i32) {
    %c0_i32 = arith.constant 0 : i32
    %c0_i32_0 = arith.constant 0 : i32
    return %arg0, %c0_i32 : i32, i32
  }
  func.func @transform_4(%arg0: i32) -> (i32, i32) {
    %c0_i32 = arith.constant 0 : i32
    %c0_i32_0 = arith.constant 0 : i32
    return %arg0, %c0_i32 : i32, i32
  }
  func.func @transform_5(%arg0: i32) -> (i32, i32) {
    %c0_i32 = arith.constant 0 : i32
    %c0_i32_0 = arith.constant 0 : i32
    %c0_i32_1 = arith.constant 0 : i32
    return %c0_i32, %c0_i32_0 : i32, i32
  }
  func.func @transform_6(%arg0: i32) -> (i32, i32) {
    %c0_i32 = arith.constant 0 : i32
    %c0_i32_0 = arith.constant 0 : i32
    %c0_i32_1 = arith.constant 0 : i32
    return %c0_i32, %c0_i32_0 : i32, i32
  }
  func.func @transform_7(%arg0: i32) -> (i32, i32) {
    %c0_i32 = arith.constant 0 : i32
    %c0_i32_0 = arith.constant 0 : i32
    return %arg0, %c0_i32 : i32, i32
  }
  func.func @transform_8(%arg0: i32) -> (i32, i32) {
    %c0_i32 = arith.constant 0 : i32
    %c0_i32_0 = arith.constant 0 : i32
    return %arg0, %c0_i32 : i32, i32
  }
}

module attributes {stable_mosaic.version = 14 : i64} {
  func.func @_k3_body(%arg0: i32, %arg1: memref<1000x128xf32, #tpu.memory_space<vmem>>, %arg2: memref<1000x128xf32, #tpu.memory_space<vmem>>, %arg3: memref<1000x128xf32, #tpu.memory_space<vmem>>, %arg4: memref<1000x128xf32, #tpu.memory_space<vmem>>, %arg5: memref<1000x1xf32, #tpu.memory_space<vmem>>, %arg6: memref<1x256xf32, #tpu.memory_space<vmem>>, %arg7: memref<256x128xf32, #tpu.memory_space<vmem>>, %arg8: memref<1000x128xf32, #tpu.memory_space<vmem>>, %arg9: memref<1000x128xf32, #tpu.memory_space<vmem>>) attributes {dimension_semantics = [#tpu.dimension_semantics<arbitrary>], iteration_bounds = array<i64: 10>, scalar_prefetch = 0 : i64, scratch_operands = 0 : i64, tpu.core_type = #tpu.core_type<tc>, window_params = [{transform_indices = @transform_0, window_bounds = array<i64: 1000, 128>}, {transform_indices = @transform_1, window_bounds = array<i64: 1000, 128>}, {transform_indices = @transform_2, window_bounds = array<i64: 1000, 128>}, {transform_indices = @transform_3, window_bounds = array<i64: 1000, 128>}, {transform_indices = @transform_4, window_bounds = array<i64: 1000, 1>}, {pipeline_mode = #tpu.pipeline_mode<synchronous>, transform_indices = @transform_5, window_bounds = array<i64: 1, 256>}, {pipeline_mode = #tpu.pipeline_mode<synchronous>, transform_indices = @transform_6, window_bounds = array<i64: 256, 128>}, {transform_indices = @transform_7, window_bounds = array<i64: 1000, 128>}, {transform_indices = @transform_8, window_bounds = array<i64: 1000, 128>}]} {
    %get3A = arith.constant 0 : index
    %get3A_0 = arith.constant 0 : index
    %get3A_1 = vector.load %arg5[%get3A, %get3A_0] : memref<1000x1xf32, #tpu.memory_space<vmem>>, vector<1000x1xf32>
    %get3A_2 = arith.constant 0 : index
    %get3A_3 = arith.constant 0 : index
    %get3A_4 = vector.load %arg1[%get3A_2, %get3A_3] : memref<1000x128xf32, #tpu.memory_space<vmem>>, vector<1000x128xf32>
    %get3A_5 = arith.constant 0 : index
    %get3A_6 = arith.constant 0 : index
    %get3A_7 = vector.load %arg3[%get3A_5, %get3A_6] : memref<1000x128xf32, #tpu.memory_space<vmem>>, vector<1000x128xf32>
    %add3A = arith.addf %get3A_4, %get3A_7 : vector<1000x128xf32>
    %get3A_8 = arith.constant 0 : index
    %get3A_9 = arith.constant 0 : index
    %get3A_10 = vector.load %arg2[%get3A_8, %get3A_9] : memref<1000x128xf32, #tpu.memory_space<vmem>>, vector<1000x128xf32>
    %get3A_11 = arith.constant 0 : index
    %get3A_12 = arith.constant 0 : index
    %get3A_13 = vector.load %arg4[%get3A_11, %get3A_12] : memref<1000x128xf32, #tpu.memory_space<vmem>>, vector<1000x128xf32>
    %add3A_14 = arith.addf %get3A_10, %get3A_13 : vector<1000x128xf32>
    %concatenate3A = tpu.concatenate %add3A, %add3A_14 in 1 : vector<1000x128xf32>, vector<1000x128xf32> -> vector<1000x256xf32>
    %mul3A = vector.broadcast %get3A_1 : vector<1000x1xf32> to vector<1000x256xf32>
    %mul3A_15 = arith.mulf %mul3A, %concatenate3A : vector<1000x256xf32>
    %get3A_16 = arith.constant 0 : index
    %get3A_17 = arith.constant 0 : index
    %get3A_18 = vector.load %arg6[%get3A_16, %get3A_17] : memref<1x256xf32, #tpu.memory_space<vmem>>, vector<1x256xf32>
    %add3A_19 = vector.broadcast %get3A_18 : vector<1x256xf32> to vector<1000x256xf32>
    %add3A_20 = arith.addf %mul3A_15, %add3A_19 : vector<1000x256xf32>
    %max3A = arith.constant 0.000000e+00 : f32
    %max3A_21 = vector.broadcast %max3A : f32 to vector<1000x256xf32>
    %max3A_22 = arith.maximumf %add3A_20, %max3A_21 : vector<1000x256xf32>
    %get3A_23 = arith.constant 0 : index
    %get3A_24 = arith.constant 0 : index
    %get3A_25 = vector.load %arg7[%get3A_23, %get3A_24] : memref<256x128xf32, #tpu.memory_space<vmem>>, vector<256x128xf32>
    %dot_general3A = arith.constant dense<0.000000e+00> : vector<1000x128xf32>
    %dot_general3A_26 = tpu.matmul %max3A_22, %get3A_25, %dot_general3A {dimension_numbers = #tpu.dot_dimension_numbers<[1], [0], [0], [1], [0, 0, 1, 1], [], []>, transpose_lhs_hint = false} : vector<1000x256xf32>, vector<256x128xf32>, vector<1000x128xf32> -> vector<1000x128xf32>
    %mul3A_27 = vector.broadcast %get3A_1 : vector<1000x1xf32> to vector<1000x128xf32>
    %mul3A_28 = arith.mulf %mul3A_27, %dot_general3A_26 : vector<1000x128xf32>
    %swap3A = arith.constant 0 : index
    %swap3A_29 = arith.constant 0 : index
    %swap3A_30 = vector.load %arg8[%swap3A, %swap3A_29] : memref<1000x128xf32, #tpu.memory_space<vmem>>, vector<1000x128xf32>
    tpu.vector_store %arg8[%swap3A, %swap3A_29], %mul3A_28 {strides = array<i32>} : memref<1000x128xf32, #tpu.memory_space<vmem>>, vector<1000x128xf32>,
    %swap3A_31 = arith.constant 0 : index
    %swap3A_32 = arith.constant 0 : index
    %swap3A_33 = vector.load %arg9[%swap3A_31, %swap3A_32] : memref<1000x128xf32, #tpu.memory_space<vmem>>, vector<1000x128xf32>
    tpu.vector_store %arg9[%swap3A_31, %swap3A_32], %mul3A_28 {strides = array<i32>} : memref<1000x128xf32, #tpu.memory_space<vmem>>, vector<1000x128xf32>,
    return
  }
  func.func @transform_0(%arg0: i32) -> (i32, i32) {
    %c0_i32 = arith.constant 0 : i32
    %c0_i32_0 = arith.constant 0 : i32
    return %arg0, %c0_i32 : i32, i32
  }
  func.func @transform_1(%arg0: i32) -> (i32, i32) {
    %c0_i32 = arith.constant 0 : i32
    %c0_i32_0 = arith.constant 0 : i32
    return %arg0, %c0_i32 : i32, i32
  }
  func.func @transform_2(%arg0: i32) -> (i32, i32) {
    %c0_i32 = arith.constant 0 : i32
    %c0_i32_0 = arith.constant 0 : i32
    return %arg0, %c0_i32 : i32, i32
  }
  func.func @transform_3(%arg0: i32) -> (i32, i32) {
    %c0_i32 = arith.constant 0 : i32
    %c0_i32_0 = arith.constant 0 : i32
    return %arg0, %c0_i32 : i32, i32
  }
  func.func @transform_4(%arg0: i32) -> (i32, i32) {
    %c0_i32 = arith.constant 0 : i32
    %c0_i32_0 = arith.constant 0 : i32
    return %arg0, %c0_i32 : i32, i32
  }
  func.func @transform_5(%arg0: i32) -> (i32, i32) {
    %c0_i32 = arith.constant 0 : i32
    %c0_i32_0 = arith.constant 0 : i32
    %c0_i32_1 = arith.constant 0 : i32
    return %c0_i32, %c0_i32_0 : i32, i32
  }
  func.func @transform_6(%arg0: i32) -> (i32, i32) {
    %c0_i32 = arith.constant 0 : i32
    %c0_i32_0 = arith.constant 0 : i32
    %c0_i32_1 = arith.constant 0 : i32
    return %c0_i32, %c0_i32_0 : i32, i32
  }
  func.func @transform_7(%arg0: i32) -> (i32, i32) {
    %c0_i32 = arith.constant 0 : i32
    %c0_i32_0 = arith.constant 0 : i32
    return %arg0, %c0_i32 : i32, i32
  }
  func.func @transform_8(%arg0: i32) -> (i32, i32) {
    %c0_i32 = arith.constant 0 : i32
    %c0_i32_0 = arith.constant 0 : i32
    return %arg0, %c0_i32 : i32, i32
  }
}

module attributes {stable_mosaic.version = 14 : i64} {
  func.func @_k4_body(%arg0: i32, %arg1: memref<1000x128xf32, #tpu.memory_space<vmem>>, %arg2: memref<1000x128xf32, #tpu.memory_space<vmem>>, %arg3: memref<1000x128xf32, #tpu.memory_space<vmem>>, %arg4: memref<1000x1xf32, #tpu.memory_space<vmem>>, %arg5: memref<1x128xf32, #tpu.memory_space<vmem>>, %arg6: memref<1000x128xf32, #tpu.memory_space<vmem>>) attributes {dimension_semantics = [#tpu.dimension_semantics<arbitrary>], iteration_bounds = array<i64: 10>, scalar_prefetch = 0 : i64, scratch_operands = 0 : i64, tpu.core_type = #tpu.core_type<tc>, window_params = [{transform_indices = @transform_0, window_bounds = array<i64: 1000, 128>}, {transform_indices = @transform_1, window_bounds = array<i64: 1000, 128>}, {transform_indices = @transform_2, window_bounds = array<i64: 1000, 128>}, {transform_indices = @transform_3, window_bounds = array<i64: 1000, 1>}, {pipeline_mode = #tpu.pipeline_mode<synchronous>, transform_indices = @transform_4, window_bounds = array<i64: 1, 128>}, {transform_indices = @transform_5, window_bounds = array<i64: 1000, 128>}]} {
    %get3A = arith.constant 0 : index
    %get3A_0 = arith.constant 0 : index
    %get3A_1 = vector.load %arg4[%get3A, %get3A_0] : memref<1000x1xf32, #tpu.memory_space<vmem>>, vector<1000x1xf32>
    %get3A_2 = arith.constant 0 : index
    %get3A_3 = arith.constant 0 : index
    %get3A_4 = vector.load %arg1[%get3A_2, %get3A_3] : memref<1000x128xf32, #tpu.memory_space<vmem>>, vector<1000x128xf32>
    %get3A_5 = arith.constant 0 : index
    %get3A_6 = arith.constant 0 : index
    %get3A_7 = vector.load %arg2[%get3A_5, %get3A_6] : memref<1000x128xf32, #tpu.memory_space<vmem>>, vector<1000x128xf32>
    %add3A = arith.addf %get3A_4, %get3A_7 : vector<1000x128xf32>
    %get3A_8 = arith.constant 0 : index
    %get3A_9 = arith.constant 0 : index
    %get3A_10 = vector.load %arg3[%get3A_8, %get3A_9] : memref<1000x128xf32, #tpu.memory_space<vmem>>, vector<1000x128xf32>
    %add3A_11 = arith.addf %add3A, %get3A_10 : vector<1000x128xf32>
    %mul3A = vector.broadcast %get3A_1 : vector<1000x1xf32> to vector<1000x128xf32>
    %mul3A_12 = arith.mulf %mul3A, %add3A_11 : vector<1000x128xf32>
    %get3A_13 = arith.constant 0 : index
    %get3A_14 = arith.constant 0 : index
    %get3A_15 = vector.load %arg5[%get3A_13, %get3A_14] : memref<1x128xf32, #tpu.memory_space<vmem>>, vector<1x128xf32>
    %add3A_16 = vector.broadcast %get3A_15 : vector<1x128xf32> to vector<1000x128xf32>
    %add3A_17 = arith.addf %mul3A_12, %add3A_16 : vector<1000x128xf32>
    %swap3A = arith.constant 0 : index
    %swap3A_18 = arith.constant 0 : index
    %swap3A_19 = vector.load %arg6[%swap3A, %swap3A_18] : memref<1000x128xf32, #tpu.memory_space<vmem>>, vector<1000x128xf32>
    tpu.vector_store %arg6[%swap3A, %swap3A_18], %add3A_17 {strides = array<i32>} : memref<1000x128xf32, #tpu.memory_space<vmem>>, vector<1000x128xf32>,
    return
  }
  func.func @transform_0(%arg0: i32) -> (i32, i32) {
    %c0_i32 = arith.constant 0 : i32
    %c0_i32_0 = arith.constant 0 : i32
    return %arg0, %c0_i32 : i32, i32
  }
  func.func @transform_1(%arg0: i32) -> (i32, i32) {
    %c0_i32 = arith.constant 0 : i32
    %c0_i32_0 = arith.constant 0 : i32
    return %arg0, %c0_i32 : i32, i32
  }
  func.func @transform_2(%arg0: i32) -> (i32, i32) {
    %c0_i32 = arith.constant 0 : i32
    %c0_i32_0 = arith.constant 0 : i32
    return %arg0, %c0_i32 : i32, i32
  }
  func.func @transform_3(%arg0: i32) -> (i32, i32) {
    %c0_i32 = arith.constant 0 : i32
    %c0_i32_0 = arith.constant 0 : i32
    return %arg0, %c0_i32 : i32, i32
  }
  func.func @transform_4(%arg0: i32) -> (i32, i32) {
    %c0_i32 = arith.constant 0 : i32
    %c0_i32_0 = arith.constant 0 : i32
    %c0_i32_1 = arith.constant 0 : i32
    return %c0_i32, %c0_i32_0 : i32, i32
  }
  func.func @transform_5(%arg0: i32) -> (i32, i32) {
    %c0_i32 = arith.constant 0 : i32
    %c0_i32_0 = arith.constant 0 : i32
    return %arg0, %c0_i32 : i32, i32
  }
}

</mosaic_0001>

<sc_bundles>
// kernel: kernel.10.cloned.1.call-start
scs
__scs_entry_jumppad:
0x0: {  	(pc) =	sbr.rel $0x88, $3  }
0x1: {  	(tag) =	ssettag $0x0;
	lr =	simm.s32 $0x1  }
0x2: {  	[smem:$0x3F99] =	sst lr;
	_ =	strace $0xD0000000  }
0x3: {  	_ = 	snop  }
0x4: {  	_ = 	snop  }
0x5: {  	_ = 	snop  }
0x6: {  	_ = 	snop  }
0x7: {  	_ = 	snop  }
__scs_overlays_trampoline_lowered:
0x8: {  	[smem:$0x3FA8] =	sst s0  }
0x9: {  	[smem:$0x3FA9] =	sst s1  }
0xa: {  	[smem:$0x3FAA] =	sst s2  }
0xb: {  	[smem:$0x3FAB] =	sst s3  }
0xc: {  	[smem:$0x3FAC] =	sst s4  }
0xd: {  	[smem:$0x3FAD] =	sst s5  }
0xe: {  	[smem:$0x3FAE] =	sst s6  }
0xf: {  	[smem:$0x3FAF] =	sst s7  }
0x10: {  	[smem:$0x3FB0] =	sst s8  }
0x11: {  	[smem:$0x3FB1] =	sst s9;
	s0 =	simm.s32 @!p0 $0x0  }
0x12: {  	s1 =	sld [smem:$0x3F97];
	s0 =	simm.s32 @p0 $0x1  }
0x13: {  	[smem:$0x3FB2] =	sst s0;
	s0 =	simm.s32 @!p1 $0x0  }
0x14: {  	s2 =	sld [smem:$0x3F96];
	s0 =	simm.s32 @p1 $0x1  }
0x15: {  	[smem:$0x3FB3] =	sst s0;
	s0 =	simm.s32 @!p2 $0x0  }
0x16: {  	s3 =	sld [smem:$0x3FDB];
	s0 =	simm.s32 @p2 $0x1  }
0x17: {  	s4 =	simm.s32 $0x1BF5;
	[smem:$0x3FB5] =	sst s0  }
0x18: {  	s0 =	sld [smem:$0x3F98];
	_ =	swait.ge [sflag:s4], $0x0  }
0x19: {  	s7 =	sld [smem:$0x3F99]  }
0x1a: {  	s8 =	sadd.s32 $0xFFFFE003, lr  }
0x1b: {  	s9 =	sadd.s32 $0xFFFFFEF7, lr;
	s5 =	simm.s32 $0xFFFFFFFF;
	p2 =	slt.u32 s8, $0xFFFFF086  }
0x1c: {  	p1 =	slt.u32 s9, $0xF7A;
	s5 =	simm.s32 @!p2 $0x0  }
0x1d: {  	s5 =	simm.s32 @p1 $0x1;
	p0 =	seq.s32 s7, s2  }
0x1e: {  	s7 =	smul.u32 @!p0 $0xF7A, s2;
	p2 =	seq.s32 @!p0 s5, $0x0  }
0x1f: {  	s9 =	smul.u32 $0xF7A, s1;
	s8 =	simm.s32 @!p0 $0x1BF5;
	p2 =	por !p2, p0  }
0x20: {  	[sflag:s8] =	ssyncset.s32 @!p0 $0xFFFFF086;
	s6 =	sadd.s32 @!p0 s3, s7;
	s7 =	simm.s32 @!p0 $0x108  }
0x21: {  	s3 =	sadd.s32 s3, s9;
	s6 =	sadd.s32 @!p0 $0x88, s6;
	s7 =	simm.s32 @p2 $0x1082  }
0x22: {  	[simem:s7], [sflag:s8] =	dma.local @!p0 [hbm:s6], $0xF7A  }
0x23: {  	s9 =	sor.u32 $0xD0000000, s2;
	s6 =	simm.s32 $0x108;
	_ =	swait.ge @!p0 [sflag:s8], $0x0  }
0x24: {  	s3 =	sadd.s32 $0x88, s3;
	s6 =	simm.s32 @!p1 $0x1082;
	[sflag:s4] =	ssyncset.s32 $0xFFFFF086  }
0x25: {  	[simem:s6], [sflag:s4] =	dma.local [hbm:s3], $0xF7A  }
0x26: {  	[smem:$0x3F99] =	sst s1;
	(tag) =	ssettag s2;
	_ =	strace s9  }
0x27: {  	s1 =	sld [smem:$0x3FA9]  }
0x28: {  	s2 =	sld [smem:$0x3FAA]  }
0x29: {  	s4 =	sld [smem:$0x3FAC]  }
0x2a: {  	p0 =	seq.s32 s5, $0x0;
	s5 =	sld [smem:$0x3FAD]  }
0x2b: {  	s6 =	sld [smem:$0x3FAE]  }
0x2c: {  	s7 =	sld [smem:$0x3FAF]  }
0x2d: {  	s3 =	simm.s32 $0x108;
	s8 =	sld [smem:$0x3FB0]  }
0x2e: {  	s3 =	simm.s32 @!p0 $0x1082;
	s9 =	sld [smem:$0x3FB1]  }
0x2f: {  	lr =	sadd.s32 s0, s3;
	s0 =	sld [smem:$0x3FA8]  }
0x30: {  	s3 =	sld [smem:$0x3FAB]  }
0x31: {  	[smem:$0x3FB4] =	sst s10  }
0x32: {  	s10 =	sld [smem:$0x3FB2];
	_ =	sdelay $0x3  }
0x33: {  	p0 =	seq.s32 s10, $0x1;
	s10 =	sld [smem:$0x3FB4];
	_ =	sdelay $0x3  }
0x34: {  	[smem:$0x3FB4] =	sst s10  }
0x35: {  	s10 =	sld [smem:$0x3FB3];
	_ =	sdelay $0x3  }
0x36: {  	p1 =	seq.s32 s10, $0x1;
	s10 =	sld [smem:$0x3FB4];
	_ =	sdelay $0x3  }
0x37: {  	[smem:$0x3FB4] =	sst s10  }
0x38: {  	s10 =	sld [smem:$0x3FB5]  }
0x39: {  	_ = 	snop;
	(pc) =	sbr.ind lr, $3  }
0x3a: {  	_ = 	snop  }
0x3b: {  	_ = 	snop  }
0x3c: {  	p2 =	seq.s32 s10, $0x1;
	s10 =	sld [smem:$0x3FB4]  }
0x3d: {  	_ =	shalt  }
0x3e: {  	_ =	shalt  }
0x3f: {  	_ =	shalt  }
0x40: {  	_ =	shalt  }
0x41: {  	_ =	shalt  }
0x42: {  	_ =	shalt  }
0x43: {  	_ =	shalt  }
0x44: {  	_ =	shalt  }
0x45: {  	_ =	shalt  }
0x46: {  	_ =	shalt  }
0x47: {  	_ =	shalt  }
0x48: {  	_ =	shalt  }
0x49: {  	_ =	shalt  }
0x4a: {  	_ =	shalt  }
0x4b: {  	_ =	shalt  }
0x4c: {  	_ =	shalt  }
0x4d: {  	_ =	shalt  }
0x4e: {  	_ =	shalt  }
0x4f: {  	_ =	shalt  }
0x50: {  	_ =	shalt  }
0x51: {  	_ =	shalt  }
0x52: {  	_ =	shalt  }
0x53: {  	_ =	shalt  }
0x54: {  	_ =	shalt  }
0x55: {  	_ =	shalt  }
0x56: {  	_ =	shalt  }
0x57: {  	_ =	shalt  }
0x58: {  	_ =	shalt  }
0x59: {  	_ =	shalt  }
0x5a: {  	_ =	shalt  }
0x5b: {  	_ =	shalt  }
0x5c: {  	_ =	shalt  }
0x5d: {  	_ =	shalt  }
0x5e: {  	_ =	shalt  }
0x5f: {  	_ =	shalt  }
0x60: {  	_ =	shalt  }
0x61: {  	_ =	shalt  }
0x62: {  	_ =	shalt  }
0x63: {  	_ =	shalt  }
0x64: {  	_ =	shalt  }
0x65: {  	_ =	shalt  }
0x66: {  	_ =	shalt  }
0x67: {  	_ =	shalt  }
0x68: {  	_ =	shalt  }
0x69: {  	_ =	shalt  }
0x6a: {  	_ =	shalt  }
0x6b: {  	_ =	shalt  }
0x6c: {  	_ =	shalt  }
0x6d: {  	_ =	shalt  }
0x6e: {  	_ =	shalt  }
0x6f: {  	_ =	shalt  }
0x70: {  	_ =	shalt  }
0x71: {  	_ =	shalt  }
0x72: {  	_ =	shalt  }
0x73: {  	_ =	shalt  }
0x74: {  	_ =	shalt  }
0x75: {  	_ =	shalt  }
0x76: {  	_ =	shalt  }
0x77: {  	_ =	shalt  }
0x78: {  	_ =	shalt  }
0x79: {  	_ =	shalt  }
0x7a: {  	_ =	shalt  }
0x7b: {  	_ =	shalt  }
0x7c: {  	_ =	shalt  }
0x7d: {  	_ =	shalt  }
0x7e: {  	_ =	shalt  }
0x7f: {  	_ =	shalt  }
0x80: {  	_ =	shalt  }
0x81: {  	_ =	shalt  }
0x82: {  	_ =	shalt  }
0x83: {  	_ =	shalt  }
0x84: {  	_ =	shalt  }
0x85: {  	_ =	shalt  }
0x86: {  	_ =	shalt  }
0x87: {  	_ =	shalt  }
.Lfunc_end0:
.L_simem_size_0:
called_computation_lowered:
.L_overlay_start_0:
0x88: {  	s2 =	sld [smem:$0x3FD9]  }
0x89: {  	s3 =	sld [smem:$0x3FFE];
	_ =	sdelay $0x1  }
0x8a: {  	s1 =	srdreg.scid  }
0x8b: {  	s0 =	sand.u32 $0x1, s1  }
0x8c: {  	s17 =	sshll.u32 s0, $0xA;
	s2 =	sadd.s32 s3, s2  }
0x8d: {  	s2 =	sadd.s32 s2, s17  }
0x8e: {  	[smem:$0x3FC0] =	sst s2  }
0x8f: {  	_ = 	snop  }
0x90: {  	s2 =	sld [smem:$0x3FD0];
	(tm) =	ssettm $0x1  }
0x91: {  	s18 =	sld [smem:$0x3FFB];
	_ =	sdelay $0x3  }
0x92: {  	_ =	strace s18  }
0x93: {  	s3 =	sld [smem:$0x3FFC];
	_ =	sdelay $0x3  }
0x94: {  	_ =	strace s3  }
0x95: {  	s3 =	sld [smem:$0x3FFD];
	_ =	sdelay $0x3  }
0x96: {  	_ =	strace s3  }
0x97: {  	_ =	strace $0x8FFFFFFF  }
0x98: {  	s19 =	sld [smem:$0x3FDB];
	_ =	sdelay $0x1  }
0x99: {  	s4 =	simm.s32 $_scs_section_size  }
0x9a: {  	s5 =	simm.s32 $_size__tile_overlayer_lowered;
	s6 =	simm.s32 $_tile_overlayer_lowered  }
0x9b: {  	s22 =	simm.s32 $0x1BFF;
	s21 =	sshll.u32 s6, $0x1;
	s3 =	sadd.s32 s4, s19  }
0x9c: {  	s7 =	simm.s32 $0x0;
	s20 =	sshll.u32 s5, $0x1;
	s5 =	sadd.s32 s21, s3  }
0x9d: {  	[timem:s7], [sflag:s22] =	dma.local [hbm:s5], s20  }
0x9e: {  	_ =	swait.ge [sflag:s22], s20  }
0x9f: {  	s4 =	ssub.s32 $0x0, s20;
	[sflag:s22] =	ssyncset.done $0x0  }
0xa0: {  	[sflag:s22] =	ssyncadd.s32 s4;
	_ =	sdelay $0x1  }
0xa1: {  	s23 =	simm.s32 $0x1B8B  }
0xa2: {  	_ =	swait.ge [sflag:s23], $0x1  }
0xa3: {  	[sflag:s23] =	ssyncset.done $0x0  }
0xa4: {  	s25 =	simm.s32 $0x1B8E;
	s24 =	sld [smem:$0x3FFE];
	[sflag:s23] =	ssyncadd.s32 $0xFFFFFFFF  }
0xa5: {  	s26 =	simm.s32 $execute0_lowered;
	[smem:$0x3FD2] =	sst s25  }
0xa6: {  	s5 =	sshll.u32 s26, $0x1;
	_ =	strace $0x80000046;
	[dreg:$0x1] =	wrdreg $0xFFFFFFFF  }
0xa7: {  	s28 =	simm.s32 $_size_execute0_lowered;
	s3 =	sadd.s32 s3, s5;
	[dreg:$0x0] =	wrdreg $0x0  }
0xa8: {  	s5 =	sshll.u32 s28, $0x1;
	[dreg:$0x2] =	wrdreg s3  }
0xa9: {  	[dreg:$0x3] =	wrdreg s5  }
0xaa: {  	[dreg:$0x4] =	wrdreg $0xC0  }
0xab: {  	_ =	task [dreg:s7], $0x5FFFF  }
0xac: {  	[dreg:$0x1] =	wrdreg $0xFFFFFFFF  }
0xad: {  	[dreg:$0x0] =	wrdreg $0x60  }
0xae: {  	[dreg:$0x2] =	wrdreg s24  }
0xaf: {  	[dreg:$0x3] =	wrdreg s2  }
0xb0: {  	[dreg:$0x4] =	wrdreg $0x28800  }
0xb1: {  	[dreg:$0x5] =	wrdreg $0x9  }
0xb2: {  	_ =	task.clear_ibuf [dreg:s7], $0x6FFFF;
	_ =	strace $0x90000046  }
0xb3: {  	s29 =	simm.s32 $0x9;
	_ =	strace $0x80000048  }
0xb4: {  	_ =	swait.ge [sflag:s29], $0x1  }
0xb5: {  	[sflag:s29] =	ssyncadd.s32 $0xFFFFFFFF  }
0xb6: {  	_ =	strace $0x90000048  }
0xb7: {  	_ =	sfence  }
0xb8: {  	s30 =	sld [smem:$0x0];
	_ =	sdelay $0x2  }
0xb9: {  	s31 =	sshll.u32 s1, $0xD;
	s1 =	sshrl.u32 s1, $0x2  }
0xba: {  	s3 =	sand.u32 $0x4000, s31;
	s1 =	sadd.s32 s1, s30  }
0xbb: {  	s0 =	sor.u32 s3, s0;
	s1 =	sshll.u32 s1, $0x11  }
0xbc: {  	s0 =	sor.u32 s1, s0  }
0xbd: {  	s0 =	sadd.s32 $0x8F2B, s0  }
0xbe: {  	[sflag:s0] =	ssyncadd.remote.s32 $0x1  }
0xbf: {  	_ =	sfence.sel $0xFFFF  }
0xc0: {  	[dreg:$0x0] =	wrdreg $0xFFFFFFFF;
	(pc) =	sbr.abs _section_cstart, $3  }
0xc1: {  	[dreg:$0x1] =	wrdreg $0xFFFFFFFF  }
0xc2: {  	_ =	task.clear_ibuf [dreg:s7], $0x2FFFF;
	_ =	strace $0x9FFFFFFF  }
0xc3: {  	(tm) =	ssettm $0x7FFFFFFF  }
tec
execute0_lowered:
.L_overlay_start_1:
0x0: {  	(tag) =	ssettag $0x1  }
0x1: {  	s4 =	rddreg [dreg:$0x0]  }
0x2: {  	s7 =	rddreg [dreg:$0x1];
	s0 =	srdreg.scid  }
0x3: {  	s2 =	rddreg [dreg:$0x2];
	s1 =	stileid.u32  }
0x4: {  	s3 =	simm.s32 $0x0;
	s12 =	simm.s32 $0x2800;
	s13 =	simm.s32 $0x0  }
0x5: {  	s5 =	sand.u32 $0x1, s0;
	s0 =	rddreg [dreg:$0x3];
	s8 =	smul.u32 $0x500, s1  }
0x6: {  	[smem:$0x7FF] =	sst s3;
	s9 =	smul.u32 $0x280, s1;
	s31 =	sshll.u32 s1, $0x6  }
0x7: {  	s6 =	smul.u32 $0x5000, s5;
	_ =	strace $0x80000047;
	s10 =	ssub.s32 $0x2, s5  }
0x8: {  	s5 =	smul.u32 $0x2800, s5;
	s28 =	sshrl.u32 s9, $0x3;
	s29 =	sshrl.u32 s10, $0x1  }
0x9: {  	s30 =	sadd.s32 s9, s2;
	s6 =	sadd.s32 s8, s6;
	s8 =	ssub.s32 s10, s29  }
0xa: {  	s5 =	sadd.s32 s9, s5;
	s9 =	sshrl.u32 s30, $0x3;
	s10 =	simm.s32 $0x1  }
0xb: {  	s6 =	sadd.s32 s6, s4;
	s4 =	sadd.s32 s28, s4;
	s11 =	sshrl.u32 s5, $0x3  }
0xc: {  	s5 =	sor.u32 $0x1C01, s31;
	s8 =	smax.u32 s8, $0x1;
	s4 =	sadd.s32 $0x19600, s4  }
0xd: {  	v0 =	vimm.f32 $1.000000000e+00;
	s6 =	sadd.s32 $0x5600, s6;
	s7 =	sadd.s32 s7, s11;
	s11 =	simm.s32 $0x80  }
.LBB2_1:
0xe: {  	[tilespmem:$0x2800] =	vst v0  }
0xf: {  	[tilespmem:$0x2810] =	vst v0  }
0x10: {  	[tilespmem:$0x2820] =	vst v0  }
0x11: {  	[tilespmem:$0x2830] =	vst v0  }
0x12: {  	[tilespmem:$0x2840] =	vst v0  }
0x13: {  	[tilespmem:$0x2850] =	vst v0  }
0x14: {  	[tilespmem:$0x2860] =	vst v0  }
0x15: {  	[tilespmem:$0x2870] =	vst v0  }
0x16: {  	[spmem:s9], [sflag:s5] =	dma.local [hbm:s4], $0x50  }
0x17: {  	_ =	swait.ge [sflag:s10], $0x50  }
0x18: {  	[sflag:s10] =	ssyncset.done $0x0  }
0x19: {  	[sflag:s10] =	ssyncadd.s32 $0xFFFFFFB0  }
0x1a: {  	[tilespmem:s3], [sflag:$0x1] =	stream.linear.gather [hbm4b:s6+s3], $0x2800, $0x38;
	[tilespmem:$0x2B00] =	vst v63  }
0x1b: {  	_ =	swait.ge [sflag:s10], $0x2800  }
0x1c: {  	[sflag:s10] =	ssyncset.done $0x0  }
0x1d: {  	[sflag:s10] =	ssyncadd.s32 $0xFFFFD800  }
0x1e: {  	s14 =	simm.s32 $0x0;
	[bflag:$0x0] =	sbarrier.arrive $0xFFFF  }
0x1f: {  	[spmem:s2] =	stream.indirect.scatter.add.f32 [tilespmem:s12], [sflag:$0x1], $0x1, s14, s11, $0xb8;
	[tilespmem:$0x2B00] =	vst v63  }
0x20: {  	_ =	swait.ge [sflag:s10], $0x80  }
0x21: {  	s14 =	simm.s32 $0x200;
	[sflag:s10] =	ssyncset.done $0x0  }
.LBB2_2:
0x22: {  	s15 =	sshra.s32 s14, $0x2;
	[sflag:s10] =	ssyncadd.s32 $0xFFFFFF80;
	p0 =	sne.s32 s14, $0x9E00  }
0x23: {  	[spmem:s2] =	stream.indirect.scatter.add.f32 [tilespmem:s12], [sflag:$0x1], $0x1, s15, s11, $0xb8;
	[tilespmem:$0x2B00] =	vst v63  }
.Ltmp0:
0x24: {  	_ = 	snop;
	(pc) =	sbr.rel @p0 .LBB2_2-.Ltmp0, $4  }
0x25: {  	_ = 	snop  }
0x26: {  	s14 =	sadd.s32 $0x200, s14  }
0x27: {  	_ =	swait.ge [sflag:s10], $0x80  }
0x28: {  	[sflag:s10] =	ssyncset.done $0x0  }
0x29: {  	s13 =	sadd.s32 $0x1, s13  }
0x2a: {  	[sflag:s10] =	ssyncadd.s32 $0xFFFFFF80;
	p0 =	sne.s32 s13, s8  }
.Ltmp1:
0x2b: {  	[bflag:$0x0] =	sbarrier.arrive $0xFFFF;
	(pc) =	sbr.rel @p0 .LBB2_1-.Ltmp1, $4  }
0x2c: {  	[hbm:s7], [sflag:s5] =	dma.local [spmem:s9], $0x50  }
0x2d: {  	_ =	swait.ge [sflag:s10], $0x50  }
0x2e: {  	[sflag:s10] =	ssyncset.done $0x0  }
0x2f: {  	[sflag:s10] =	ssyncadd.s32 $0xFFFFFFB0  }
0x30: {  	_ =	sfence.sel $0x180000  }
0x31: {  	[bflag:$0x0] =	sbarrier.arrive $0xFFFF  }
0x32: {  	p0 =	sne.s32 s1, $0x0;
	_ =	strace $0x90000047  }
0x33: {  	s0 =	sadd.s32 @!p0 $0x100000, s0;
	[bflag:$0x2] =	sbarrier.arrive $0xFFFF  }
0x34: {  	[sflag:s0] =	ssyncadd.tile.s32 @!p0 $0x1;
	_ =	shalt  }
.Lfunc_end2:
_tile_overlayer_lowered:
.L_overlay_start_2:
0x35: {  	(tag) =	ssettag $0x2  }
0x36: {  	s0 =	rddreg [dreg:$0x0];
	s2 =	stileid.u32  }
0x37: {  	s1 =	rddreg [dreg:$0x1];
	p0 =	sne.s32 s2, $0x0  }
0x38: {  	s3 =	rddreg [dreg:$0x2];
	[bflag:$0x3] =	sbarrier.arrive $0xFFFF;
	s2 =	simm.s32 @!p0 $0x1C01  }
0x39: {  	[timem:s3], [sflag:s2] =	dma.local @!p0 [hbm:s0], s1  }
0x3a: {  	s0 =	simm.s32 @!p0 $0x1  }
0x3b: {  	_ =	swait.ge @!p0 [sflag:s0], s1  }
0x3c: {  	s1 =	ssub.s32 @!p0 $0x0, s1;
	[sflag:s0] =	ssyncset.done @!p0 $0x0  }
0x3d: {  	[sflag:s0] =	ssyncadd.s32 @!p0 s1  }
0x3e: {  	[bflag:$0x3] =	sbarrier.arrive $0xFFFF  }
0x3f: {  	_ =	shalt  }

// kernel: kernel.13.cloned.1.call-start
scs
__scs_entry_jumppad:
0x0: {  	(pc) =	sbr.rel $0x88, $3  }
0x1: {  	(tag) =	ssettag $0x0;
	lr =	simm.s32 $0x1  }
0x2: {  	[smem:$0x3F99] =	sst lr;
	_ =	strace $0xD0000000  }
0x3: {  	_ = 	snop  }
0x4: {  	_ = 	snop  }
0x5: {  	_ = 	snop  }
0x6: {  	_ = 	snop  }
0x7: {  	_ = 	snop  }
__scs_overlays_trampoline_lowered:
0x8: {  	[smem:$0x3FA8] =	sst s0  }
0x9: {  	[smem:$0x3FA9] =	sst s1  }
0xa: {  	[smem:$0x3FAA] =	sst s2  }
0xb: {  	[smem:$0x3FAB] =	sst s3  }
0xc: {  	[smem:$0x3FAC] =	sst s4  }
0xd: {  	[smem:$0x3FAD] =	sst s5  }
0xe: {  	[smem:$0x3FAE] =	sst s6  }
0xf: {  	[smem:$0x3FAF] =	sst s7  }
0x10: {  	[smem:$0x3FB0] =	sst s8  }
0x11: {  	[smem:$0x3FB1] =	sst s9;
	s0 =	simm.s32 @!p0 $0x0  }
0x12: {  	s1 =	sld [smem:$0x3F97];
	s0 =	simm.s32 @p0 $0x1  }
0x13: {  	[smem:$0x3FB2] =	sst s0;
	s0 =	simm.s32 @!p1 $0x0  }
0x14: {  	s2 =	sld [smem:$0x3F96];
	s0 =	simm.s32 @p1 $0x1  }
0x15: {  	[smem:$0x3FB3] =	sst s0;
	s0 =	simm.s32 @!p2 $0x0  }
0x16: {  	s3 =	sld [smem:$0x3FDB];
	s0 =	simm.s32 @p2 $0x1  }
0x17: {  	s4 =	simm.s32 $0x1BF5;
	[smem:$0x3FB5] =	sst s0  }
0x18: {  	s0 =	sld [smem:$0x3F98];
	_ =	swait.ge [sflag:s4], $0x0  }
0x19: {  	s7 =	sld [smem:$0x3F99]  }
0x1a: {  	s8 =	sadd.s32 $0xFFFFE003, lr  }
0x1b: {  	s9 =	sadd.s32 $0xFFFFFEF7, lr;
	s5 =	simm.s32 $0xFFFFFFFF;
	p2 =	slt.u32 s8, $0xFFFFF086  }
0x1c: {  	p1 =	slt.u32 s9, $0xF7A;
	s5 =	simm.s32 @!p2 $0x0  }
0x1d: {  	s5 =	simm.s32 @p1 $0x1;
	p0 =	seq.s32 s7, s2  }
0x1e: {  	s7 =	smul.u32 @!p0 $0xF7A, s2;
	p2 =	seq.s32 @!p0 s5, $0x0  }
0x1f: {  	s9 =	smul.u32 $0xF7A, s1;
	s8 =	simm.s32 @!p0 $0x1BF5;
	p2 =	por !p2, p0  }
0x20: {  	[sflag:s8] =	ssyncset.s32 @!p0 $0xFFFFF086;
	s6 =	sadd.s32 @!p0 s3, s7;
	s7 =	simm.s32 @!p0 $0x108  }
0x21: {  	s3 =	sadd.s32 s3, s9;
	s6 =	sadd.s32 @!p0 $0x88, s6;
	s7 =	simm.s32 @p2 $0x1082  }
0x22: {  	[simem:s7], [sflag:s8] =	dma.local @!p0 [hbm:s6], $0xF7A  }
0x23: {  	s9 =	sor.u32 $0xD0000000, s2;
	s6 =	simm.s32 $0x108;
	_ =	swait.ge @!p0 [sflag:s8], $0x0  }
0x24: {  	s3 =	sadd.s32 $0x88, s3;
	s6 =	simm.s32 @!p1 $0x1082;
	[sflag:s4] =	ssyncset.s32 $0xFFFFF086  }
0x25: {  	[simem:s6], [sflag:s4] =	dma.local [hbm:s3], $0xF7A  }
0x26: {  	[smem:$0x3F99] =	sst s1;
	(tag) =	ssettag s2;
	_ =	strace s9  }
0x27: {  	s1 =	sld [smem:$0x3FA9]  }
0x28: {  	s2 =	sld [smem:$0x3FAA]  }
0x29: {  	s4 =	sld [smem:$0x3FAC]  }
0x2a: {  	p0 =	seq.s32 s5, $0x0;
	s5 =	sld [smem:$0x3FAD]  }
0x2b: {  	s6 =	sld [smem:$0x3FAE]  }
0x2c: {  	s7 =	sld [smem:$0x3FAF]  }
0x2d: {  	s3 =	simm.s32 $0x108;
	s8 =	sld [smem:$0x3FB0]  }
0x2e: {  	s3 =	simm.s32 @!p0 $0x1082;
	s9 =	sld [smem:$0x3FB1]  }
0x2f: {  	lr =	sadd.s32 s0, s3;
	s0 =	sld [smem:$0x3FA8]  }
0x30: {  	s3 =	sld [smem:$0x3FAB]  }
0x31: {  	[smem:$0x3FB4] =	sst s10  }
0x32: {  	s10 =	sld [smem:$0x3FB2];
	_ =	sdelay $0x3  }
0x33: {  	p0 =	seq.s32 s10, $0x1;
	s10 =	sld [smem:$0x3FB4];
	_ =	sdelay $0x3  }
0x34: {  	[smem:$0x3FB4] =	sst s10  }
0x35: {  	s10 =	sld [smem:$0x3FB3];
	_ =	sdelay $0x3  }
0x36: {  	p1 =	seq.s32 s10, $0x1;
	s10 =	sld [smem:$0x3FB4];
	_ =	sdelay $0x3  }
0x37: {  	[smem:$0x3FB4] =	sst s10  }
0x38: {  	s10 =	sld [smem:$0x3FB5]  }
0x39: {  	_ = 	snop;
	(pc) =	sbr.ind lr, $3  }
0x3a: {  	_ = 	snop  }
0x3b: {  	_ = 	snop  }
0x3c: {  	p2 =	seq.s32 s10, $0x1;
	s10 =	sld [smem:$0x3FB4]  }
0x3d: {  	_ =	shalt  }
0x3e: {  	_ =	shalt  }
0x3f: {  	_ =	shalt  }
0x40: {  	_ =	shalt  }
0x41: {  	_ =	shalt  }
0x42: {  	_ =	shalt  }
0x43: {  	_ =	shalt  }
0x44: {  	_ =	shalt  }
0x45: {  	_ =	shalt  }
0x46: {  	_ =	shalt  }
0x47: {  	_ =	shalt  }
0x48: {  	_ =	shalt  }
0x49: {  	_ =	shalt  }
0x4a: {  	_ =	shalt  }
0x4b: {  	_ =	shalt  }
0x4c: {  	_ =	shalt  }
0x4d: {  	_ =	shalt  }
0x4e: {  	_ =	shalt  }
0x4f: {  	_ =	shalt  }
0x50: {  	_ =	shalt  }
0x51: {  	_ =	shalt  }
0x52: {  	_ =	shalt  }
0x53: {  	_ =	shalt  }
0x54: {  	_ =	shalt  }
0x55: {  	_ =	shalt  }
0x56: {  	_ =	shalt  }
0x57: {  	_ =	shalt  }
0x58: {  	_ =	shalt  }
0x59: {  	_ =	shalt  }
0x5a: {  	_ =	shalt  }
0x5b: {  	_ =	shalt  }
0x5c: {  	_ =	shalt  }
0x5d: {  	_ =	shalt  }
0x5e: {  	_ =	shalt  }
0x5f: {  	_ =	shalt  }
0x60: {  	_ =	shalt  }
0x61: {  	_ =	shalt  }
0x62: {  	_ =	shalt  }
0x63: {  	_ =	shalt  }
0x64: {  	_ =	shalt  }
0x65: {  	_ =	shalt  }
0x66: {  	_ =	shalt  }
0x67: {  	_ =	shalt  }
0x68: {  	_ =	shalt  }
0x69: {  	_ =	shalt  }
0x6a: {  	_ =	shalt  }
0x6b: {  	_ =	shalt  }
0x6c: {  	_ =	shalt  }
0x6d: {  	_ =	shalt  }
0x6e: {  	_ =	shalt  }
0x6f: {  	_ =	shalt  }
0x70: {  	_ =	shalt  }
0x71: {  	_ =	shalt  }
0x72: {  	_ =	shalt  }
0x73: {  	_ =	shalt  }
0x74: {  	_ =	shalt  }
0x75: {  	_ =	shalt  }
0x76: {  	_ =	shalt  }
0x77: {  	_ =	shalt  }
0x78: {  	_ =	shalt  }
0x79: {  	_ =	shalt  }
0x7a: {  	_ =	shalt  }
0x7b: {  	_ =	shalt  }
0x7c: {  	_ =	shalt  }
0x7d: {  	_ =	shalt  }
0x7e: {  	_ =	shalt  }
0x7f: {  	_ =	shalt  }
0x80: {  	_ =	shalt  }
0x81: {  	_ =	shalt  }
0x82: {  	_ =	shalt  }
0x83: {  	_ =	shalt  }
0x84: {  	_ =	shalt  }
0x85: {  	_ =	shalt  }
0x86: {  	_ =	shalt  }
0x87: {  	_ =	shalt  }
.Lfunc_end0:
.L_simem_size_0:
called_computation.1_lowered:
.L_overlay_start_0:
0x88: {  	s2 =	sld [smem:$0x3FD9]  }
0x89: {  	s3 =	sld [smem:$0x3FFE];
	_ =	sdelay $0x1  }
0x8a: {  	s1 =	srdreg.scid  }
0x8b: {  	s0 =	sand.u32 $0x1, s1  }
0x8c: {  	s17 =	sshll.u32 s0, $0xA;
	s2 =	sadd.s32 s3, s2  }
0x8d: {  	s2 =	sadd.s32 s2, s17  }
0x8e: {  	[smem:$0x3FC0] =	sst s2  }
0x8f: {  	_ = 	snop  }
0x90: {  	s2 =	sld [smem:$0x3FD0];
	(tm) =	ssettm $0x1  }
0x91: {  	s18 =	sld [smem:$0x3FFB];
	_ =	sdelay $0x3  }
0x92: {  	_ =	strace s18  }
0x93: {  	s3 =	sld [smem:$0x3FFC];
	_ =	sdelay $0x3  }
0x94: {  	_ =	strace s3  }
0x95: {  	s3 =	sld [smem:$0x3FFD];
	_ =	sdelay $0x3  }
0x96: {  	_ =	strace s3  }
0x97: {  	_ =	strace $0x8FFFFFFF  }
0x98: {  	s19 =	sld [smem:$0x3FDB];
	_ =	sdelay $0x1  }
0x99: {  	s4 =	simm.s32 $_scs_section_size  }
0x9a: {  	s5 =	simm.s32 $_size__tile_overlayer_lowered;
	s6 =	simm.s32 $_tile_overlayer_lowered  }
0x9b: {  	s22 =	simm.s32 $0x1BFF;
	s21 =	sshll.u32 s6, $0x1;
	s3 =	sadd.s32 s4, s19  }
0x9c: {  	s7 =	simm.s32 $0x0;
	s20 =	sshll.u32 s5, $0x1;
	s5 =	sadd.s32 s21, s3  }
0x9d: {  	[timem:s7], [sflag:s22] =	dma.local [hbm:s5], s20  }
0x9e: {  	_ =	swait.ge [sflag:s22], s20  }
0x9f: {  	s4 =	ssub.s32 $0x0, s20;
	[sflag:s22] =	ssyncset.done $0x0  }
0xa0: {  	[sflag:s22] =	ssyncadd.s32 s4;
	_ =	sdelay $0x1  }
0xa1: {  	s23 =	simm.s32 $0x1B8B  }
0xa2: {  	_ =	swait.ge [sflag:s23], $0x1  }
0xa3: {  	[sflag:s23] =	ssyncset.done $0x0  }
0xa4: {  	s25 =	simm.s32 $0x1B8E;
	s24 =	sld [smem:$0x3FFE];
	[sflag:s23] =	ssyncadd.s32 $0xFFFFFFFF  }
0xa5: {  	s26 =	simm.s32 $execute0_lowered;
	[smem:$0x3FD2] =	sst s25  }
0xa6: {  	s5 =	sshll.u32 s26, $0x1;
	_ =	strace $0x80000049;
	[dreg:$0x1] =	wrdreg $0xFFFFFFFF  }
0xa7: {  	s28 =	simm.s32 $_size_execute0_lowered;
	s3 =	sadd.s32 s3, s5;
	[dreg:$0x0] =	wrdreg $0x0  }
0xa8: {  	s5 =	sshll.u32 s28, $0x1;
	[dreg:$0x2] =	wrdreg s3  }
0xa9: {  	[dreg:$0x3] =	wrdreg s5  }
0xaa: {  	[dreg:$0x4] =	wrdreg $0xC0  }
0xab: {  	_ =	task [dreg:s7], $0x5FFFF  }
0xac: {  	[dreg:$0x1] =	wrdreg $0xFFFFFFFF  }
0xad: {  	[dreg:$0x0] =	wrdreg $0x60  }
0xae: {  	[dreg:$0x2] =	wrdreg s2  }
0xaf: {  	[dreg:$0x3] =	wrdreg s24  }
0xb0: {  	[dreg:$0x4] =	wrdreg $0xA8000  }
0xb1: {  	[dreg:$0x5] =	wrdreg $0x9  }
0xb2: {  	_ =	task.clear_ibuf [dreg:s7], $0x6FFFF;
	_ =	strace $0x90000049  }
0xb3: {  	s29 =	simm.s32 $0x9;
	_ =	strace $0x8000004B  }
0xb4: {  	_ =	swait.ge [sflag:s29], $0x1  }
0xb5: {  	[sflag:s29] =	ssyncadd.s32 $0xFFFFFFFF  }
0xb6: {  	_ =	strace $0x9000004B  }
0xb7: {  	_ =	sfence  }
0xb8: {  	s30 =	sld [smem:$0x0];
	_ =	sdelay $0x2  }
0xb9: {  	s31 =	sshll.u32 s1, $0xD;
	s1 =	sshrl.u32 s1, $0x2  }
0xba: {  	s3 =	sand.u32 $0x4000, s31;
	s1 =	sadd.s32 s1, s30  }
0xbb: {  	s0 =	sor.u32 s3, s0;
	s1 =	sshll.u32 s1, $0x11  }
0xbc: {  	s0 =	sor.u32 s1, s0  }
0xbd: {  	s0 =	sadd.s32 $0x8F2B, s0  }
0xbe: {  	[sflag:s0] =	ssyncadd.remote.s32 $0x1  }
0xbf: {  	_ =	sfence.sel $0xFFFF  }
0xc0: {  	[dreg:$0x0] =	wrdreg $0xFFFFFFFF;
	(pc) =	sbr.abs _section_cstart, $3  }
0xc1: {  	[dreg:$0x1] =	wrdreg $0xFFFFFFFF  }
0xc2: {  	_ =	task.clear_ibuf [dreg:s7], $0x2FFFF;
	_ =	strace $0x9FFFFFFF  }
0xc3: {  	(tm) =	ssettm $0x7FFFFFFF  }
tec
execute0_lowered:
.L_overlay_start_1:
0x0: {  	(tag) =	ssettag $0x1  }
0x1: {  	s1 =	rddreg [dreg:$0x0]  }
0x2: {  	s10 =	rddreg [dreg:$0x1]  }
0x3: {  	s2 =	rddreg [dreg:$0x2]  }
0x4: {  	s4 =	simm.s32 $0x0;
	s3 =	stileid.u32;
	s9 =	srdreg.scid  }
0x5: {  	s17 =	simm.s32 $0x1400;
	s18 =	simm.s32 $0x80;
	s19 =	simm.s32 $0x2800  }
0x6: {  	s20 =	simm.s32 $0x1;
	s21 =	simm.s32 $0x6800;
	s22 =	simm.s32 $0x2  }
0x7: {  	s23 =	simm.s32 $0x1480;
	s24 =	simm.s32 $0x3;
	s25 =	simm.s32 $0x100  }
0x8: {  	s26 =	simm.s32 $0x4;
	s28 =	simm.s32 $0x0;
	[smem:$0x7FF] =	sst s4  }
0x9: {  	s5 =	sadd.s32 $0x19600, s10;
	s6 =	sadd.s32 $0xF600, s10;
	s7 =	smul.u32 $0x2800, s3  }
0xa: {  	s8 =	sadd.s32 $0x5600, s10;
	s15 =	sand.u32 $0x1, s9;
	s11 =	smul.u32 $0x50000, s3  }
0xb: {  	s9 =	sadd.s32 $0x8FA00, s10;
	s31 =	sshll.u32 s3, $0x6;
	_ =	strace $0x8000004A  }
.Ltmp0:
0xc: {  	s13 =	ssub.s32 $0x2, s15;
	p0 =	sne.s32 s15, $0x0;
	(pc) =	sbr.rel .LBB2_1-.Ltmp0, $4  }
0xd: {  	s12 =	sadd.s32 s7, s10;
	s14 =	sshrl.u32 s13, $0x1;
	s11 =	sshrl.u32 s11, $0x2  }
0xe: {  	s10 =	sadd.s32 $0xB7A00, s10;
	s14 =	ssub.s32 s13, s14;
	s16 =	sadd.s32 s11, s2  }
0xf: {  	s11 =	sadd.s32 $0x67A00, s12;
	s12 =	sor.u32 $0x1C05, s31;
	s13 =	smul.u32 $0xA0, s3  }
0x10: {  	s14 =	smax.u32 s14, $0x1;
	s15 =	sshrl.u32 s16, $0x3;
	s16 =	simm.s32 $0x5  }
.LBB2_11:
0x11: {  	s29 =	smov.u32 s10  }
.LBB2_12:
0x12: {  	s28 =	sadd.s32 $0x1, s28  }
0x13: {  	p1 =	sne.s32 s28, s14  }
.Ltmp1:
0x14: {  	s0 =	sadd.s32 s29, s7;
	[bflag:$0x0] =	sbarrier.arrive $0xFFFF;
	(pc) =	sbr.rel @!p1 .LBB2_13-.Ltmp1, $4  }
0x15: {  	[hbm:s0], [sflag:s12] =	dma.local [spmem:s15], $0x2800  }
0x16: {  	_ =	swait.ge [sflag:s16], $0x2800  }
0x17: {  	[sflag:s16] =	ssyncset.done $0x0  }
0x18: {  	[sflag:s16] =	ssyncadd.s32 $0xFFFFD800  }
.LBB2_1:
0x19: {  	[spmem:s15], [sflag:s12] =	dma.local [hbm:s11], $0x2800  }
.Ltmp2:
0x1a: {  	_ =	swait.ge [sflag:s16], $0x2800;
	(pc) =	sbr.rel @p0 .LBB2_7-.Ltmp2, $4  }
.Ltmp3:
0x1b: {  	[sflag:s16] =	ssyncset.done $0x0;
	(pc) =	sbr.rel @!p0 .LBB2_2-.Ltmp3, $4  }
0x1c: {  	[sflag:s16] =	ssyncadd.s32 $0xFFFFD800  }
0x1d: {  	[bflag:$0x0] =	sbarrier.arrive $0xFFFF  }
0x1e: {  	s29 =	simm.s32 $0x0;
	s30 =	simm.s32 $0x0  }
0x1f: {  	_ = 	snop  }
.LBB2_5:
0x20: {  	s29 =	sadd.s32 $0x1, s29  }
0x21: {  	p1 =	seq.s32 s29, $0x4  }
.Ltmp4:
0x22: {  	_ = 	snop;
	(pc) =	sbr.rel @p1 .LBB2_6-.Ltmp4, $4  }
0x23: {  	_ = 	snop  }
0x24: {  	_ =	swait.ge [sflag:s26], $0x4000  }
0x25: {  	[sflag:s26] =	ssyncset.done $0x0  }
0x26: {  	[sflag:s26] =	ssyncadd.s32 $0xFFFFC000  }
.LBB2_2:
0x27: {  	s30 =	smul.u32 $0x28, s29;
	_ =	sdelay $0x1  }
0x28: {  	s30 =	sadd.s32 s13, s30  }
0x29: {  	s30 =	sshll.u32 s30, $0x4  }
0x2a: {  	s31 =	sadd.s32 s6, s30  }
0x2b: {  	[tilespmem:s4], [sflag:$0x5] =	stream.linear.gather [hbm4b:s31+s4], $0x1400, $0x38;
	[tilespmem:$0x1E800] =	vst v63  }
0x2c: {  	_ =	swait.ge [sflag:s16], $0x1400  }
0x2d: {  	[sflag:s16] =	ssyncset.done $0x0  }
0x2e: {  	s30 =	sadd.s32 s8, s30;
	[sflag:s16] =	ssyncadd.s32 $0xFFFFEC00  }
0x2f: {  	[tilespmem:s17], [sflag:$0x5] =	stream.linear.gather [hbm4b:s30+s4], $0x1400, $0x38;
	[tilespmem:$0x1E800] =	vst v63  }
0x30: {  	_ =	swait.ge [sflag:s16], $0x1400  }
0x31: {  	[sflag:s16] =	ssyncset.done $0x0  }
0x32: {  	[sflag:s16] =	ssyncadd.s32 $0xFFFFEC00  }
0x33: {  	[tilespmem:s19], [sflag:$0x1] =	stream.indirect.gather [hbm4b:s1+s18], $0x80, s4, s18, $0xb8;
	[tilespmem:$0x1E800] =	vst v63  }
0x34: {  	_ =	swait.ge [sflag:s20], $0x4000  }
0x35: {  	[sflag:s20] =	ssyncset.done $0x0  }
0x36: {  	[sflag:s20] =	ssyncadd.s32 $0xFFFFC000  }
0x37: {  	[spmem:s2] =	stream.indirect.scatter.add.f32 [tilespmem:s19], [sflag:$0x3], $0x80, s17, s18, $0xb8;
	[tilespmem:$0x1E800] =	vst v63  }
0x38: {  	_ = 	snop  }
0x39: {  	[tilespmem:s21], [sflag:$0x2] =	stream.indirect.gather [hbm4b:s1+s18], $0x80, s18, s18, $0xb8;
	[tilespmem:$0x1E800] =	vst v63  }
0x3a: {  	_ =	swait.ge [sflag:s22], $0x4000  }
0x3b: {  	[sflag:s22] =	ssyncset.done $0x0  }
0x3c: {  	[sflag:s22] =	ssyncadd.s32 $0xFFFFC000  }
0x3d: {  	[spmem:s2] =	stream.indirect.scatter.add.f32 [tilespmem:s21], [sflag:$0x4], $0x80, s23, s18, $0xb8;
	[tilespmem:$0x1E800] =	vst v63  }
0x3e: {  	_ =	swait.ge [sflag:s24], $0x4000  }
0x3f: {  	[sflag:s24] =	ssyncset.done $0x0  }
0x40: {  	s30 =	simm.s32 $0xFFFFB800;
	[sflag:s24] =	ssyncadd.s32 $0xFFFFC000  }
0x41: {  	[tilespmem:s19], [sflag:$0x1] =	stream.indirect.gather [hbm4b:s1+s18], $0x80, s25, s18, $0xb8;
	[tilespmem:$0x1E800] =	vst v63  }
.LBB2_3:
0x42: {  	_ =	swait.ge [sflag:s20], $0x4000  }
0x43: {  	s31 =	sshra.s32 s30, $0x2;
	[sflag:s20] =	ssyncset.done $0x0  }
0x44: {  	s0 =	sadd.s32 $0x2700, s31;
	[sflag:s20] =	ssyncadd.s32 $0xFFFFC000  }
0x45: {  	[spmem:s2] =	stream.indirect.scatter.add.f32 [tilespmem:s19], [sflag:$0x3], $0x80, s0, s18, $0xb8;
	[tilespmem:$0x1E800] =	vst v63  }
0x46: {  	_ =	swait.ge [sflag:s26], $0x4000  }
0x47: {  	[sflag:s26] =	ssyncset.done $0x0  }
0x48: {  	s0 =	sadd.s32 $0x1380, s31;
	[sflag:s26] =	ssyncadd.s32 $0xFFFFC000  }
0x49: {  	[tilespmem:s21], [sflag:$0x2] =	stream.indirect.gather [hbm4b:s1+s18], $0x80, s0, s18, $0xb8;
	[tilespmem:$0x1E800] =	vst v63  }
0x4a: {  	_ =	swait.ge [sflag:s22], $0x4000  }
0x4b: {  	p1 =	seq.s32 s30, $0x0;
	[sflag:s22] =	ssyncset.done $0x0  }
.Ltmp5:
0x4c: {  	s0 =	sadd.s32 $0x2780, s31;
	[sflag:s22] =	ssyncadd.s32 $0xFFFFC000;
	(pc) =	sbr.rel @p1 .LBB2_5-.Ltmp5, $4  }
0x4d: {  	[spmem:s2] =	stream.indirect.scatter.add.f32 [tilespmem:s21], [sflag:$0x4], $0x80, s0, s18, $0xb8;
	[tilespmem:$0x1E800] =	vst v63  }
0x4e: {  	_ =	swait.ge [sflag:s24], $0x4000  }
0x4f: {  	[sflag:s24] =	ssyncset.done $0x0  }
0x50: {  	[sflag:s24] =	ssyncadd.s32 $0xFFFFC000  }
.Ltmp6:
0x51: {  	(pc) =	sbr.rel .LBB2_3-.Ltmp6, $3  }
0x52: {  	_ =	sdelay $0x1  }
0x53: {  	s0 =	sadd.s32 $0x1400, s31;
	s30 =	sadd.s32 $0x400, s30  }
0x54: {  	[tilespmem:s19], [sflag:$0x1] =	stream.indirect.gather [hbm4b:s1+s18], $0x80, s0, s18, $0xb8;
	[tilespmem:$0x1E800] =	vst v63  }
.LBB2_10:
0x55: {  	s30 =	sadd.s32 $0x1, s30  }
0x56: {  	p1 =	sne.s32 s30, $0x4  }
.Ltmp7:
0x57: {  	_ = 	snop;
	(pc) =	sbr.rel @!p1 .LBB2_11-.Ltmp7, $4  }
0x58: {  	_ = 	snop  }
0x59: {  	_ =	swait.ge [sflag:s26], $0x4000  }
0x5a: {  	[sflag:s26] =	ssyncset.done $0x0  }
0x5b: {  	[sflag:s26] =	ssyncadd.s32 $0xFFFFC000  }
.LBB2_7:
0x5c: {  	s0 =	smul.u32 $0x28, s30;
	_ =	sdelay $0x1  }
0x5d: {  	s0 =	sadd.s32 s13, s0  }
0x5e: {  	s0 =	sshll.u32 s0, $0x4  }
0x5f: {  	s29 =	sadd.s32 s6, s0  }
0x60: {  	[tilespmem:s4], [sflag:$0x5] =	stream.linear.gather [hbm4b:s29+s4], $0x1400, $0x38;
	[tilespmem:$0x1E800] =	vst v63  }
0x61: {  	_ =	swait.ge [sflag:s16], $0x1400  }
0x62: {  	[sflag:s16] =	ssyncset.done $0x0  }
0x63: {  	s0 =	sadd.s32 s8, s0;
	[sflag:s16] =	ssyncadd.s32 $0xFFFFEC00  }
0x64: {  	[tilespmem:s17], [sflag:$0x5] =	stream.linear.gather [hbm4b:s0+s4], $0x1400, $0x38;
	[tilespmem:$0x1E800] =	vst v63  }
0x65: {  	_ =	swait.ge [sflag:s16], $0x1400  }
0x66: {  	[sflag:s16] =	ssyncset.done $0x0  }
0x67: {  	[sflag:s16] =	ssyncadd.s32 $0xFFFFEC00  }
0x68: {  	[tilespmem:s19], [sflag:$0x1] =	stream.indirect.gather [hbm4b:s5+s18], $0x80, s4, s18, $0xb8;
	[tilespmem:$0x1E800] =	vst v63  }
0x69: {  	_ =	swait.ge [sflag:s20], $0x4000  }
0x6a: {  	[sflag:s20] =	ssyncset.done $0x0  }
0x6b: {  	[sflag:s20] =	ssyncadd.s32 $0xFFFFC000  }
0x6c: {  	[spmem:s2] =	stream.indirect.scatter.add.f32 [tilespmem:s19], [sflag:$0x3], $0x80, s17, s18, $0xb8;
	[tilespmem:$0x1E800] =	vst v63  }
0x6d: {  	_ = 	snop  }
0x6e: {  	[tilespmem:s21], [sflag:$0x2] =	stream.indirect.gather [hbm4b:s5+s18], $0x80, s18, s18, $0xb8;
	[tilespmem:$0x1E800] =	vst v63  }
0x6f: {  	_ =	swait.ge [sflag:s22], $0x4000  }
0x70: {  	[sflag:s22] =	ssyncset.done $0x0  }
0x71: {  	[sflag:s22] =	ssyncadd.s32 $0xFFFFC000  }
0x72: {  	[spmem:s2] =	stream.indirect.scatter.add.f32 [tilespmem:s21], [sflag:$0x4], $0x80, s23, s18, $0xb8;
	[tilespmem:$0x1E800] =	vst v63  }
0x73: {  	_ =	swait.ge [sflag:s24], $0x4000  }
0x74: {  	[sflag:s24] =	ssyncset.done $0x0  }
0x75: {  	s29 =	simm.s32 $0xFFFFB800;
	[sflag:s24] =	ssyncadd.s32 $0xFFFFC000  }
0x76: {  	[tilespmem:s19], [sflag:$0x1] =	stream.indirect.gather [hbm4b:s5+s18], $0x80, s25, s18, $0xb8;
	[tilespmem:$0x1E800] =	vst v63  }
.LBB2_8:
0x77: {  	_ =	swait.ge [sflag:s20], $0x4000  }
0x78: {  	s31 =	sshra.s32 s29, $0x2;
	[sflag:s20] =	ssyncset.done $0x0  }
0x79: {  	s0 =	sadd.s32 $0x2700, s31;
	[sflag:s20] =	ssyncadd.s32 $0xFFFFC000  }
0x7a: {  	[spmem:s2] =	stream.indirect.scatter.add.f32 [tilespmem:s19], [sflag:$0x3], $0x80, s0, s18, $0xb8;
	[tilespmem:$0x1E800] =	vst v63  }
0x7b: {  	_ =	swait.ge [sflag:s26], $0x4000  }
0x7c: {  	[sflag:s26] =	ssyncset.done $0x0  }
0x7d: {  	s0 =	sadd.s32 $0x1380, s31;
	[sflag:s26] =	ssyncadd.s32 $0xFFFFC000  }
0x7e: {  	[tilespmem:s21], [sflag:$0x2] =	stream.indirect.gather [hbm4b:s5+s18], $0x80, s0, s18, $0xb8;
	[tilespmem:$0x1E800] =	vst v63  }
0x7f: {  	_ =	swait.ge [sflag:s22], $0x4000  }
0x80: {  	p1 =	seq.s32 s29, $0x0;
	[sflag:s22] =	ssyncset.done $0x0  }
.Ltmp8:
0x81: {  	s0 =	sadd.s32 $0x2780, s31;
	[sflag:s22] =	ssyncadd.s32 $0xFFFFC000;
	(pc) =	sbr.rel @p1 .LBB2_10-.Ltmp8, $4  }
0x82: {  	[spmem:s2] =	stream.indirect.scatter.add.f32 [tilespmem:s21], [sflag:$0x4], $0x80, s0, s18, $0xb8;
	[tilespmem:$0x1E800] =	vst v63  }
0x83: {  	_ =	swait.ge [sflag:s24], $0x4000  }
0x84: {  	[sflag:s24] =	ssyncset.done $0x0  }
0x85: {  	[sflag:s24] =	ssyncadd.s32 $0xFFFFC000  }
.Ltmp9:
0x86: {  	(pc) =	sbr.rel .LBB2_8-.Ltmp9, $3  }
0x87: {  	_ =	sdelay $0x1  }
0x88: {  	s0 =	sadd.s32 $0x1400, s31;
	s29 =	sadd.s32 $0x400, s29  }
0x89: {  	[tilespmem:s19], [sflag:$0x1] =	stream.indirect.gather [hbm4b:s5+s18], $0x80, s0, s18, $0xb8;
	[tilespmem:$0x1E800] =	vst v63  }
.LBB2_6:
.Ltmp10:
0x8a: {  	(pc) =	sbr.rel .LBB2_12-.Ltmp10, $2  }
0x8b: {  	_ =	sdelay $0x2  }
0x8c: {  	s29 =	smov.u32 s9  }
.LBB2_13:
0x8d: {  	_ =	sfence.sel $0x180000  }
0x8e: {  	[bflag:$0x0] =	sbarrier.arrive $0xFFFF  }
0x8f: {  	_ =	strace $0x9000004A  }
0x90: {  	[bflag:$0x2] =	sbarrier.arrive $0xFFFF  }
0x91: {  	p0 =	sne.s32 s3, $0x0;
	s0 =	rddreg [dreg:$0x3]  }
0x92: {  	s0 =	sadd.s32 @!p0 $0x100000, s0  }
0x93: {  	[sflag:s0] =	ssyncadd.tile.s32 @!p0 $0x1;
	_ =	shalt  }
.Lfunc_end2:
_tile_overlayer_lowered:
.L_overlay_start_2:
0x94: {  	(tag) =	ssettag $0x2  }
0x95: {  	s0 =	rddreg [dreg:$0x0];
	s2 =	stileid.u32  }
0x96: {  	s1 =	rddreg [dreg:$0x1];
	p0 =	sne.s32 s2, $0x0  }
0x97: {  	s3 =	rddreg [dreg:$0x2];
	[bflag:$0x3] =	sbarrier.arrive $0xFFFF;
	s2 =	simm.s32 @!p0 $0x1C05  }
0x98: {  	[timem:s3], [sflag:s2] =	dma.local @!p0 [hbm:s0], s1  }
0x99: {  	s0 =	simm.s32 @!p0 $0x5  }
0x9a: {  	_ =	swait.ge @!p0 [sflag:s0], s1  }
0x9b: {  	s1 =	ssub.s32 @!p0 $0x0, s1;
	[sflag:s0] =	ssyncset.done @!p0 $0x0  }
0x9c: {  	[sflag:s0] =	ssyncadd.s32 @!p0 s1  }
0x9d: {  	[bflag:$0x3] =	sbarrier.arrive $0xFFFF  }
0x9e: {  	_ =	shalt  }

// kernel: kernel.16.cloned.1.call-start
scs
__scs_entry_jumppad:
0x0: {  	(pc) =	sbr.rel $0x88, $3  }
0x1: {  	(tag) =	ssettag $0x0;
	lr =	simm.s32 $0x1  }
0x2: {  	[smem:$0x3F99] =	sst lr;
	_ =	strace $0xD0000000  }
0x3: {  	_ = 	snop  }
0x4: {  	_ = 	snop  }
0x5: {  	_ = 	snop  }
0x6: {  	_ = 	snop  }
0x7: {  	_ = 	snop  }
__scs_overlays_trampoline_lowered:
0x8: {  	[smem:$0x3FA8] =	sst s0  }
0x9: {  	[smem:$0x3FA9] =	sst s1  }
0xa: {  	[smem:$0x3FAA] =	sst s2  }
0xb: {  	[smem:$0x3FAB] =	sst s3  }
0xc: {  	[smem:$0x3FAC] =	sst s4  }
0xd: {  	[smem:$0x3FAD] =	sst s5  }
0xe: {  	[smem:$0x3FAE] =	sst s6  }
0xf: {  	[smem:$0x3FAF] =	sst s7  }
0x10: {  	[smem:$0x3FB0] =	sst s8  }
0x11: {  	[smem:$0x3FB1] =	sst s9;
	s0 =	simm.s32 @!p0 $0x0  }
0x12: {  	s1 =	sld [smem:$0x3F97];
	s0 =	simm.s32 @p0 $0x1  }
0x13: {  	[smem:$0x3FB2] =	sst s0;
	s0 =	simm.s32 @!p1 $0x0  }
0x14: {  	s2 =	sld [smem:$0x3F96];
	s0 =	simm.s32 @p1 $0x1  }
0x15: {  	[smem:$0x3FB3] =	sst s0;
	s0 =	simm.s32 @!p2 $0x0  }
0x16: {  	s3 =	sld [smem:$0x3FDB];
	s0 =	simm.s32 @p2 $0x1  }
0x17: {  	s4 =	simm.s32 $0x1BF5;
	[smem:$0x3FB5] =	sst s0  }
0x18: {  	s0 =	sld [smem:$0x3F98];
	_ =	swait.ge [sflag:s4], $0x0  }
0x19: {  	s7 =	sld [smem:$0x3F99]  }
0x1a: {  	s8 =	sadd.s32 $0xFFFFE003, lr  }
0x1b: {  	s9 =	sadd.s32 $0xFFFFFEF7, lr;
	s5 =	simm.s32 $0xFFFFFFFF;
	p2 =	slt.u32 s8, $0xFFFFF086  }
0x1c: {  	p1 =	slt.u32 s9, $0xF7A;
	s5 =	simm.s32 @!p2 $0x0  }
0x1d: {  	s5 =	simm.s32 @p1 $0x1;
	p0 =	seq.s32 s7, s2  }
0x1e: {  	s7 =	smul.u32 @!p0 $0xF7A, s2;
	p2 =	seq.s32 @!p0 s5, $0x0  }
0x1f: {  	s9 =	smul.u32 $0xF7A, s1;
	s8 =	simm.s32 @!p0 $0x1BF5;
	p2 =	por !p2, p0  }
0x20: {  	[sflag:s8] =	ssyncset.s32 @!p0 $0xFFFFF086;
	s6 =	sadd.s32 @!p0 s3, s7;
	s7 =	simm.s32 @!p0 $0x108  }
0x21: {  	s3 =	sadd.s32 s3, s9;
	s6 =	sadd.s32 @!p0 $0x88, s6;
	s7 =	simm.s32 @p2 $0x1082  }
0x22: {  	[simem:s7], [sflag:s8] =	dma.local @!p0 [hbm:s6], $0xF7A  }
0x23: {  	s9 =	sor.u32 $0xD0000000, s2;
	s6 =	simm.s32 $0x108;
	_ =	swait.ge @!p0 [sflag:s8], $0x0  }
0x24: {  	s3 =	sadd.s32 $0x88, s3;
	s6 =	simm.s32 @!p1 $0x1082;
	[sflag:s4] =	ssyncset.s32 $0xFFFFF086  }
0x25: {  	[simem:s6], [sflag:s4] =	dma.local [hbm:s3], $0xF7A  }
0x26: {  	[smem:$0x3F99] =	sst s1;
	(tag) =	ssettag s2;
	_ =	strace s9  }
0x27: {  	s1 =	sld [smem:$0x3FA9]  }
0x28: {  	s2 =	sld [smem:$0x3FAA]  }
0x29: {  	s4 =	sld [smem:$0x3FAC]  }
0x2a: {  	p0 =	seq.s32 s5, $0x0;
	s5 =	sld [smem:$0x3FAD]  }
0x2b: {  	s6 =	sld [smem:$0x3FAE]  }
0x2c: {  	s7 =	sld [smem:$0x3FAF]  }
0x2d: {  	s3 =	simm.s32 $0x108;
	s8 =	sld [smem:$0x3FB0]  }
0x2e: {  	s3 =	simm.s32 @!p0 $0x1082;
	s9 =	sld [smem:$0x3FB1]  }
0x2f: {  	lr =	sadd.s32 s0, s3;
	s0 =	sld [smem:$0x3FA8]  }
0x30: {  	s3 =	sld [smem:$0x3FAB]  }
0x31: {  	[smem:$0x3FB4] =	sst s10  }
0x32: {  	s10 =	sld [smem:$0x3FB2];
	_ =	sdelay $0x3  }
0x33: {  	p0 =	seq.s32 s10, $0x1;
	s10 =	sld [smem:$0x3FB4];
	_ =	sdelay $0x3  }
0x34: {  	[smem:$0x3FB4] =	sst s10  }
0x35: {  	s10 =	sld [smem:$0x3FB3];
	_ =	sdelay $0x3  }
0x36: {  	p1 =	seq.s32 s10, $0x1;
	s10 =	sld [smem:$0x3FB4];
	_ =	sdelay $0x3  }
0x37: {  	[smem:$0x3FB4] =	sst s10  }
0x38: {  	s10 =	sld [smem:$0x3FB5]  }
0x39: {  	_ = 	snop;
	(pc) =	sbr.ind lr, $3  }
0x3a: {  	_ = 	snop  }
0x3b: {  	_ = 	snop  }
0x3c: {  	p2 =	seq.s32 s10, $0x1;
	s10 =	sld [smem:$0x3FB4]  }
0x3d: {  	_ =	shalt  }
0x3e: {  	_ =	shalt  }
0x3f: {  	_ =	shalt  }
0x40: {  	_ =	shalt  }
0x41: {  	_ =	shalt  }
0x42: {  	_ =	shalt  }
0x43: {  	_ =	shalt  }
0x44: {  	_ =	shalt  }
0x45: {  	_ =	shalt  }
0x46: {  	_ =	shalt  }
0x47: {  	_ =	shalt  }
0x48: {  	_ =	shalt  }
0x49: {  	_ =	shalt  }
0x4a: {  	_ =	shalt  }
0x4b: {  	_ =	shalt  }
0x4c: {  	_ =	shalt  }
0x4d: {  	_ =	shalt  }
0x4e: {  	_ =	shalt  }
0x4f: {  	_ =	shalt  }
0x50: {  	_ =	shalt  }
0x51: {  	_ =	shalt  }
0x52: {  	_ =	shalt  }
0x53: {  	_ =	shalt  }
0x54: {  	_ =	shalt  }
0x55: {  	_ =	shalt  }
0x56: {  	_ =	shalt  }
0x57: {  	_ =	shalt  }
0x58: {  	_ =	shalt  }
0x59: {  	_ =	shalt  }
0x5a: {  	_ =	shalt  }
0x5b: {  	_ =	shalt  }
0x5c: {  	_ =	shalt  }
0x5d: {  	_ =	shalt  }
0x5e: {  	_ =	shalt  }
0x5f: {  	_ =	shalt  }
0x60: {  	_ =	shalt  }
0x61: {  	_ =	shalt  }
0x62: {  	_ =	shalt  }
0x63: {  	_ =	shalt  }
0x64: {  	_ =	shalt  }
0x65: {  	_ =	shalt  }
0x66: {  	_ =	shalt  }
0x67: {  	_ =	shalt  }
0x68: {  	_ =	shalt  }
0x69: {  	_ =	shalt  }
0x6a: {  	_ =	shalt  }
0x6b: {  	_ =	shalt  }
0x6c: {  	_ =	shalt  }
0x6d: {  	_ =	shalt  }
0x6e: {  	_ =	shalt  }
0x6f: {  	_ =	shalt  }
0x70: {  	_ =	shalt  }
0x71: {  	_ =	shalt  }
0x72: {  	_ =	shalt  }
0x73: {  	_ =	shalt  }
0x74: {  	_ =	shalt  }
0x75: {  	_ =	shalt  }
0x76: {  	_ =	shalt  }
0x77: {  	_ =	shalt  }
0x78: {  	_ =	shalt  }
0x79: {  	_ =	shalt  }
0x7a: {  	_ =	shalt  }
0x7b: {  	_ =	shalt  }
0x7c: {  	_ =	shalt  }
0x7d: {  	_ =	shalt  }
0x7e: {  	_ =	shalt  }
0x7f: {  	_ =	shalt  }
0x80: {  	_ =	shalt  }
0x81: {  	_ =	shalt  }
0x82: {  	_ =	shalt  }
0x83: {  	_ =	shalt  }
0x84: {  	_ =	shalt  }
0x85: {  	_ =	shalt  }
0x86: {  	_ =	shalt  }
0x87: {  	_ =	shalt  }
.Lfunc_end0:
.L_simem_size_0:
called_computation.2_lowered:
.L_overlay_start_0:
0x88: {  	s2 =	sld [smem:$0x3FD9]  }
0x89: {  	s3 =	sld [smem:$0x3FFE];
	_ =	sdelay $0x1  }
0x8a: {  	s1 =	srdreg.scid  }
0x8b: {  	s0 =	sand.u32 $0x1, s1  }
0x8c: {  	s17 =	sshll.u32 s0, $0xA;
	s2 =	sadd.s32 s3, s2  }
0x8d: {  	s2 =	sadd.s32 s2, s17  }
0x8e: {  	[smem:$0x3FC0] =	sst s2  }
0x8f: {  	_ = 	snop  }
0x90: {  	s2 =	sld [smem:$0x3FD0];
	(tm) =	ssettm $0x1  }
0x91: {  	s18 =	sld [smem:$0x3FFB];
	_ =	sdelay $0x3  }
0x92: {  	_ =	strace s18  }
0x93: {  	s3 =	sld [smem:$0x3FFC];
	_ =	sdelay $0x3  }
0x94: {  	_ =	strace s3  }
0x95: {  	s3 =	sld [smem:$0x3FFD];
	_ =	sdelay $0x3  }
0x96: {  	_ =	strace s3  }
0x97: {  	_ =	strace $0x8FFFFFFF  }
0x98: {  	s19 =	sld [smem:$0x3FDB];
	_ =	sdelay $0x1  }
0x99: {  	s4 =	simm.s32 $_scs_section_size  }
0x9a: {  	s5 =	simm.s32 $_size__tile_overlayer_lowered;
	s6 =	simm.s32 $_tile_overlayer_lowered  }
0x9b: {  	s22 =	simm.s32 $0x1BFF;
	s21 =	sshll.u32 s6, $0x1;
	s3 =	sadd.s32 s4, s19  }
0x9c: {  	s7 =	simm.s32 $0x0;
	s20 =	sshll.u32 s5, $0x1;
	s5 =	sadd.s32 s21, s3  }
0x9d: {  	[timem:s7], [sflag:s22] =	dma.local [hbm:s5], s20  }
0x9e: {  	_ =	swait.ge [sflag:s22], s20  }
0x9f: {  	s4 =	ssub.s32 $0x0, s20;
	[sflag:s22] =	ssyncset.done $0x0  }
0xa0: {  	[sflag:s22] =	ssyncadd.s32 s4;
	_ =	sdelay $0x1  }
0xa1: {  	s23 =	simm.s32 $0x1B8B  }
0xa2: {  	_ =	swait.ge [sflag:s23], $0x1  }
0xa3: {  	[sflag:s23] =	ssyncset.done $0x0  }
0xa4: {  	s25 =	simm.s32 $0x1B8E;
	s24 =	sld [smem:$0x3FFE];
	[sflag:s23] =	ssyncadd.s32 $0xFFFFFFFF  }
0xa5: {  	s26 =	simm.s32 $execute0_lowered;
	[smem:$0x3FD2] =	sst s25  }
0xa6: {  	s5 =	sshll.u32 s26, $0x1;
	_ =	strace $0x8000004C;
	[dreg:$0x1] =	wrdreg $0xFFFFFFFF  }
0xa7: {  	s28 =	simm.s32 $_size_execute0_lowered;
	s3 =	sadd.s32 s3, s5;
	[dreg:$0x0] =	wrdreg $0x0  }
0xa8: {  	s5 =	sshll.u32 s28, $0x1;
	[dreg:$0x2] =	wrdreg s3  }
0xa9: {  	[dreg:$0x3] =	wrdreg s5  }
0xaa: {  	[dreg:$0x4] =	wrdreg $0xC0  }
0xab: {  	_ =	task [dreg:s7], $0x5FFFF  }
0xac: {  	[dreg:$0x1] =	wrdreg $0xFFFFFFFF  }
0xad: {  	[dreg:$0x0] =	wrdreg $0x60  }
0xae: {  	[dreg:$0x2] =	wrdreg s2  }
0xaf: {  	[dreg:$0x3] =	wrdreg s24  }
0xb0: {  	[dreg:$0x4] =	wrdreg $0xA8000  }
0xb1: {  	[dreg:$0x5] =	wrdreg $0x9  }
0xb2: {  	_ =	task.clear_ibuf [dreg:s7], $0x6FFFF;
	_ =	strace $0x9000004C  }
0xb3: {  	s29 =	simm.s32 $0x9;
	_ =	strace $0x8000004E  }
0xb4: {  	_ =	swait.ge [sflag:s29], $0x1  }
0xb5: {  	[sflag:s29] =	ssyncadd.s32 $0xFFFFFFFF  }
0xb6: {  	_ =	strace $0x9000004E  }
0xb7: {  	_ =	sfence  }
0xb8: {  	s30 =	sld [smem:$0x0];
	_ =	sdelay $0x2  }
0xb9: {  	s31 =	sshll.u32 s1, $0xD;
	s1 =	sshrl.u32 s1, $0x2  }
0xba: {  	s3 =	sand.u32 $0x4000, s31;
	s1 =	sadd.s32 s1, s30  }
0xbb: {  	s0 =	sor.u32 s3, s0;
	s1 =	sshll.u32 s1, $0x11  }
0xbc: {  	s0 =	sor.u32 s1, s0  }
0xbd: {  	s0 =	sadd.s32 $0x8F2B, s0  }
0xbe: {  	[sflag:s0] =	ssyncadd.remote.s32 $0x1  }
0xbf: {  	_ =	sfence.sel $0xFFFF  }
0xc0: {  	[dreg:$0x0] =	wrdreg $0xFFFFFFFF;
	(pc) =	sbr.abs _section_cstart, $3  }
0xc1: {  	[dreg:$0x1] =	wrdreg $0xFFFFFFFF  }
0xc2: {  	_ =	task.clear_ibuf [dreg:s7], $0x2FFFF;
	_ =	strace $0x9FFFFFFF  }
0xc3: {  	(tm) =	ssettm $0x7FFFFFFF  }
tec
execute0_lowered:
.L_overlay_start_1:
0x0: {  	(tag) =	ssettag $0x1  }
0x1: {  	s1 =	rddreg [dreg:$0x0]  }
0x2: {  	s10 =	rddreg [dreg:$0x1]  }
0x3: {  	s2 =	rddreg [dreg:$0x2]  }
0x4: {  	s4 =	simm.s32 $0x0;
	s3 =	stileid.u32;
	s9 =	srdreg.scid  }
0x5: {  	s17 =	simm.s32 $0x1400;
	s18 =	simm.s32 $0x80;
	s19 =	simm.s32 $0x2800  }
0x6: {  	s20 =	simm.s32 $0x1;
	s21 =	simm.s32 $0x6800;
	s22 =	simm.s32 $0x2  }
0x7: {  	s23 =	simm.s32 $0x1480;
	s24 =	simm.s32 $0x3;
	s25 =	simm.s32 $0x100  }
0x8: {  	s26 =	simm.s32 $0x4;
	s28 =	simm.s32 $0x0;
	[smem:$0x7FF] =	sst s4  }
0x9: {  	s5 =	sadd.s32 $0x19600, s10;
	s6 =	sadd.s32 $0xF600, s10;
	s7 =	smul.u32 $0x2800, s3  }
0xa: {  	s8 =	sadd.s32 $0x5600, s10;
	s15 =	sand.u32 $0x1, s9;
	s11 =	smul.u32 $0x50000, s3  }
0xb: {  	s9 =	sadd.s32 $0x8FA00, s10;
	s31 =	sshll.u32 s3, $0x6;
	_ =	strace $0x8000004D  }
.Ltmp0:
0xc: {  	s13 =	ssub.s32 $0x2, s15;
	p0 =	sne.s32 s15, $0x0;
	(pc) =	sbr.rel .LBB2_1-.Ltmp0, $4  }
0xd: {  	s12 =	sadd.s32 s7, s10;
	s14 =	sshrl.u32 s13, $0x1;
	s11 =	sshrl.u32 s11, $0x2  }
0xe: {  	s10 =	sadd.s32 $0xB7A00, s10;
	s14 =	ssub.s32 s13, s14;
	s16 =	sadd.s32 s11, s2  }
0xf: {  	s11 =	sadd.s32 $0x67A00, s12;
	s12 =	sor.u32 $0x1C05, s31;
	s13 =	smul.u32 $0xA0, s3  }
0x10: {  	s14 =	smax.u32 s14, $0x1;
	s15 =	sshrl.u32 s16, $0x3;
	s16 =	simm.s32 $0x5  }
.LBB2_11:
0x11: {  	s29 =	smov.u32 s10  }
.LBB2_12:
0x12: {  	s28 =	sadd.s32 $0x1, s28  }
0x13: {  	p1 =	sne.s32 s28, s14  }
.Ltmp1:
0x14: {  	s0 =	sadd.s32 s29, s7;
	[bflag:$0x0] =	sbarrier.arrive $0xFFFF;
	(pc) =	sbr.rel @!p1 .LBB2_13-.Ltmp1, $4  }
0x15: {  	[hbm:s0], [sflag:s12] =	dma.local [spmem:s15], $0x2800  }
0x16: {  	_ =	swait.ge [sflag:s16], $0x2800  }
0x17: {  	[sflag:s16] =	ssyncset.done $0x0  }
0x18: {  	[sflag:s16] =	ssyncadd.s32 $0xFFFFD800  }
.LBB2_1:
0x19: {  	[spmem:s15], [sflag:s12] =	dma.local [hbm:s11], $0x2800  }
.Ltmp2:
0x1a: {  	_ =	swait.ge [sflag:s16], $0x2800;
	(pc) =	sbr.rel @p0 .LBB2_7-.Ltmp2, $4  }
.Ltmp3:
0x1b: {  	[sflag:s16] =	ssyncset.done $0x0;
	(pc) =	sbr.rel @!p0 .LBB2_2-.Ltmp3, $4  }
0x1c: {  	[sflag:s16] =	ssyncadd.s32 $0xFFFFD800  }
0x1d: {  	[bflag:$0x0] =	sbarrier.arrive $0xFFFF  }
0x1e: {  	s29 =	simm.s32 $0x0;
	s30 =	simm.s32 $0x0  }
0x1f: {  	_ = 	snop  }
.LBB2_5:
0x20: {  	s29 =	sadd.s32 $0x1, s29  }
0x21: {  	p1 =	seq.s32 s29, $0x4  }
.Ltmp4:
0x22: {  	_ = 	snop;
	(pc) =	sbr.rel @p1 .LBB2_6-.Ltmp4, $4  }
0x23: {  	_ = 	snop  }
0x24: {  	_ =	swait.ge [sflag:s26], $0x4000  }
0x25: {  	[sflag:s26] =	ssyncset.done $0x0  }
0x26: {  	[sflag:s26] =	ssyncadd.s32 $0xFFFFC000  }
.LBB2_2:
0x27: {  	s30 =	smul.u32 $0x28, s29;
	_ =	sdelay $0x1  }
0x28: {  	s30 =	sadd.s32 s13, s30  }
0x29: {  	s30 =	sshll.u32 s30, $0x4  }
0x2a: {  	s31 =	sadd.s32 s6, s30  }
0x2b: {  	[tilespmem:s4], [sflag:$0x5] =	stream.linear.gather [hbm4b:s31+s4], $0x1400, $0x38;
	[tilespmem:$0x1E800] =	vst v63  }
0x2c: {  	_ =	swait.ge [sflag:s16], $0x1400  }
0x2d: {  	[sflag:s16] =	ssyncset.done $0x0  }
0x2e: {  	s30 =	sadd.s32 s8, s30;
	[sflag:s16] =	ssyncadd.s32 $0xFFFFEC00  }
0x2f: {  	[tilespmem:s17], [sflag:$0x5] =	stream.linear.gather [hbm4b:s30+s4], $0x1400, $0x38;
	[tilespmem:$0x1E800] =	vst v63  }
0x30: {  	_ =	swait.ge [sflag:s16], $0x1400  }
0x31: {  	[sflag:s16] =	ssyncset.done $0x0  }
0x32: {  	[sflag:s16] =	ssyncadd.s32 $0xFFFFEC00  }
0x33: {  	[tilespmem:s19], [sflag:$0x1] =	stream.indirect.gather [hbm4b:s1+s18], $0x80, s4, s18, $0xb8;
	[tilespmem:$0x1E800] =	vst v63  }
0x34: {  	_ =	swait.ge [sflag:s20], $0x4000  }
0x35: {  	[sflag:s20] =	ssyncset.done $0x0  }
0x36: {  	[sflag:s20] =	ssyncadd.s32 $0xFFFFC000  }
0x37: {  	[spmem:s2] =	stream.indirect.scatter.add.f32 [tilespmem:s19], [sflag:$0x3], $0x80, s17, s18, $0xb8;
	[tilespmem:$0x1E800] =	vst v63  }
0x38: {  	_ = 	snop  }
0x39: {  	[tilespmem:s21], [sflag:$0x2] =	stream.indirect.gather [hbm4b:s1+s18], $0x80, s18, s18, $0xb8;
	[tilespmem:$0x1E800] =	vst v63  }
0x3a: {  	_ =	swait.ge [sflag:s22], $0x4000  }
0x3b: {  	[sflag:s22] =	ssyncset.done $0x0  }
0x3c: {  	[sflag:s22] =	ssyncadd.s32 $0xFFFFC000  }
0x3d: {  	[spmem:s2] =	stream.indirect.scatter.add.f32 [tilespmem:s21], [sflag:$0x4], $0x80, s23, s18, $0xb8;
	[tilespmem:$0x1E800] =	vst v63  }
0x3e: {  	_ =	swait.ge [sflag:s24], $0x4000  }
0x3f: {  	[sflag:s24] =	ssyncset.done $0x0  }
0x40: {  	s30 =	simm.s32 $0xFFFFB800;
	[sflag:s24] =	ssyncadd.s32 $0xFFFFC000  }
0x41: {  	[tilespmem:s19], [sflag:$0x1] =	stream.indirect.gather [hbm4b:s1+s18], $0x80, s25, s18, $0xb8;
	[tilespmem:$0x1E800] =	vst v63  }
.LBB2_3:
0x42: {  	_ =	swait.ge [sflag:s20], $0x4000  }
0x43: {  	s31 =	sshra.s32 s30, $0x2;
	[sflag:s20] =	ssyncset.done $0x0  }
0x44: {  	s0 =	sadd.s32 $0x2700, s31;
	[sflag:s20] =	ssyncadd.s32 $0xFFFFC000  }
0x45: {  	[spmem:s2] =	stream.indirect.scatter.add.f32 [tilespmem:s19], [sflag:$0x3], $0x80, s0, s18, $0xb8;
	[tilespmem:$0x1E800] =	vst v63  }
0x46: {  	_ =	swait.ge [sflag:s26], $0x4000  }
0x47: {  	[sflag:s26] =	ssyncset.done $0x0  }
0x48: {  	s0 =	sadd.s32 $0x1380, s31;
	[sflag:s26] =	ssyncadd.s32 $0xFFFFC000  }
0x49: {  	[tilespmem:s21], [sflag:$0x2] =	stream.indirect.gather [hbm4b:s1+s18], $0x80, s0, s18, $0xb8;
	[tilespmem:$0x1E800] =	vst v63  }
0x4a: {  	_ =	swait.ge [sflag:s22], $0x4000  }
0x4b: {  	p1 =	seq.s32 s30, $0x0;
	[sflag:s22] =	ssyncset.done $0x0  }
.Ltmp5:
0x4c: {  	s0 =	sadd.s32 $0x2780, s31;
	[sflag:s22] =	ssyncadd.s32 $0xFFFFC000;
	(pc) =	sbr.rel @p1 .LBB2_5-.Ltmp5, $4  }
0x4d: {  	[spmem:s2] =	stream.indirect.scatter.add.f32 [tilespmem:s21], [sflag:$0x4], $0x80, s0, s18, $0xb8;
	[tilespmem:$0x1E800] =	vst v63  }
0x4e: {  	_ =	swait.ge [sflag:s24], $0x4000  }
0x4f: {  	[sflag:s24] =	ssyncset.done $0x0  }
0x50: {  	[sflag:s24] =	ssyncadd.s32 $0xFFFFC000  }
.Ltmp6:
0x51: {  	(pc) =	sbr.rel .LBB2_3-.Ltmp6, $3  }
0x52: {  	_ =	sdelay $0x1  }
0x53: {  	s0 =	sadd.s32 $0x1400, s31;
	s30 =	sadd.s32 $0x400, s30  }
0x54: {  	[tilespmem:s19], [sflag:$0x1] =	stream.indirect.gather [hbm4b:s1+s18], $0x80, s0, s18, $0xb8;
	[tilespmem:$0x1E800] =	vst v63  }
.LBB2_10:
0x55: {  	s30 =	sadd.s32 $0x1, s30  }
0x56: {  	p1 =	sne.s32 s30, $0x4  }
.Ltmp7:
0x57: {  	_ = 	snop;
	(pc) =	sbr.rel @!p1 .LBB2_11-.Ltmp7, $4  }
0x58: {  	_ = 	snop  }
0x59: {  	_ =	swait.ge [sflag:s26], $0x4000  }
0x5a: {  	[sflag:s26] =	ssyncset.done $0x0  }
0x5b: {  	[sflag:s26] =	ssyncadd.s32 $0xFFFFC000  }
.LBB2_7:
0x5c: {  	s0 =	smul.u32 $0x28, s30;
	_ =	sdelay $0x1  }
0x5d: {  	s0 =	sadd.s32 s13, s0  }
0x5e: {  	s0 =	sshll.u32 s0, $0x4  }
0x5f: {  	s29 =	sadd.s32 s6, s0  }
0x60: {  	[tilespmem:s4], [sflag:$0x5] =	stream.linear.gather [hbm4b:s29+s4], $0x1400, $0x38;
	[tilespmem:$0x1E800] =	vst v63  }
0x61: {  	_ =	swait.ge [sflag:s16], $0x1400  }
0x62: {  	[sflag:s16] =	ssyncset.done $0x0  }
0x63: {  	s0 =	sadd.s32 s8, s0;
	[sflag:s16] =	ssyncadd.s32 $0xFFFFEC00  }
0x64: {  	[tilespmem:s17], [sflag:$0x5] =	stream.linear.gather [hbm4b:s0+s4], $0x1400, $0x38;
	[tilespmem:$0x1E800] =	vst v63  }
0x65: {  	_ =	swait.ge [sflag:s16], $0x1400  }
0x66: {  	[sflag:s16] =	ssyncset.done $0x0  }
0x67: {  	[sflag:s16] =	ssyncadd.s32 $0xFFFFEC00  }
0x68: {  	[tilespmem:s19], [sflag:$0x1] =	stream.indirect.gather [hbm4b:s5+s18], $0x80, s4, s18, $0xb8;
	[tilespmem:$0x1E800] =	vst v63  }
0x69: {  	_ =	swait.ge [sflag:s20], $0x4000  }
0x6a: {  	[sflag:s20] =	ssyncset.done $0x0  }
0x6b: {  	[sflag:s20] =	ssyncadd.s32 $0xFFFFC000  }
0x6c: {  	[spmem:s2] =	stream.indirect.scatter.add.f32 [tilespmem:s19], [sflag:$0x3], $0x80, s17, s18, $0xb8;
	[tilespmem:$0x1E800] =	vst v63  }
0x6d: {  	_ = 	snop  }
0x6e: {  	[tilespmem:s21], [sflag:$0x2] =	stream.indirect.gather [hbm4b:s5+s18], $0x80, s18, s18, $0xb8;
	[tilespmem:$0x1E800] =	vst v63  }
0x6f: {  	_ =	swait.ge [sflag:s22], $0x4000  }
0x70: {  	[sflag:s22] =	ssyncset.done $0x0  }
0x71: {  	[sflag:s22] =	ssyncadd.s32 $0xFFFFC000  }
0x72: {  	[spmem:s2] =	stream.indirect.scatter.add.f32 [tilespmem:s21], [sflag:$0x4], $0x80, s23, s18, $0xb8;
	[tilespmem:$0x1E800] =	vst v63  }
0x73: {  	_ =	swait.ge [sflag:s24], $0x4000  }
0x74: {  	[sflag:s24] =	ssyncset.done $0x0  }
0x75: {  	s29 =	simm.s32 $0xFFFFB800;
	[sflag:s24] =	ssyncadd.s32 $0xFFFFC000  }
0x76: {  	[tilespmem:s19], [sflag:$0x1] =	stream.indirect.gather [hbm4b:s5+s18], $0x80, s25, s18, $0xb8;
	[tilespmem:$0x1E800] =	vst v63  }
.LBB2_8:
0x77: {  	_ =	swait.ge [sflag:s20], $0x4000  }
0x78: {  	s31 =	sshra.s32 s29, $0x2;
	[sflag:s20] =	ssyncset.done $0x0  }
0x79: {  	s0 =	sadd.s32 $0x2700, s31;
	[sflag:s20] =	ssyncadd.s32 $0xFFFFC000  }
0x7a: {  	[spmem:s2] =	stream.indirect.scatter.add.f32 [tilespmem:s19], [sflag:$0x3], $0x80, s0, s18, $0xb8;
	[tilespmem:$0x1E800] =	vst v63  }
0x7b: {  	_ =	swait.ge [sflag:s26], $0x4000  }
0x7c: {  	[sflag:s26] =	ssyncset.done $0x0  }
0x7d: {  	s0 =	sadd.s32 $0x1380, s31;
	[sflag:s26] =	ssyncadd.s32 $0xFFFFC000  }
0x7e: {  	[tilespmem:s21], [sflag:$0x2] =	stream.indirect.gather [hbm4b:s5+s18], $0x80, s0, s18, $0xb8;
	[tilespmem:$0x1E800] =	vst v63  }
0x7f: {  	_ =	swait.ge [sflag:s22], $0x4000  }
0x80: {  	p1 =	seq.s32 s29, $0x0;
	[sflag:s22] =	ssyncset.done $0x0  }
.Ltmp8:
0x81: {  	s0 =	sadd.s32 $0x2780, s31;
	[sflag:s22] =	ssyncadd.s32 $0xFFFFC000;
	(pc) =	sbr.rel @p1 .LBB2_10-.Ltmp8, $4  }
0x82: {  	[spmem:s2] =	stream.indirect.scatter.add.f32 [tilespmem:s21], [sflag:$0x4], $0x80, s0, s18, $0xb8;
	[tilespmem:$0x1E800] =	vst v63  }
0x83: {  	_ =	swait.ge [sflag:s24], $0x4000  }
0x84: {  	[sflag:s24] =	ssyncset.done $0x0  }
0x85: {  	[sflag:s24] =	ssyncadd.s32 $0xFFFFC000  }
.Ltmp9:
0x86: {  	(pc) =	sbr.rel .LBB2_8-.Ltmp9, $3  }
0x87: {  	_ =	sdelay $0x1  }
0x88: {  	s0 =	sadd.s32 $0x1400, s31;
	s29 =	sadd.s32 $0x400, s29  }
0x89: {  	[tilespmem:s19], [sflag:$0x1] =	stream.indirect.gather [hbm4b:s5+s18], $0x80, s0, s18, $0xb8;
	[tilespmem:$0x1E800] =	vst v63  }
.LBB2_6:
.Ltmp10:
0x8a: {  	(pc) =	sbr.rel .LBB2_12-.Ltmp10, $2  }
0x8b: {  	_ =	sdelay $0x2  }
0x8c: {  	s29 =	smov.u32 s9  }
.LBB2_13:
0x8d: {  	_ =	sfence.sel $0x180000  }
0x8e: {  	[bflag:$0x0] =	sbarrier.arrive $0xFFFF  }
0x8f: {  	_ =	strace $0x9000004D  }
0x90: {  	[bflag:$0x2] =	sbarrier.arrive $0xFFFF  }
0x91: {  	p0 =	sne.s32 s3, $0x0;
	s0 =	rddreg [dreg:$0x3]  }
0x92: {  	s0 =	sadd.s32 @!p0 $0x100000, s0  }
0x93: {  	[sflag:s0] =	ssyncadd.tile.s32 @!p0 $0x1;
	_ =	shalt  }
.Lfunc_end2:
_tile_overlayer_lowered:
.L_overlay_start_2:
0x94: {  	(tag) =	ssettag $0x2  }
0x95: {  	s0 =	rddreg [dreg:$0x0];
	s2 =	stileid.u32  }
0x96: {  	s1 =	rddreg [dreg:$0x1];
	p0 =	sne.s32 s2, $0x0  }
0x97: {  	s3 =	rddreg [dreg:$0x2];
	[bflag:$0x3] =	sbarrier.arrive $0xFFFF;
	s2 =	simm.s32 @!p0 $0x1C05  }
0x98: {  	[timem:s3], [sflag:s2] =	dma.local @!p0 [hbm:s0], s1  }
0x99: {  	s0 =	simm.s32 @!p0 $0x5  }
0x9a: {  	_ =	swait.ge @!p0 [sflag:s0], s1  }
0x9b: {  	s1 =	ssub.s32 @!p0 $0x0, s1;
	[sflag:s0] =	ssyncset.done @!p0 $0x0  }
0x9c: {  	[sflag:s0] =	ssyncadd.s32 @!p0 s1  }
0x9d: {  	[bflag:$0x3] =	sbarrier.arrive $0xFFFF  }
0x9e: {  	_ =	shalt  }

// kernel: kernel.19.cloned.1.call-start
scs
__scs_entry_jumppad:
0x0: {  	(pc) =	sbr.rel $0x88, $3  }
0x1: {  	(tag) =	ssettag $0x0;
	lr =	simm.s32 $0x1  }
0x2: {  	[smem:$0x3F99] =	sst lr;
	_ =	strace $0xD0000000  }
0x3: {  	_ = 	snop  }
0x4: {  	_ = 	snop  }
0x5: {  	_ = 	snop  }
0x6: {  	_ = 	snop  }
0x7: {  	_ = 	snop  }
__scs_overlays_trampoline_lowered:
0x8: {  	[smem:$0x3FA8] =	sst s0  }
0x9: {  	[smem:$0x3FA9] =	sst s1  }
0xa: {  	[smem:$0x3FAA] =	sst s2  }
0xb: {  	[smem:$0x3FAB] =	sst s3  }
0xc: {  	[smem:$0x3FAC] =	sst s4  }
0xd: {  	[smem:$0x3FAD] =	sst s5  }
0xe: {  	[smem:$0x3FAE] =	sst s6  }
0xf: {  	[smem:$0x3FAF] =	sst s7  }
0x10: {  	[smem:$0x3FB0] =	sst s8  }
0x11: {  	[smem:$0x3FB1] =	sst s9;
	s0 =	simm.s32 @!p0 $0x0  }
0x12: {  	s1 =	sld [smem:$0x3F97];
	s0 =	simm.s32 @p0 $0x1  }
0x13: {  	[smem:$0x3FB2] =	sst s0;
	s0 =	simm.s32 @!p1 $0x0  }
0x14: {  	s2 =	sld [smem:$0x3F96];
	s0 =	simm.s32 @p1 $0x1  }
0x15: {  	[smem:$0x3FB3] =	sst s0;
	s0 =	simm.s32 @!p2 $0x0  }
0x16: {  	s3 =	sld [smem:$0x3FDB];
	s0 =	simm.s32 @p2 $0x1  }
0x17: {  	s4 =	simm.s32 $0x1BF5;
	[smem:$0x3FB5] =	sst s0  }
0x18: {  	s0 =	sld [smem:$0x3F98];
	_ =	swait.ge [sflag:s4], $0x0  }
0x19: {  	s7 =	sld [smem:$0x3F99]  }
0x1a: {  	s8 =	sadd.s32 $0xFFFFE003, lr  }
0x1b: {  	s9 =	sadd.s32 $0xFFFFFEF7, lr;
	s5 =	simm.s32 $0xFFFFFFFF;
	p2 =	slt.u32 s8, $0xFFFFF086  }
0x1c: {  	p1 =	slt.u32 s9, $0xF7A;
	s5 =	simm.s32 @!p2 $0x0  }
0x1d: {  	s5 =	simm.s32 @p1 $0x1;
	p0 =	seq.s32 s7, s2  }
0x1e: {  	s7 =	smul.u32 @!p0 $0xF7A, s2;
	p2 =	seq.s32 @!p0 s5, $0x0  }
0x1f: {  	s9 =	smul.u32 $0xF7A, s1;
	s8 =	simm.s32 @!p0 $0x1BF5;
	p2 =	por !p2, p0  }
0x20: {  	[sflag:s8] =	ssyncset.s32 @!p0 $0xFFFFF086;
	s6 =	sadd.s32 @!p0 s3, s7;
	s7 =	simm.s32 @!p0 $0x108  }
0x21: {  	s3 =	sadd.s32 s3, s9;
	s6 =	sadd.s32 @!p0 $0x88, s6;
	s7 =	simm.s32 @p2 $0x1082  }
0x22: {  	[simem:s7], [sflag:s8] =	dma.local @!p0 [hbm:s6], $0xF7A  }
0x23: {  	s9 =	sor.u32 $0xD0000000, s2;
	s6 =	simm.s32 $0x108;
	_ =	swait.ge @!p0 [sflag:s8], $0x0  }
0x24: {  	s3 =	sadd.s32 $0x88, s3;
	s6 =	simm.s32 @!p1 $0x1082;
	[sflag:s4] =	ssyncset.s32 $0xFFFFF086  }
0x25: {  	[simem:s6], [sflag:s4] =	dma.local [hbm:s3], $0xF7A  }
0x26: {  	[smem:$0x3F99] =	sst s1;
	(tag) =	ssettag s2;
	_ =	strace s9  }
0x27: {  	s1 =	sld [smem:$0x3FA9]  }
0x28: {  	s2 =	sld [smem:$0x3FAA]  }
0x29: {  	s4 =	sld [smem:$0x3FAC]  }
0x2a: {  	p0 =	seq.s32 s5, $0x0;
	s5 =	sld [smem:$0x3FAD]  }
0x2b: {  	s6 =	sld [smem:$0x3FAE]  }
0x2c: {  	s7 =	sld [smem:$0x3FAF]  }
0x2d: {  	s3 =	simm.s32 $0x108;
	s8 =	sld [smem:$0x3FB0]  }
0x2e: {  	s3 =	simm.s32 @!p0 $0x1082;
	s9 =	sld [smem:$0x3FB1]  }
0x2f: {  	lr =	sadd.s32 s0, s3;
	s0 =	sld [smem:$0x3FA8]  }
0x30: {  	s3 =	sld [smem:$0x3FAB]  }
0x31: {  	[smem:$0x3FB4] =	sst s10  }
0x32: {  	s10 =	sld [smem:$0x3FB2];
	_ =	sdelay $0x3  }
0x33: {  	p0 =	seq.s32 s10, $0x1;
	s10 =	sld [smem:$0x3FB4];
	_ =	sdelay $0x3  }
0x34: {  	[smem:$0x3FB4] =	sst s10  }
0x35: {  	s10 =	sld [smem:$0x3FB3];
	_ =	sdelay $0x3  }
0x36: {  	p1 =	seq.s32 s10, $0x1;
	s10 =	sld [smem:$0x3FB4];
	_ =	sdelay $0x3  }
0x37: {  	[smem:$0x3FB4] =	sst s10  }
0x38: {  	s10 =	sld [smem:$0x3FB5]  }
0x39: {  	_ = 	snop;
	(pc) =	sbr.ind lr, $3  }
0x3a: {  	_ = 	snop  }
0x3b: {  	_ = 	snop  }
0x3c: {  	p2 =	seq.s32 s10, $0x1;
	s10 =	sld [smem:$0x3FB4]  }
0x3d: {  	_ =	shalt  }
0x3e: {  	_ =	shalt  }
0x3f: {  	_ =	shalt  }
0x40: {  	_ =	shalt  }
0x41: {  	_ =	shalt  }
0x42: {  	_ =	shalt  }
0x43: {  	_ =	shalt  }
0x44: {  	_ =	shalt  }
0x45: {  	_ =	shalt  }
0x46: {  	_ =	shalt  }
0x47: {  	_ =	shalt  }
0x48: {  	_ =	shalt  }
0x49: {  	_ =	shalt  }
0x4a: {  	_ =	shalt  }
0x4b: {  	_ =	shalt  }
0x4c: {  	_ =	shalt  }
0x4d: {  	_ =	shalt  }
0x4e: {  	_ =	shalt  }
0x4f: {  	_ =	shalt  }
0x50: {  	_ =	shalt  }
0x51: {  	_ =	shalt  }
0x52: {  	_ =	shalt  }
0x53: {  	_ =	shalt  }
0x54: {  	_ =	shalt  }
0x55: {  	_ =	shalt  }
0x56: {  	_ =	shalt  }
0x57: {  	_ =	shalt  }
0x58: {  	_ =	shalt  }
0x59: {  	_ =	shalt  }
0x5a: {  	_ =	shalt  }
0x5b: {  	_ =	shalt  }
0x5c: {  	_ =	shalt  }
0x5d: {  	_ =	shalt  }
0x5e: {  	_ =	shalt  }
0x5f: {  	_ =	shalt  }
0x60: {  	_ =	shalt  }
0x61: {  	_ =	shalt  }
0x62: {  	_ =	shalt  }
0x63: {  	_ =	shalt  }
0x64: {  	_ =	shalt  }
0x65: {  	_ =	shalt  }
0x66: {  	_ =	shalt  }
0x67: {  	_ =	shalt  }
0x68: {  	_ =	shalt  }
0x69: {  	_ =	shalt  }
0x6a: {  	_ =	shalt  }
0x6b: {  	_ =	shalt  }
0x6c: {  	_ =	shalt  }
0x6d: {  	_ =	shalt  }
0x6e: {  	_ =	shalt  }
0x6f: {  	_ =	shalt  }
0x70: {  	_ =	shalt  }
0x71: {  	_ =	shalt  }
0x72: {  	_ =	shalt  }
0x73: {  	_ =	shalt  }
0x74: {  	_ =	shalt  }
0x75: {  	_ =	shalt  }
0x76: {  	_ =	shalt  }
0x77: {  	_ =	shalt  }
0x78: {  	_ =	shalt  }
0x79: {  	_ =	shalt  }
0x7a: {  	_ =	shalt  }
0x7b: {  	_ =	shalt  }
0x7c: {  	_ =	shalt  }
0x7d: {  	_ =	shalt  }
0x7e: {  	_ =	shalt  }
0x7f: {  	_ =	shalt  }
0x80: {  	_ =	shalt  }
0x81: {  	_ =	shalt  }
0x82: {  	_ =	shalt  }
0x83: {  	_ =	shalt  }
0x84: {  	_ =	shalt  }
0x85: {  	_ =	shalt  }
0x86: {  	_ =	shalt  }
0x87: {  	_ =	shalt  }
.Lfunc_end0:
.L_simem_size_0:
called_computation.3_lowered:
.L_overlay_start_0:
0x88: {  	s2 =	sld [smem:$0x3FD9]  }
0x89: {  	s3 =	sld [smem:$0x3FFE];
	_ =	sdelay $0x1  }
0x8a: {  	s1 =	srdreg.scid  }
0x8b: {  	s0 =	sand.u32 $0x1, s1  }
0x8c: {  	s17 =	sshll.u32 s0, $0xA;
	s2 =	sadd.s32 s3, s2  }
0x8d: {  	s2 =	sadd.s32 s2, s17  }
0x8e: {  	[smem:$0x3FC0] =	sst s2  }
0x8f: {  	_ = 	snop  }
0x90: {  	s2 =	sld [smem:$0x3FD0];
	(tm) =	ssettm $0x1  }
0x91: {  	s18 =	sld [smem:$0x3FFB];
	_ =	sdelay $0x3  }
0x92: {  	_ =	strace s18  }
0x93: {  	s3 =	sld [smem:$0x3FFC];
	_ =	sdelay $0x3  }
0x94: {  	_ =	strace s3  }
0x95: {  	s3 =	sld [smem:$0x3FFD];
	_ =	sdelay $0x3  }
0x96: {  	_ =	strace s3  }
0x97: {  	_ =	strace $0x8FFFFFFF  }
0x98: {  	s19 =	sld [smem:$0x3FDB];
	_ =	sdelay $0x1  }
0x99: {  	s4 =	simm.s32 $_scs_section_size  }
0x9a: {  	s5 =	simm.s32 $_size__tile_overlayer_lowered;
	s6 =	simm.s32 $_tile_overlayer_lowered  }
0x9b: {  	s22 =	simm.s32 $0x1BFF;
	s21 =	sshll.u32 s6, $0x1;
	s3 =	sadd.s32 s4, s19  }
0x9c: {  	s7 =	simm.s32 $0x0;
	s20 =	sshll.u32 s5, $0x1;
	s5 =	sadd.s32 s21, s3  }
0x9d: {  	[timem:s7], [sflag:s22] =	dma.local [hbm:s5], s20  }
0x9e: {  	_ =	swait.ge [sflag:s22], s20  }
0x9f: {  	s4 =	ssub.s32 $0x0, s20;
	[sflag:s22] =	ssyncset.done $0x0  }
0xa0: {  	[sflag:s22] =	ssyncadd.s32 s4;
	_ =	sdelay $0x1  }
0xa1: {  	s23 =	simm.s32 $0x1B8B  }
0xa2: {  	_ =	swait.ge [sflag:s23], $0x1  }
0xa3: {  	[sflag:s23] =	ssyncset.done $0x0  }
0xa4: {  	s25 =	simm.s32 $0x1B8E;
	s24 =	sld [smem:$0x3FFE];
	[sflag:s23] =	ssyncadd.s32 $0xFFFFFFFF  }
0xa5: {  	s26 =	simm.s32 $execute0_lowered;
	[smem:$0x3FD2] =	sst s25  }
0xa6: {  	s5 =	sshll.u32 s26, $0x1;
	_ =	strace $0x8000004F;
	[dreg:$0x1] =	wrdreg $0xFFFFFFFF  }
0xa7: {  	s28 =	simm.s32 $_size_execute0_lowered;
	s3 =	sadd.s32 s3, s5;
	[dreg:$0x0] =	wrdreg $0x0  }
0xa8: {  	s5 =	sshll.u32 s28, $0x1;
	[dreg:$0x2] =	wrdreg s3  }
0xa9: {  	[dreg:$0x3] =	wrdreg s5  }
0xaa: {  	[dreg:$0x4] =	wrdreg $0xC0  }
0xab: {  	_ =	task [dreg:s7], $0x5FFFF  }
0xac: {  	[dreg:$0x1] =	wrdreg $0xFFFFFFFF  }
0xad: {  	[dreg:$0x0] =	wrdreg $0x60  }
0xae: {  	[dreg:$0x2] =	wrdreg s2  }
0xaf: {  	[dreg:$0x3] =	wrdreg s24  }
0xb0: {  	[dreg:$0x4] =	wrdreg $0xA8000  }
0xb1: {  	[dreg:$0x5] =	wrdreg $0x9  }
0xb2: {  	_ =	task.clear_ibuf [dreg:s7], $0x6FFFF;
	_ =	strace $0x9000004F  }
0xb3: {  	s29 =	simm.s32 $0x9;
	_ =	strace $0x80000051  }
0xb4: {  	_ =	swait.ge [sflag:s29], $0x1  }
0xb5: {  	[sflag:s29] =	ssyncadd.s32 $0xFFFFFFFF  }
0xb6: {  	_ =	strace $0x90000051  }
0xb7: {  	_ =	sfence  }
0xb8: {  	s30 =	sld [smem:$0x0];
	_ =	sdelay $0x2  }
0xb9: {  	s31 =	sshll.u32 s1, $0xD;
	s1 =	sshrl.u32 s1, $0x2  }
0xba: {  	s3 =	sand.u32 $0x4000, s31;
	s1 =	sadd.s32 s1, s30  }
0xbb: {  	s0 =	sor.u32 s3, s0;
	s1 =	sshll.u32 s1, $0x11  }
0xbc: {  	s0 =	sor.u32 s1, s0  }
0xbd: {  	s0 =	sadd.s32 $0x8F2B, s0  }
0xbe: {  	[sflag:s0] =	ssyncadd.remote.s32 $0x1  }
0xbf: {  	_ =	sfence.sel $0xFFFF  }
0xc0: {  	[dreg:$0x0] =	wrdreg $0xFFFFFFFF;
	(pc) =	sbr.abs _section_cstart, $3  }
0xc1: {  	[dreg:$0x1] =	wrdreg $0xFFFFFFFF  }
0xc2: {  	_ =	task.clear_ibuf [dreg:s7], $0x2FFFF;
	_ =	strace $0x9FFFFFFF  }
0xc3: {  	(tm) =	ssettm $0x7FFFFFFF  }
tec
execute0_lowered:
.L_overlay_start_1:
0x0: {  	(tag) =	ssettag $0x1  }
0x1: {  	s1 =	rddreg [dreg:$0x0]  }
0x2: {  	s0 =	rddreg [dreg:$0x1]  }
0x3: {  	s3 =	rddreg [dreg:$0x2];
	s4 =	simm.s32 $0x0  }
0x4: {  	s10 =	stileid.u32;
	s2 =	srdreg.scid;
	s28 =	simm.s32 $0x3  }
0x5: {  	s29 =	simm.s32 $0x100;
	s30 =	simm.s32 $0x4;
	s31 =	simm.s32 $0x0  }
0x6: {  	[smem:$0x7FF] =	sst s4;
	s6 =	smul.u32 $0x14000, s10;
	s2 =	sand.u32 $0x1, s2  }
0x7: {  	s5 =	sadd.s32 $0x19600, s0;
	s16 =	sadd.s32 $0xF600, s0;
	s20 =	smul.u32 $0x50000, s10  }
0x8: {  	s17 =	sadd.s32 $0x5600, s0;
	s22 =	sshll.u32 s10, $0x6;
	s19 =	smul.u32 $0xA00, s10  }
0x9: {  	_ =	strace $0x80000050;
	s7 =	smul.u32 $0x140000, s2;
	s9 =	ssub.s32 $0x2, s2  }
0xa: {  	p0 =	seq.s32 s2, $0x1;
	s8 =	sshrl.u32 s6, $0x3;
	s21 =	sshrl.u32 s9, $0x1  }
0xb: {  	s23 =	sadd.s32 s16, s19;
	s11 =	sadd.s32 s17, s19;
	s24 =	sadd.s32 $0x500, s19  }
0xc: {  	s25 =	sadd.s32 $0x280, s19;
	s26 =	sadd.s32 $0x780, s19;
	s19 =	simm.s32 $0x5  }
0xd: {  	s6 =	sadd.s32 s6, s7;
	s8 =	sadd.s32 s8, s0;
	s7 =	sshrl.u32 s20, $0x2  }
0xe: {  	s9 =	ssub.s32 s9, s21;
	[dreg:$0x4] =	wrdreg s23;
	s12 =	sadd.s32 s16, s24  }
0xf: {  	s13 =	sadd.s32 s17, s24;
	s14 =	sadd.s32 s16, s25;
	s15 =	sadd.s32 s17, s25  }
0x10: {  	s16 =	sadd.s32 s16, s26;
	s17 =	sadd.s32 s17, s26;
	s20 =	simm.s32 $0x1400  }
.Ltmp0:
0x11: {  	s21 =	simm.s32 $0x80;
	s23 =	simm.s32 $0x1;
	(pc) =	sbr.rel .LBB2_1-.Ltmp0, $4  }
0x12: {  	s24 =	simm.s32 $0x6800;
	s25 =	simm.s32 $0x2;
	s26 =	simm.s32 $0x1480  }
0x13: {  	s6 =	sshrl.u32 s6, $0x3;
	s18 =	sadd.s32 s7, s3;
	s7 =	sor.u32 $0x1C05, s22  }
0x14: {  	s9 =	smax.u32 s9, $0x1;
	s22 =	simm.s32 $0x2800;
	s0 =	sadd.s32 s6, s0  }
0x15: {  	s6 =	sadd.s32 $0x67A00, s8;
	s18 =	sshrl.u32 s18, $0x3;
	s8 =	sadd.s32 $0x8FA00, s0  }
.LBB2_15:
0x16: {  	_ =	swait.ge [sflag:s30], $0x4000  }
0x17: {  	[sflag:s30] =	ssyncset.done $0x0  }
0x18: {  	[sflag:s30] =	ssyncadd.s32 $0xFFFFC000  }
.LBB2_16:
0x19: {  	s31 =	sadd.s32 $0x1, s31  }
0x1a: {  	p1 =	sne.s32 s31, s9  }
.Ltmp1:
0x1b: {  	[bflag:$0x0] =	sbarrier.arrive $0xFFFF;
	(pc) =	sbr.rel @!p1 .LBB2_17-.Ltmp1, $4  }
0x1c: {  	[hbm:s8], [sflag:s7] =	dma.local [spmem:s18], $0x2800  }
0x1d: {  	_ =	swait.ge [sflag:s19], $0x2800  }
0x1e: {  	[sflag:s19] =	ssyncset.done $0x0  }
0x1f: {  	[sflag:s19] =	ssyncadd.s32 $0xFFFFD800  }
.LBB2_1:
0x20: {  	[spmem:s18], [sflag:s7] =	dma.local [hbm:s6], $0x2800  }
.Ltmp2:
0x21: {  	_ =	swait.ge [sflag:s19], $0x2800;
	(pc) =	sbr.rel @!p0 .LBB2_2-.Ltmp2, $3  }
0x22: {  	[sflag:s19] =	ssyncset.done $0x0  }
0x23: {  	[sflag:s19] =	ssyncadd.s32 $0xFFFFD800  }
0x24: {  	[bflag:$0x0] =	sbarrier.arrive $0xFFFF;
	_ =	sdelay $0x1  }
0x25: {  	[tilespmem:s4], [sflag:$0x5] =	stream.linear.gather [hbm4b:s14+s4], $0x1400, $0x38;
	[tilespmem:$0x1E800] =	vst v63  }
0x26: {  	_ =	swait.ge [sflag:s19], $0x1400  }
0x27: {  	[sflag:s19] =	ssyncset.done $0x0  }
0x28: {  	[sflag:s19] =	ssyncadd.s32 $0xFFFFEC00  }
0x29: {  	[tilespmem:s20], [sflag:$0x5] =	stream.linear.gather [hbm4b:s15+s4], $0x1400, $0x38;
	[tilespmem:$0x1E800] =	vst v63  }
0x2a: {  	_ =	swait.ge [sflag:s19], $0x1400  }
0x2b: {  	[sflag:s19] =	ssyncset.done $0x0  }
0x2c: {  	[sflag:s19] =	ssyncadd.s32 $0xFFFFEC00  }
0x2d: {  	[tilespmem:s22], [sflag:$0x1] =	stream.indirect.gather [hbm4b:s5+s21], $0x80, s4, s21, $0xb8;
	[tilespmem:$0x1E800] =	vst v63  }
0x2e: {  	_ =	swait.ge [sflag:s23], $0x4000  }
0x2f: {  	[sflag:s23] =	ssyncset.done $0x0  }
0x30: {  	[sflag:s23] =	ssyncadd.s32 $0xFFFFC000  }
0x31: {  	[spmem:s3] =	stream.indirect.scatter.add.f32 [tilespmem:s22], [sflag:$0x3], $0x80, s20, s21, $0xb8;
	[tilespmem:$0x1E800] =	vst v63  }
0x32: {  	_ = 	snop  }
0x33: {  	[tilespmem:s24], [sflag:$0x2] =	stream.indirect.gather [hbm4b:s5+s21], $0x80, s21, s21, $0xb8;
	[tilespmem:$0x1E800] =	vst v63  }
0x34: {  	_ =	swait.ge [sflag:s25], $0x4000  }
0x35: {  	[sflag:s25] =	ssyncset.done $0x0  }
0x36: {  	[sflag:s25] =	ssyncadd.s32 $0xFFFFC000  }
0x37: {  	[spmem:s3] =	stream.indirect.scatter.add.f32 [tilespmem:s24], [sflag:$0x4], $0x80, s26, s21, $0xb8;
	[tilespmem:$0x1E800] =	vst v63  }
0x38: {  	_ =	swait.ge [sflag:s28], $0x4000  }
0x39: {  	[sflag:s28] =	ssyncset.done $0x0  }
0x3a: {  	s0 =	simm.s32 $0xFFFFB800;
	[sflag:s28] =	ssyncadd.s32 $0xFFFFC000  }
0x3b: {  	[tilespmem:s22], [sflag:$0x1] =	stream.indirect.gather [hbm4b:s5+s21], $0x80, s29, s21, $0xb8;
	[tilespmem:$0x1E800] =	vst v63  }
.LBB2_10:
0x3c: {  	_ =	swait.ge [sflag:s23], $0x4000  }
0x3d: {  	s2 =	sshra.s32 s0, $0x2;
	[sflag:s23] =	ssyncset.done $0x0  }
0x3e: {  	s10 =	sadd.s32 $0x2700, s2;
	[sflag:s23] =	ssyncadd.s32 $0xFFFFC000  }
0x3f: {  	[spmem:s3] =	stream.indirect.scatter.add.f32 [tilespmem:s22], [sflag:$0x3], $0x80, s10, s21, $0xb8;
	[tilespmem:$0x1E800] =	vst v63  }
0x40: {  	_ =	swait.ge [sflag:s30], $0x4000  }
0x41: {  	[sflag:s30] =	ssyncset.done $0x0  }
0x42: {  	s10 =	sadd.s32 $0x1380, s2;
	[sflag:s30] =	ssyncadd.s32 $0xFFFFC000  }
0x43: {  	[tilespmem:s24], [sflag:$0x2] =	stream.indirect.gather [hbm4b:s5+s21], $0x80, s10, s21, $0xb8;
	[tilespmem:$0x1E800] =	vst v63  }
0x44: {  	_ =	swait.ge [sflag:s25], $0x4000  }
0x45: {  	p1 =	seq.s32 s0, $0x0;
	[sflag:s25] =	ssyncset.done $0x0  }
.Ltmp3:
0x46: {  	s10 =	sadd.s32 $0x2780, s2;
	[sflag:s25] =	ssyncadd.s32 $0xFFFFC000;
	(pc) =	sbr.rel @p1 .LBB2_12-.Ltmp3, $4  }
0x47: {  	[spmem:s3] =	stream.indirect.scatter.add.f32 [tilespmem:s24], [sflag:$0x4], $0x80, s10, s21, $0xb8;
	[tilespmem:$0x1E800] =	vst v63  }
0x48: {  	_ =	swait.ge [sflag:s28], $0x4000  }
0x49: {  	[sflag:s28] =	ssyncset.done $0x0  }
0x4a: {  	[sflag:s28] =	ssyncadd.s32 $0xFFFFC000  }
.Ltmp4:
0x4b: {  	(pc) =	sbr.rel .LBB2_10-.Ltmp4, $3  }
0x4c: {  	_ =	sdelay $0x1  }
0x4d: {  	s2 =	sadd.s32 $0x1400, s2;
	s0 =	sadd.s32 $0x400, s0  }
0x4e: {  	[tilespmem:s22], [sflag:$0x1] =	stream.indirect.gather [hbm4b:s5+s21], $0x80, s2, s21, $0xb8;
	[tilespmem:$0x1E800] =	vst v63  }
.LBB2_2:
0x4f: {  	s0 =	rddreg [dreg:$0x4]  }
0x50: {  	[tilespmem:s4], [sflag:$0x5] =	stream.linear.gather [hbm4b:s0+s4], $0x1400, $0x38;
	[tilespmem:$0x1E800] =	vst v63  }
0x51: {  	_ =	swait.ge [sflag:s19], $0x1400  }
0x52: {  	[sflag:s19] =	ssyncset.done $0x0  }
0x53: {  	[sflag:s19] =	ssyncadd.s32 $0xFFFFEC00  }
0x54: {  	[tilespmem:s20], [sflag:$0x5] =	stream.linear.gather [hbm4b:s11+s4], $0x1400, $0x38;
	[tilespmem:$0x1E800] =	vst v63  }
0x55: {  	_ =	swait.ge [sflag:s19], $0x1400  }
0x56: {  	[sflag:s19] =	ssyncset.done $0x0  }
0x57: {  	[sflag:s19] =	ssyncadd.s32 $0xFFFFEC00  }
0x58: {  	[tilespmem:s22], [sflag:$0x1] =	stream.indirect.gather [hbm4b:s1+s21], $0x80, s4, s21, $0xb8;
	[tilespmem:$0x1E800] =	vst v63  }
0x59: {  	_ =	swait.ge [sflag:s23], $0x4000  }
0x5a: {  	[sflag:s23] =	ssyncset.done $0x0  }
0x5b: {  	[sflag:s23] =	ssyncadd.s32 $0xFFFFC000  }
0x5c: {  	[spmem:s3] =	stream.indirect.scatter.add.f32 [tilespmem:s22], [sflag:$0x3], $0x80, s20, s21, $0xb8;
	[tilespmem:$0x1E800] =	vst v63  }
0x5d: {  	_ = 	snop  }
0x5e: {  	[tilespmem:s24], [sflag:$0x2] =	stream.indirect.gather [hbm4b:s1+s21], $0x80, s21, s21, $0xb8;
	[tilespmem:$0x1E800] =	vst v63  }
0x5f: {  	_ =	swait.ge [sflag:s25], $0x4000  }
0x60: {  	[sflag:s25] =	ssyncset.done $0x0  }
0x61: {  	[sflag:s25] =	ssyncadd.s32 $0xFFFFC000  }
0x62: {  	[spmem:s3] =	stream.indirect.scatter.add.f32 [tilespmem:s24], [sflag:$0x4], $0x80, s26, s21, $0xb8;
	[tilespmem:$0x1E800] =	vst v63  }
0x63: {  	_ =	swait.ge [sflag:s28], $0x4000  }
0x64: {  	[sflag:s28] =	ssyncset.done $0x0  }
0x65: {  	s0 =	simm.s32 $0xFFFFB800;
	[sflag:s28] =	ssyncadd.s32 $0xFFFFC000  }
0x66: {  	[tilespmem:s22], [sflag:$0x1] =	stream.indirect.gather [hbm4b:s1+s21], $0x80, s29, s21, $0xb8;
	[tilespmem:$0x1E800] =	vst v63  }
.LBB2_3:
0x67: {  	_ =	swait.ge [sflag:s23], $0x4000  }
0x68: {  	s2 =	sshra.s32 s0, $0x2;
	[sflag:s23] =	ssyncset.done $0x0  }
0x69: {  	s10 =	sadd.s32 $0x2700, s2;
	[sflag:s23] =	ssyncadd.s32 $0xFFFFC000  }
0x6a: {  	[spmem:s3] =	stream.indirect.scatter.add.f32 [tilespmem:s22], [sflag:$0x3], $0x80, s10, s21, $0xb8;
	[tilespmem:$0x1E800] =	vst v63  }
0x6b: {  	_ =	swait.ge [sflag:s30], $0x4000  }
0x6c: {  	[sflag:s30] =	ssyncset.done $0x0  }
0x6d: {  	s10 =	sadd.s32 $0x1380, s2;
	[sflag:s30] =	ssyncadd.s32 $0xFFFFC000  }
0x6e: {  	[tilespmem:s24], [sflag:$0x2] =	stream.indirect.gather [hbm4b:s1+s21], $0x80, s10, s21, $0xb8;
	[tilespmem:$0x1E800] =	vst v63  }
0x6f: {  	_ =	swait.ge [sflag:s25], $0x4000  }
0x70: {  	p1 =	seq.s32 s0, $0x0;
	[sflag:s25] =	ssyncset.done $0x0  }
.Ltmp5:
0x71: {  	s10 =	sadd.s32 $0x2780, s2;
	[sflag:s25] =	ssyncadd.s32 $0xFFFFC000;
	(pc) =	sbr.rel @p1 .LBB2_5-.Ltmp5, $4  }
0x72: {  	[spmem:s3] =	stream.indirect.scatter.add.f32 [tilespmem:s24], [sflag:$0x4], $0x80, s10, s21, $0xb8;
	[tilespmem:$0x1E800] =	vst v63  }
0x73: {  	_ =	swait.ge [sflag:s28], $0x4000  }
0x74: {  	[sflag:s28] =	ssyncset.done $0x0  }
0x75: {  	[sflag:s28] =	ssyncadd.s32 $0xFFFFC000  }
.Ltmp6:
0x76: {  	(pc) =	sbr.rel .LBB2_3-.Ltmp6, $3  }
0x77: {  	_ =	sdelay $0x1  }
0x78: {  	s2 =	sadd.s32 $0x1400, s2;
	s0 =	sadd.s32 $0x400, s0  }
0x79: {  	[tilespmem:s22], [sflag:$0x1] =	stream.indirect.gather [hbm4b:s1+s21], $0x80, s2, s21, $0xb8;
	[tilespmem:$0x1E800] =	vst v63  }
.LBB2_12:
0x7a: {  	_ =	swait.ge [sflag:s30], $0x4000  }
0x7b: {  	[sflag:s30] =	ssyncset.done $0x0  }
0x7c: {  	[sflag:s30] =	ssyncadd.s32 $0xFFFFC000  }
0x7d: {  	[tilespmem:s4], [sflag:$0x5] =	stream.linear.gather [hbm4b:s16+s4], $0x1400, $0x38;
	[tilespmem:$0x1E800] =	vst v63  }
0x7e: {  	_ =	swait.ge [sflag:s19], $0x1400  }
0x7f: {  	[sflag:s19] =	ssyncset.done $0x0  }
0x80: {  	[sflag:s19] =	ssyncadd.s32 $0xFFFFEC00  }
0x81: {  	[tilespmem:s20], [sflag:$0x5] =	stream.linear.gather [hbm4b:s17+s4], $0x1400, $0x38;
	[tilespmem:$0x1E800] =	vst v63  }
0x82: {  	_ =	swait.ge [sflag:s19], $0x1400  }
0x83: {  	[sflag:s19] =	ssyncset.done $0x0  }
0x84: {  	[sflag:s19] =	ssyncadd.s32 $0xFFFFEC00  }
0x85: {  	[tilespmem:s22], [sflag:$0x1] =	stream.indirect.gather [hbm4b:s5+s21], $0x80, s4, s21, $0xb8;
	[tilespmem:$0x1E800] =	vst v63  }
0x86: {  	_ =	swait.ge [sflag:s23], $0x4000  }
0x87: {  	[sflag:s23] =	ssyncset.done $0x0  }
0x88: {  	[sflag:s23] =	ssyncadd.s32 $0xFFFFC000  }
0x89: {  	[spmem:s3] =	stream.indirect.scatter.add.f32 [tilespmem:s22], [sflag:$0x3], $0x80, s20, s21, $0xb8;
	[tilespmem:$0x1E800] =	vst v63  }
0x8a: {  	_ = 	snop  }
0x8b: {  	[tilespmem:s24], [sflag:$0x2] =	stream.indirect.gather [hbm4b:s5+s21], $0x80, s21, s21, $0xb8;
	[tilespmem:$0x1E800] =	vst v63  }
0x8c: {  	_ =	swait.ge [sflag:s25], $0x4000  }
0x8d: {  	[sflag:s25] =	ssyncset.done $0x0  }
0x8e: {  	[sflag:s25] =	ssyncadd.s32 $0xFFFFC000  }
0x8f: {  	[spmem:s3] =	stream.indirect.scatter.add.f32 [tilespmem:s24], [sflag:$0x4], $0x80, s26, s21, $0xb8;
	[tilespmem:$0x1E800] =	vst v63  }
0x90: {  	_ =	swait.ge [sflag:s28], $0x4000  }
0x91: {  	[sflag:s28] =	ssyncset.done $0x0  }
0x92: {  	s0 =	simm.s32 $0xFFFFB800;
	[sflag:s28] =	ssyncadd.s32 $0xFFFFC000  }
0x93: {  	[tilespmem:s22], [sflag:$0x1] =	stream.indirect.gather [hbm4b:s5+s21], $0x80, s29, s21, $0xb8;
	[tilespmem:$0x1E800] =	vst v63  }
.LBB2_13:
0x94: {  	_ =	swait.ge [sflag:s23], $0x4000  }
0x95: {  	s2 =	sshra.s32 s0, $0x2;
	[sflag:s23] =	ssyncset.done $0x0  }
0x96: {  	s10 =	sadd.s32 $0x2700, s2;
	[sflag:s23] =	ssyncadd.s32 $0xFFFFC000  }
0x97: {  	[spmem:s3] =	stream.indirect.scatter.add.f32 [tilespmem:s22], [sflag:$0x3], $0x80, s10, s21, $0xb8;
	[tilespmem:$0x1E800] =	vst v63  }
0x98: {  	_ =	swait.ge [sflag:s30], $0x4000  }
0x99: {  	[sflag:s30] =	ssyncset.done $0x0  }
0x9a: {  	s10 =	sadd.s32 $0x1380, s2;
	[sflag:s30] =	ssyncadd.s32 $0xFFFFC000  }
0x9b: {  	[tilespmem:s24], [sflag:$0x2] =	stream.indirect.gather [hbm4b:s5+s21], $0x80, s10, s21, $0xb8;
	[tilespmem:$0x1E800] =	vst v63  }
0x9c: {  	_ =	swait.ge [sflag:s25], $0x4000  }
0x9d: {  	p1 =	seq.s32 s0, $0x0;
	[sflag:s25] =	ssyncset.done $0x0  }
.Ltmp7:
0x9e: {  	s10 =	sadd.s32 $0x2780, s2;
	[sflag:s25] =	ssyncadd.s32 $0xFFFFC000;
	(pc) =	sbr.rel @p1 .LBB2_15-.Ltmp7, $4  }
0x9f: {  	[spmem:s3] =	stream.indirect.scatter.add.f32 [tilespmem:s24], [sflag:$0x4], $0x80, s10, s21, $0xb8;
	[tilespmem:$0x1E800] =	vst v63  }
0xa0: {  	_ =	swait.ge [sflag:s28], $0x4000  }
0xa1: {  	[sflag:s28] =	ssyncset.done $0x0  }
0xa2: {  	[sflag:s28] =	ssyncadd.s32 $0xFFFFC000  }
.Ltmp8:
0xa3: {  	(pc) =	sbr.rel .LBB2_13-.Ltmp8, $3  }
0xa4: {  	_ =	sdelay $0x1  }
0xa5: {  	s2 =	sadd.s32 $0x1400, s2;
	s0 =	sadd.s32 $0x400, s0  }
0xa6: {  	[tilespmem:s22], [sflag:$0x1] =	stream.indirect.gather [hbm4b:s5+s21], $0x80, s2, s21, $0xb8;
	[tilespmem:$0x1E800] =	vst v63  }
.LBB2_5:
0xa7: {  	_ =	swait.ge [sflag:s30], $0x4000  }
0xa8: {  	[sflag:s30] =	ssyncset.done $0x0  }
0xa9: {  	[sflag:s30] =	ssyncadd.s32 $0xFFFFC000  }
0xaa: {  	[tilespmem:s4], [sflag:$0x5] =	stream.linear.gather [hbm4b:s12+s4], $0x1400, $0x38;
	[tilespmem:$0x1E800] =	vst v63  }
0xab: {  	_ =	swait.ge [sflag:s19], $0x1400  }
0xac: {  	[sflag:s19] =	ssyncset.done $0x0  }
0xad: {  	[sflag:s19] =	ssyncadd.s32 $0xFFFFEC00  }
0xae: {  	[tilespmem:s20], [sflag:$0x5] =	stream.linear.gather [hbm4b:s13+s4], $0x1400, $0x38;
	[tilespmem:$0x1E800] =	vst v63  }
0xaf: {  	_ =	swait.ge [sflag:s19], $0x1400  }
0xb0: {  	[sflag:s19] =	ssyncset.done $0x0  }
0xb1: {  	[sflag:s19] =	ssyncadd.s32 $0xFFFFEC00  }
0xb2: {  	[tilespmem:s22], [sflag:$0x1] =	stream.indirect.gather [hbm4b:s1+s21], $0x80, s4, s21, $0xb8;
	[tilespmem:$0x1E800] =	vst v63  }
0xb3: {  	_ =	swait.ge [sflag:s23], $0x4000  }
0xb4: {  	[sflag:s23] =	ssyncset.done $0x0  }
0xb5: {  	[sflag:s23] =	ssyncadd.s32 $0xFFFFC000  }
0xb6: {  	[spmem:s3] =	stream.indirect.scatter.add.f32 [tilespmem:s22], [sflag:$0x3], $0x80, s20, s21, $0xb8;
	[tilespmem:$0x1E800] =	vst v63  }
0xb7: {  	_ = 	snop  }
0xb8: {  	[tilespmem:s24], [sflag:$0x2] =	stream.indirect.gather [hbm4b:s1+s21], $0x80, s21, s21, $0xb8;
	[tilespmem:$0x1E800] =	vst v63  }
0xb9: {  	_ =	swait.ge [sflag:s25], $0x4000  }
0xba: {  	[sflag:s25] =	ssyncset.done $0x0  }
0xbb: {  	[sflag:s25] =	ssyncadd.s32 $0xFFFFC000  }
0xbc: {  	[spmem:s3] =	stream.indirect.scatter.add.f32 [tilespmem:s24], [sflag:$0x4], $0x80, s26, s21, $0xb8;
	[tilespmem:$0x1E800] =	vst v63  }
0xbd: {  	_ =	swait.ge [sflag:s28], $0x4000  }
0xbe: {  	[sflag:s28] =	ssyncset.done $0x0  }
0xbf: {  	s0 =	simm.s32 $0xFFFFB800;
	[sflag:s28] =	ssyncadd.s32 $0xFFFFC000  }
0xc0: {  	[tilespmem:s22], [sflag:$0x1] =	stream.indirect.gather [hbm4b:s1+s21], $0x80, s29, s21, $0xb8;
	[tilespmem:$0x1E800] =	vst v63  }
.LBB2_6:
0xc1: {  	_ =	swait.ge [sflag:s23], $0x4000  }
0xc2: {  	s2 =	sshra.s32 s0, $0x2;
	[sflag:s23] =	ssyncset.done $0x0  }
0xc3: {  	s10 =	sadd.s32 $0x2700, s2;
	[sflag:s23] =	ssyncadd.s32 $0xFFFFC000  }
0xc4: {  	[spmem:s3] =	stream.indirect.scatter.add.f32 [tilespmem:s22], [sflag:$0x3], $0x80, s10, s21, $0xb8;
	[tilespmem:$0x1E800] =	vst v63  }
0xc5: {  	_ =	swait.ge [sflag:s30], $0x4000  }
0xc6: {  	[sflag:s30] =	ssyncset.done $0x0  }
0xc7: {  	s10 =	sadd.s32 $0x1380, s2;
	[sflag:s30] =	ssyncadd.s32 $0xFFFFC000  }
0xc8: {  	[tilespmem:s24], [sflag:$0x2] =	stream.indirect.gather [hbm4b:s1+s21], $0x80, s10, s21, $0xb8;
	[tilespmem:$0x1E800] =	vst v63  }
0xc9: {  	_ =	swait.ge [sflag:s25], $0x4000  }
0xca: {  	p1 =	seq.s32 s0, $0x0;
	[sflag:s25] =	ssyncset.done $0x0  }
.Ltmp9:
0xcb: {  	s10 =	sadd.s32 $0x2780, s2;
	[sflag:s25] =	ssyncadd.s32 $0xFFFFC000;
	(pc) =	sbr.rel @p1 .LBB2_8-.Ltmp9, $4  }
0xcc: {  	[spmem:s3] =	stream.indirect.scatter.add.f32 [tilespmem:s24], [sflag:$0x4], $0x80, s10, s21, $0xb8;
	[tilespmem:$0x1E800] =	vst v63  }
0xcd: {  	_ =	swait.ge [sflag:s28], $0x4000  }
0xce: {  	[sflag:s28] =	ssyncset.done $0x0  }
0xcf: {  	[sflag:s28] =	ssyncadd.s32 $0xFFFFC000  }
.Ltmp10:
0xd0: {  	(pc) =	sbr.rel .LBB2_6-.Ltmp10, $3  }
0xd1: {  	_ =	sdelay $0x1  }
0xd2: {  	s2 =	sadd.s32 $0x1400, s2;
	s0 =	sadd.s32 $0x400, s0  }
0xd3: {  	[tilespmem:s22], [sflag:$0x1] =	stream.indirect.gather [hbm4b:s1+s21], $0x80, s2, s21, $0xb8;
	[tilespmem:$0x1E800] =	vst v63  }
.LBB2_8:
.Ltmp11:
0xd4: {  	(pc) =	sbr.rel .LBB2_16-.Ltmp11, $4  }
0xd5: {  	_ = 	snop  }
0xd6: {  	_ =	swait.ge [sflag:s30], $0x4000  }
0xd7: {  	[sflag:s30] =	ssyncset.done $0x0  }
0xd8: {  	[sflag:s30] =	ssyncadd.s32 $0xFFFFC000  }
.LBB2_17:
0xd9: {  	_ =	sfence.sel $0x180000  }
0xda: {  	[bflag:$0x0] =	sbarrier.arrive $0xFFFF  }
0xdb: {  	_ =	strace $0x90000050  }
0xdc: {  	s0 =	stileid.u32;
	[bflag:$0x2] =	sbarrier.arrive $0xFFFF  }
0xdd: {  	p0 =	sne.s32 s0, $0x0;
	s0 =	rddreg [dreg:$0x3]  }
0xde: {  	s0 =	sadd.s32 @!p0 $0x100000, s0  }
0xdf: {  	[sflag:s0] =	ssyncadd.tile.s32 @!p0 $0x1;
	_ =	shalt  }
.Lfunc_end2:
_tile_overlayer_lowered:
.L_overlay_start_2:
0xe0: {  	(tag) =	ssettag $0x2  }
0xe1: {  	s0 =	rddreg [dreg:$0x0];
	s2 =	stileid.u32  }
0xe2: {  	s1 =	rddreg [dreg:$0x1];
	p0 =	sne.s32 s2, $0x0  }
0xe3: {  	s3 =	rddreg [dreg:$0x2];
	[bflag:$0x3] =	sbarrier.arrive $0xFFFF;
	s2 =	simm.s32 @!p0 $0x1C05  }
0xe4: {  	[timem:s3], [sflag:s2] =	dma.local @!p0 [hbm:s0], s1  }
0xe5: {  	s0 =	simm.s32 @!p0 $0x5  }
0xe6: {  	_ =	swait.ge @!p0 [sflag:s0], s1  }
0xe7: {  	s1 =	ssub.s32 @!p0 $0x0, s1;
	[sflag:s0] =	ssyncset.done @!p0 $0x0  }
0xe8: {  	[sflag:s0] =	ssyncadd.s32 @!p0 s1  }
0xe9: {  	[bflag:$0x3] =	sbarrier.arrive $0xFFFF  }
0xea: {  	_ =	shalt  }

</sc_bundles>
